<compile_context>
chip_gen: v7x
topology: tpu7x:2x2x1
jax: 0.10.2.dev20260603
libtpu: 0.0.44.dev20260713+nightly
codegen_flags: <defaults>
</compile_context>

<pallas_src>
import functools

import jax
import jax.numpy as jnp
from jax import lax
from jax.experimental import pallas as pl
from jax.experimental.pallas import tpu as pltpu
from jax.experimental.pallas import tpu_sc as plsc

_INFO = plsc.get_sparse_core_info()
_NC = _INFO.num_cores
_NS = _INFO.num_subcores
_NW = _NC * _NS

_CHUNK = 16
_NBUF = 6


@functools.lru_cache(maxsize=None)
def _make_gather(batch: int, seq: int, d_model: int):
    num_rows = batch * seq
    assert num_rows % _NW == 0
    b_per_w = num_rows // _NW
    assert seq % b_per_w == 0
    w_per_row = seq // b_per_w
    chunk = _CHUNK
    nbuf = _NBUF
    assert b_per_w % chunk == 0
    n_chunks = b_per_w // chunk

    mesh = plsc.VectorSubcoreMesh(core_axis_name="c", subcore_axis_name="s")

    @functools.partial(
        pl.kernel,
        mesh=mesh,
        out_type=jax.ShapeDtypeStruct((batch, seq, d_model), jnp.float32),
        scratch_types=(
            [pltpu.VMEM((b_per_w,), jnp.int32)]
            + [pltpu.VMEM((chunk, d_model), jnp.float32)] * nbuf
            + [pltpu.SemaphoreType.DMA] * (2 * nbuf)
        ),
    )
    def gather_kernel(idx_hbm, table_hbm, out_hbm, idx_v, *rest):
        bufs = rest[:nbuf]
        gsems = rest[nbuf:2 * nbuf]
        ssems = rest[2 * nbuf:]

        wid = lax.axis_index("s") * _NC + lax.axis_index("c")
        row = wid // w_per_row
        col = (wid % w_per_row) * b_per_w
        pltpu.sync_copy(idx_hbm.at[row, pl.ds(col, b_per_w)], idx_v)

        def start_gather(c):
            return pltpu.async_copy(
                table_hbm.at[idx_v.at[pl.ds(c * chunk, chunk)]],
                bufs[c % nbuf],
                gsems[c % nbuf],
            )

        def start_store(c):
            return pltpu.async_copy(
                bufs[c % nbuf],
                out_hbm.at[row, pl.ds(col + c * chunk, chunk)],
                ssems[c % nbuf],
            )

        gathers = [None] * n_chunks
        stores = [None] * n_chunks
        for c in range(min(nbuf - 1, n_chunks)):
            gathers[c] = start_gather(c)
        for c in range(n_chunks):
            if c + nbuf - 1 < n_chunks:
                if c >= 1:
                    stores[c - 1].wait()
                gathers[c + nbuf - 1] = start_gather(c + nbuf - 1)
            gathers[c].wait()
            stores[c] = start_store(c)
        for c in range(max(0, n_chunks - nbuf), n_chunks):
            stores[c].wait()

    return gather_kernel


def kernel(input_ids, table):
    batch, seq = input_ids.shape
    vocab, d_model = table.shape
    return _make_gather(batch, seq, d_model)(
        input_ids.astype(jnp.int32), table)

# --- scband reference (transcript-rebuilt; emitter-appended) ---
"""Pipeline reference for scband-mo-sc-net-language-encoder-36172214567268 (READ-ONLY COPY).

The authoritative reference and input builder live on the scoring server;
editing this copy changes nothing except your own understanding.
"""

import jax, jax.numpy as jnp
import numpy as np

VOCAB = 100000
D_MODEL = 1024
BATCH = 4
SEQ = 4096

def setup_inputs(seed: int = 0) -> dict:
    key = jax.random.key(seed)
    k_idx, k_tab = jax.random.split(key)
    input_ids = jax.random.randint(k_idx, (BATCH, SEQ), 0, VOCAB, dtype=jnp.int64 if jax.config.read('jax_enable_x64') else jnp.int32)
    table = jax.random.normal(k_tab, (VOCAB, D_MODEL), dtype=jnp.float32) * 0.02
    return {"input_ids": input_ids, "table": table}

def reference(input_ids, table):
    # nn.Embedding lookup: Z_L = embedding(input_ids) -> (B, T, d_model)
    return jnp.take(table, input_ids, axis=0)

if __name__ == "__main__":
    import jax
    _d = setup_inputs()
    print(jax.jit(kernel)(*tuple(_d.values())))

</pallas_src>

<mosaic_0001>
#map = affine_map<(d0, d1) -> (0, 0)>
#map1 = affine_map<(d0, d1) -> (0, 0, 0)>
module attributes {stable_mosaic.version = 14 : i64} {
  func.func @gather_kernel(%arg0: i32, %arg1: i32, %arg2: memref<4x4096xi32, #tpu.memory_space<hbm>>, %arg3: memref<100000x1024xf32, #tpu.memory_space<hbm>>, %arg4: memref<4x4096x1024xf32, #tpu.memory_space<hbm>>, %arg5: memref<512xi32, #tpu.memory_space<vmem>>, %arg6: memref<16x1024xf32, #tpu.memory_space<vmem>>, %arg7: memref<16x1024xf32, #tpu.memory_space<vmem>>, %arg8: memref<16x1024xf32, #tpu.memory_space<vmem>>, %arg9: memref<16x1024xf32, #tpu.memory_space<vmem>>, %arg10: memref<16x1024xf32, #tpu.memory_space<vmem>>, %arg11: memref<16x1024xf32, #tpu.memory_space<vmem>>, %arg12: memref<!tpu.dma_semaphore, #tpu.memory_space<semaphore_mem>>, %arg13: memref<!tpu.dma_semaphore, #tpu.memory_space<semaphore_mem>>, %arg14: memref<!tpu.dma_semaphore, #tpu.memory_space<semaphore_mem>>, %arg15: memref<!tpu.dma_semaphore, #tpu.memory_space<semaphore_mem>>, %arg16: memref<!tpu.dma_semaphore, #tpu.memory_space<semaphore_mem>>, %arg17: memref<!tpu.dma_semaphore, #tpu.memory_space<semaphore_mem>>, %arg18: memref<!tpu.dma_semaphore, #tpu.memory_space<semaphore_mem>>, %arg19: memref<!tpu.dma_semaphore, #tpu.memory_space<semaphore_mem>>, %arg20: memref<!tpu.dma_semaphore, #tpu.memory_space<semaphore_mem>>, %arg21: memref<!tpu.dma_semaphore, #tpu.memory_space<semaphore_mem>>, %arg22: memref<!tpu.dma_semaphore, #tpu.memory_space<semaphore_mem>>, %arg23: memref<!tpu.dma_semaphore, #tpu.memory_space<semaphore_mem>>) attributes {dimension_semantics = [#tpu.dimension_semantics<core_parallel>, #tpu.dimension_semantics<subcore_parallel>], iteration_bounds = array<i64: 2, 16>, scalar_prefetch = 0 : i64, scratch_operands = 19 : i64, tpu.core_type = #tpu.core_type<sc_vector_subcore>, window_params = [{transform_indices = #map}, {transform_indices = #map}, {transform_indices = #map1}]} {
    %mul3A = arith.constant 2 : i32
    %mul3A_0 = arith.muli %arg1, %mul3A : i32
    %add3A = arith.addi %mul3A_0, %arg0 : i32
    %jit3A = arith.constant 8 : i32
    %div3A = arith.divsi %add3A, %jit3A : i32
    %sign3A = arith.constant 0 : i32
    %sign3A_1 = arith.cmpi sgt, %add3A, %sign3A : i32
    %sign3A_2 = arith.extui %sign3A_1 : i1 to i32
    %sign3A_3 = arith.constant 0 : i32
    %sign3A_4 = arith.cmpi slt, %add3A, %sign3A_3 : i32
    %sign3A_5 = arith.extui %sign3A_4 : i1 to i32
    %sign3A_6 = arith.subi %sign3A_2, %sign3A_5 : i32
    %sign3A_7 = arith.constant 0 : i32
    %sign3A_8 = arith.cmpi sgt, %jit3A, %sign3A_7 : i32
    %sign3A_9 = arith.extui %sign3A_8 : i1 to i32
    %sign3A_10 = arith.constant 0 : i32
    %sign3A_11 = arith.cmpi slt, %jit3A, %sign3A_10 : i32
    %sign3A_12 = arith.extui %sign3A_11 : i1 to i32
    %sign3A_13 = arith.subi %sign3A_9, %sign3A_12 : i32
    %ne3A = arith.cmpi ne, %sign3A_6, %sign3A_13 : i32
    %rem3A = arith.remsi %add3A, %jit3A : i32
    %ne3A_14 = arith.constant 0 : i32
    %ne3A_15 = arith.cmpi ne, %rem3A, %ne3A_14 : i32
    %and3A = arith.andi %ne3A, %ne3A_15 : i1
    %sub3A = arith.constant 1 : i32
    %sub3A_16 = arith.subi %div3A, %sub3A : i32
    %select_n3A = arith.select %and3A, %sub3A_16, %div3A : i32
    %jit3A_17 = arith.constant 8 : i32
    %eq3A = arith.constant 0 : i32
    %eq3A_18 = arith.cmpi eq, %jit3A_17, %eq3A : i32
    %jit3A_19 = arith.constant 1 : i32
    %select_n3A_20 = arith.select %eq3A_18, %jit3A_19, %jit3A_17 : i32
    %rem3A_21 = arith.remsi %add3A, %select_n3A_20 : i32
    %ne3A_22 = arith.constant 0 : i32
    %ne3A_23 = arith.cmpi ne, %rem3A_21, %ne3A_22 : i32
    %lt3A = arith.constant 0 : i32
    %lt3A_24 = arith.cmpi slt, %rem3A_21, %lt3A : i32
    %lt3A_25 = arith.constant 0 : i32
    %lt3A_26 = arith.cmpi slt, %select_n3A_20, %lt3A_25 : i32
    %ne3A_27 = arith.xori %lt3A_24, %lt3A_26 : i1
    %and3A_28 = arith.andi %ne3A_27, %ne3A_23 : i1
    %add3A_29 = arith.addi %rem3A_21, %select_n3A_20 : i32
    %select_n3A_30 = arith.select %and3A_28, %add3A_29, %rem3A_21 : i32
    %mul3A_31 = arith.constant 512 : i32
    %mul3A_32 = arith.muli %select_n3A_30, %mul3A_31 : i32
    "tpu.region"() ({
      %run_scoped3A = tpu.sem_alloc : memref<!tpu.dma_semaphore, #tpu.memory_space<semaphore_mem>>
      %dma_start3A_799 = tpu.memref_slice %arg2[%select_n3A, %mul3A_32] : memref<4x4096xi32, #tpu.memory_space<hbm>> -> memref<1x512xi32, #tpu.memory_space<hbm>>
      %dma_start3A_800 = tpu.memref_squeeze %dma_start3A_799 : memref<1x512xi32, #tpu.memory_space<hbm>> -> memref<512xi32, #tpu.memory_space<hbm>>
      %dma_start3A_801 = tpu.memref_slice %arg2[%select_n3A, %mul3A_32] : memref<4x4096xi32, #tpu.memory_space<hbm>> -> memref<1x512xi32, #tpu.memory_space<hbm>>
      %dma_start3A_802 = tpu.memref_squeeze %dma_start3A_801 : memref<1x512xi32, #tpu.memory_space<hbm>> -> memref<512xi32, #tpu.memory_space<hbm>>
      tpu.enqueue_dma source(%dma_start3A_802 : memref<512xi32, #tpu.memory_space<hbm>>) target(%arg5 : memref<512xi32, #tpu.memory_space<vmem>>) target_semaphore(%run_scoped3A : memref<!tpu.dma_semaphore, #tpu.memory_space<semaphore_mem>>)
      %dma_wait3A_803 = tpu.memref_slice %arg2[%select_n3A, %mul3A_32] : memref<4x4096xi32, #tpu.memory_space<hbm>> -> memref<1x512xi32, #tpu.memory_space<hbm>>
      %dma_wait3A_804 = tpu.memref_squeeze %dma_wait3A_803 : memref<1x512xi32, #tpu.memory_space<hbm>> -> memref<512xi32, #tpu.memory_space<hbm>>
      %dma_wait3A_805 = tpu.memref_slice %arg2[%select_n3A, %mul3A_32] : memref<4x4096xi32, #tpu.memory_space<hbm>> -> memref<1x512xi32, #tpu.memory_space<hbm>>
      %dma_wait3A_806 = tpu.memref_squeeze %dma_wait3A_805 : memref<1x512xi32, #tpu.memory_space<hbm>> -> memref<512xi32, #tpu.memory_space<hbm>>
      tpu.wait_dma2 semaphore(%run_scoped3A : memref<!tpu.dma_semaphore, #tpu.memory_space<semaphore_mem>>) src(%dma_wait3A_806 : memref<512xi32, #tpu.memory_space<hbm>>) dst(%arg5 : memref<512xi32, #tpu.memory_space<vmem>>)
      tpu.yield
    }) : () -> ()
    %dma_start3A = arith.constant 0 : i32
    %dma_start3A_33 = tpu.memref_slice %arg5[%dma_start3A] : memref<512xi32, #tpu.memory_space<vmem>> -> memref<16xi32, #tpu.memory_space<vmem>>
    %dma_start3A_34 = arith.constant 0 : i32
    %dma_start3A_35 = arith.constant 0 : i32
    %dma_start3A_36 = tpu.memref_slice %arg3[%dma_start3A_34, %dma_start3A_35] : memref<100000x1024xf32, #tpu.memory_space<hbm>> -> memref<100000x1024xf32, #tpu.memory_space<hbm>>
    tpu.enqueue_indirect_dma source(%dma_start3A_36 : memref<100000x1024xf32, #tpu.memory_space<hbm>>) target(%arg6 : memref<16x1024xf32, #tpu.memory_space<vmem>>) offsets(%dma_start3A_33 : memref<16xi32, #tpu.memory_space<vmem>>) semaphore(%arg12 : memref<!tpu.dma_semaphore, #tpu.memory_space<semaphore_mem>>)
    %dma_start3A_37 = arith.constant 16 : i32
    %dma_start3A_38 = tpu.memref_slice %arg5[%dma_start3A_37] : memref<512xi32, #tpu.memory_space<vmem>> -> memref<16xi32, #tpu.memory_space<vmem>>
    %dma_start3A_39 = arith.constant 0 : i32
    %dma_start3A_40 = arith.constant 0 : i32
    %dma_start3A_41 = tpu.memref_slice %arg3[%dma_start3A_39, %dma_start3A_40] : memref<100000x1024xf32, #tpu.memory_space<hbm>> -> memref<100000x1024xf32, #tpu.memory_space<hbm>>
    tpu.enqueue_indirect_dma source(%dma_start3A_41 : memref<100000x1024xf32, #tpu.memory_space<hbm>>) target(%arg7 : memref<16x1024xf32, #tpu.memory_space<vmem>>) offsets(%dma_start3A_38 : memref<16xi32, #tpu.memory_space<vmem>>) semaphore(%arg13 : memref<!tpu.dma_semaphore, #tpu.memory_space<semaphore_mem>>)
    %dma_start3A_42 = arith.constant 32 : i32
    %dma_start3A_43 = tpu.memref_slice %arg5[%dma_start3A_42] : memref<512xi32, #tpu.memory_space<vmem>> -> memref<16xi32, #tpu.memory_space<vmem>>
    %dma_start3A_44 = arith.constant 0 : i32
    %dma_start3A_45 = arith.constant 0 : i32
    %dma_start3A_46 = tpu.memref_slice %arg3[%dma_start3A_44, %dma_start3A_45] : memref<100000x1024xf32, #tpu.memory_space<hbm>> -> memref<100000x1024xf32, #tpu.memory_space<hbm>>
    tpu.enqueue_indirect_dma source(%dma_start3A_46 : memref<100000x1024xf32, #tpu.memory_space<hbm>>) target(%arg8 : memref<16x1024xf32, #tpu.memory_space<vmem>>) offsets(%dma_start3A_43 : memref<16xi32, #tpu.memory_space<vmem>>) semaphore(%arg14 : memref<!tpu.dma_semaphore, #tpu.memory_space<semaphore_mem>>)
    %dma_start3A_47 = arith.constant 48 : i32
    %dma_start3A_48 = tpu.memref_slice %arg5[%dma_start3A_47] : memref<512xi32, #tpu.memory_space<vmem>> -> memref<16xi32, #tpu.memory_space<vmem>>
    %dma_start3A_49 = arith.constant 0 : i32
    %dma_start3A_50 = arith.constant 0 : i32
    %dma_start3A_51 = tpu.memref_slice %arg3[%dma_start3A_49, %dma_start3A_50] : memref<100000x1024xf32, #tpu.memory_space<hbm>> -> memref<100000x1024xf32, #tpu.memory_space<hbm>>
    tpu.enqueue_indirect_dma source(%dma_start3A_51 : memref<100000x1024xf32, #tpu.memory_space<hbm>>) target(%arg9 : memref<16x1024xf32, #tpu.memory_space<vmem>>) offsets(%dma_start3A_48 : memref<16xi32, #tpu.memory_space<vmem>>) semaphore(%arg15 : memref<!tpu.dma_semaphore, #tpu.memory_space<semaphore_mem>>)
    %dma_start3A_52 = arith.constant 64 : i32
    %dma_start3A_53 = tpu.memref_slice %arg5[%dma_start3A_52] : memref<512xi32, #tpu.memory_space<vmem>> -> memref<16xi32, #tpu.memory_space<vmem>>
    %dma_start3A_54 = arith.constant 0 : i32
    %dma_start3A_55 = arith.constant 0 : i32
    %dma_start3A_56 = tpu.memref_slice %arg3[%dma_start3A_54, %dma_start3A_55] : memref<100000x1024xf32, #tpu.memory_space<hbm>> -> memref<100000x1024xf32, #tpu.memory_space<hbm>>
    tpu.enqueue_indirect_dma source(%dma_start3A_56 : memref<100000x1024xf32, #tpu.memory_space<hbm>>) target(%arg10 : memref<16x1024xf32, #tpu.memory_space<vmem>>) offsets(%dma_start3A_53 : memref<16xi32, #tpu.memory_space<vmem>>) semaphore(%arg16 : memref<!tpu.dma_semaphore, #tpu.memory_space<semaphore_mem>>)
    %dma_start3A_57 = arith.constant 80 : i32
    %dma_start3A_58 = tpu.memref_slice %arg5[%dma_start3A_57] : memref<512xi32, #tpu.memory_space<vmem>> -> memref<16xi32, #tpu.memory_space<vmem>>
    %dma_start3A_59 = arith.constant 0 : i32
    %dma_start3A_60 = arith.constant 0 : i32
    %dma_start3A_61 = tpu.memref_slice %arg3[%dma_start3A_59, %dma_start3A_60] : memref<100000x1024xf32, #tpu.memory_space<hbm>> -> memref<100000x1024xf32, #tpu.memory_space<hbm>>
    tpu.enqueue_indirect_dma source(%dma_start3A_61 : memref<100000x1024xf32, #tpu.memory_space<hbm>>) target(%arg11 : memref<16x1024xf32, #tpu.memory_space<vmem>>) offsets(%dma_start3A_58 : memref<16xi32, #tpu.memory_space<vmem>>) semaphore(%arg17 : memref<!tpu.dma_semaphore, #tpu.memory_space<semaphore_mem>>)
    %dma_wait3A = arith.constant 0 : i32
    %dma_wait3A_62 = tpu.memref_slice %arg5[%dma_wait3A] : memref<512xi32, #tpu.memory_space<vmem>> -> memref<16xi32, #tpu.memory_space<vmem>>
    %dma_wait3A_63 = arith.constant 0 : i32
    %dma_wait3A_64 = arith.constant 0 : i32
    %dma_wait3A_65 = tpu.memref_slice %arg3[%dma_wait3A_63, %dma_wait3A_64] : memref<100000x1024xf32, #tpu.memory_space<hbm>> -> memref<100000x1024xf32, #tpu.memory_space<hbm>>
    tpu.wait_indirect_dma semaphore(%arg12 : memref<!tpu.dma_semaphore, #tpu.memory_space<semaphore_mem>>) src(%dma_wait3A_65 : memref<100000x1024xf32, #tpu.memory_space<hbm>>) dst(%arg6 : memref<16x1024xf32, #tpu.memory_space<vmem>>)
    %add3A_66 = arith.constant 0 : i32
    %add3A_67 = arith.addi %mul3A_32, %add3A_66 : i32
    %dma_start3A_68 = arith.constant 0 : i32
    %dma_start3A_69 = tpu.memref_slice %arg4[%select_n3A, %add3A_67, %dma_start3A_68] : memref<4x4096x1024xf32, #tpu.memory_space<hbm>> -> memref<1x16x1024xf32, #tpu.memory_space<hbm>>
    %dma_start3A_70 = tpu.memref_squeeze %dma_start3A_69 : memref<1x16x1024xf32, #tpu.memory_space<hbm>> -> memref<16x1024xf32, #tpu.memory_space<hbm>>
    %dma_start3A_71 = arith.constant 0 : i32
    %dma_start3A_72 = tpu.memref_slice %arg4[%select_n3A, %add3A_67, %dma_start3A_71] : memref<4x4096x1024xf32, #tpu.memory_space<hbm>> -> memref<1x16x1024xf32, #tpu.memory_space<hbm>>
    %dma_start3A_73 = tpu.memref_squeeze %dma_start3A_72 : memref<1x16x1024xf32, #tpu.memory_space<hbm>> -> memref<16x1024xf32, #tpu.memory_space<hbm>>
    tpu.enqueue_dma source(%arg6 : memref<16x1024xf32, #tpu.memory_space<vmem>>) target(%dma_start3A_73 : memref<16x1024xf32, #tpu.memory_space<hbm>>) target_semaphore(%arg18 : memref<!tpu.dma_semaphore, #tpu.memory_space<semaphore_mem>>)
    %dma_wait3A_74 = arith.constant 0 : i32
    %dma_wait3A_75 = tpu.memref_slice %arg4[%select_n3A, %add3A_67, %dma_wait3A_74] : memref<4x4096x1024xf32, #tpu.memory_space<hbm>> -> memref<1x16x1024xf32, #tpu.memory_space<hbm>>
    %dma_wait3A_76 = tpu.memref_squeeze %dma_wait3A_75 : memref<1x16x1024xf32, #tpu.memory_space<hbm>> -> memref<16x1024xf32, #tpu.memory_space<hbm>>
    %dma_wait3A_77 = arith.constant 0 : i32
    %dma_wait3A_78 = tpu.memref_slice %arg4[%select_n3A, %add3A_67, %dma_wait3A_77] : memref<4x4096x1024xf32, #tpu.memory_space<hbm>> -> memref<1x16x1024xf32, #tpu.memory_space<hbm>>
    %dma_wait3A_79 = tpu.memref_squeeze %dma_wait3A_78 : memref<1x16x1024xf32, #tpu.memory_space<hbm>> -> memref<16x1024xf32, #tpu.memory_space<hbm>>
    tpu.wait_dma2 semaphore(%arg18 : memref<!tpu.dma_semaphore, #tpu.memory_space<semaphore_mem>>) src(%arg6 : memref<16x1024xf32, #tpu.memory_space<vmem>>) dst(%dma_wait3A_79 : memref<16x1024xf32, #tpu.memory_space<hbm>>)
    %dma_start3A_80 = arith.constant 96 : i32
    %dma_start3A_81 = tpu.memref_slice %arg5[%dma_start3A_80] : memref<512xi32, #tpu.memory_space<vmem>> -> memref<16xi32, #tpu.memory_space<vmem>>
    %dma_start3A_82 = arith.constant 0 : i32
    %dma_start3A_83 = arith.constant 0 : i32
    %dma_start3A_84 = tpu.memref_slice %arg3[%dma_start3A_82, %dma_start3A_83] : memref<100000x1024xf32, #tpu.memory_space<hbm>> -> memref<100000x1024xf32, #tpu.memory_space<hbm>>
    tpu.enqueue_indirect_dma source(%dma_start3A_84 : memref<100000x1024xf32, #tpu.memory_space<hbm>>) target(%arg6 : memref<16x1024xf32, #tpu.memory_space<vmem>>) offsets(%dma_start3A_81 : memref<16xi32, #tpu.memory_space<vmem>>) semaphore(%arg12 : memref<!tpu.dma_semaphore, #tpu.memory_space<semaphore_mem>>)
    %dma_wait3A_85 = arith.constant 16 : i32
    %dma_wait3A_86 = tpu.memref_slice %arg5[%dma_wait3A_85] : memref<512xi32, #tpu.memory_space<vmem>> -> memref<16xi32, #tpu.memory_space<vmem>>
    %dma_wait3A_87 = arith.constant 0 : i32
    %dma_wait3A_88 = arith.constant 0 : i32
    %dma_wait3A_89 = tpu.memref_slice %arg3[%dma_wait3A_87, %dma_wait3A_88] : memref<100000x1024xf32, #tpu.memory_space<hbm>> -> memref<100000x1024xf32, #tpu.memory_space<hbm>>
    tpu.wait_indirect_dma semaphore(%arg13 : memref<!tpu.dma_semaphore, #tpu.memory_space<semaphore_mem>>) src(%dma_wait3A_89 : memref<100000x1024xf32, #tpu.memory_space<hbm>>) dst(%arg7 : memref<16x1024xf32, #tpu.memory_space<vmem>>)
    %add3A_90 = arith.constant 16 : i32
    %add3A_91 = arith.addi %mul3A_32, %add3A_90 : i32
    %dma_start3A_92 = arith.constant 0 : i32
    %dma_start3A_93 = tpu.memref_slice %arg4[%select_n3A, %add3A_91, %dma_start3A_92] : memref<4x4096x1024xf32, #tpu.memory_space<hbm>> -> memref<1x16x1024xf32, #tpu.memory_space<hbm>>
    %dma_start3A_94 = tpu.memref_squeeze %dma_start3A_93 : memref<1x16x1024xf32, #tpu.memory_space<hbm>> -> memref<16x1024xf32, #tpu.memory_space<hbm>>
    %dma_start3A_95 = arith.constant 0 : i32
    %dma_start3A_96 = tpu.memref_slice %arg4[%select_n3A, %add3A_91, %dma_start3A_95] : memref<4x4096x1024xf32, #tpu.memory_space<hbm>> -> memref<1x16x1024xf32, #tpu.memory_space<hbm>>
    %dma_start3A_97 = tpu.memref_squeeze %dma_start3A_96 : memref<1x16x1024xf32, #tpu.memory_space<hbm>> -> memref<16x1024xf32, #tpu.memory_space<hbm>>
    tpu.enqueue_dma source(%arg7 : memref<16x1024xf32, #tpu.memory_space<vmem>>) target(%dma_start3A_97 : memref<16x1024xf32, #tpu.memory_space<hbm>>) target_semaphore(%arg19 : memref<!tpu.dma_semaphore, #tpu.memory_space<semaphore_mem>>)
    %dma_wait3A_98 = arith.constant 0 : i32
    %dma_wait3A_99 = tpu.memref_slice %arg4[%select_n3A, %add3A_91, %dma_wait3A_98] : memref<4x4096x1024xf32, #tpu.memory_space<hbm>> -> memref<1x16x1024xf32, #tpu.memory_space<hbm>>
    %dma_wait3A_100 = tpu.memref_squeeze %dma_wait3A_99 : memref<1x16x1024xf32, #tpu.memory_space<hbm>> -> memref<16x1024xf32, #tpu.memory_space<hbm>>
    %dma_wait3A_101 = arith.constant 0 : i32
    %dma_wait3A_102 = tpu.memref_slice %arg4[%select_n3A, %add3A_91, %dma_wait3A_101] : memref<4x4096x1024xf32, #tpu.memory_space<hbm>> -> memref<1x16x1024xf32, #tpu.memory_space<hbm>>
    %dma_wait3A_103 = tpu.memref_squeeze %dma_wait3A_102 : memref<1x16x1024xf32, #tpu.memory_space<hbm>> -> memref<16x1024xf32, #tpu.memory_space<hbm>>
    tpu.wait_dma2 semaphore(%arg19 : memref<!tpu.dma_semaphore, #tpu.memory_space<semaphore_mem>>) src(%arg7 : memref<16x1024xf32, #tpu.memory_space<vmem>>) dst(%dma_wait3A_103 : memref<16x1024xf32, #tpu.memory_space<hbm>>)
    %dma_start3A_104 = arith.constant 112 : i32
    %dma_start3A_105 = tpu.memref_slice %arg5[%dma_start3A_104] : memref<512xi32, #tpu.memory_space<vmem>> -> memref<16xi32, #tpu.memory_space<vmem>>
    %dma_start3A_106 = arith.constant 0 : i32
    %dma_start3A_107 = arith.constant 0 : i32
    %dma_start3A_108 = tpu.memref_slice %arg3[%dma_start3A_106, %dma_start3A_107] : memref<100000x1024xf32, #tpu.memory_space<hbm>> -> memref<100000x1024xf32, #tpu.memory_space<hbm>>
    tpu.enqueue_indirect_dma source(%dma_start3A_108 : memref<100000x1024xf32, #tpu.memory_space<hbm>>) target(%arg7 : memref<16x1024xf32, #tpu.memory_space<vmem>>) offsets(%dma_start3A_105 : memref<16xi32, #tpu.memory_space<vmem>>) semaphore(%arg13 : memref<!tpu.dma_semaphore, #tpu.memory_space<semaphore_mem>>)
    %dma_wait3A_109 = arith.constant 32 : i32
    %dma_wait3A_110 = tpu.memref_slice %arg5[%dma_wait3A_109] : memref<512xi32, #tpu.memory_space<vmem>> -> memref<16xi32, #tpu.memory_space<vmem>>
    %dma_wait3A_111 = arith.constant 0 : i32
    %dma_wait3A_112 = arith.constant 0 : i32
    %dma_wait3A_113 = tpu.memref_slice %arg3[%dma_wait3A_111, %dma_wait3A_112] : memref<100000x1024xf32, #tpu.memory_space<hbm>> -> memref<100000x1024xf32, #tpu.memory_space<hbm>>
    tpu.wait_indirect_dma semaphore(%arg14 : memref<!tpu.dma_semaphore, #tpu.memory_space<semaphore_mem>>) src(%dma_wait3A_113 : memref<100000x1024xf32, #tpu.memory_space<hbm>>) dst(%arg8 : memref<16x1024xf32, #tpu.memory_space<vmem>>)
    %add3A_114 = arith.constant 32 : i32
    %add3A_115 = arith.addi %mul3A_32, %add3A_114 : i32
    %dma_start3A_116 = arith.constant 0 : i32
    %dma_start3A_117 = tpu.memref_slice %arg4[%select_n3A, %add3A_115, %dma_start3A_116] : memref<4x4096x1024xf32, #tpu.memory_space<hbm>> -> memref<1x16x1024xf32, #tpu.memory_space<hbm>>
    %dma_start3A_118 = tpu.memref_squeeze %dma_start3A_117 : memref<1x16x1024xf32, #tpu.memory_space<hbm>> -> memref<16x1024xf32, #tpu.memory_space<hbm>>
    %dma_start3A_119 = arith.constant 0 : i32
    %dma_start3A_120 = tpu.memref_slice %arg4[%select_n3A, %add3A_115, %dma_start3A_119] : memref<4x4096x1024xf32, #tpu.memory_space<hbm>> -> memref<1x16x1024xf32, #tpu.memory_space<hbm>>
    %dma_start3A_121 = tpu.memref_squeeze %dma_start3A_120 : memref<1x16x1024xf32, #tpu.memory_space<hbm>> -> memref<16x1024xf32, #tpu.memory_space<hbm>>
    tpu.enqueue_dma source(%arg8 : memref<16x1024xf32, #tpu.memory_space<vmem>>) target(%dma_start3A_121 : memref<16x1024xf32, #tpu.memory_space<hbm>>) target_semaphore(%arg20 : memref<!tpu.dma_semaphore, #tpu.memory_space<semaphore_mem>>)
    %dma_wait3A_122 = arith.constant 0 : i32
    %dma_wait3A_123 = tpu.memref_slice %arg4[%select_n3A, %add3A_115, %dma_wait3A_122] : memref<4x4096x1024xf32, #tpu.memory_space<hbm>> -> memref<1x16x1024xf32, #tpu.memory_space<hbm>>
    %dma_wait3A_124 = tpu.memref_squeeze %dma_wait3A_123 : memref<1x16x1024xf32, #tpu.memory_space<hbm>> -> memref<16x1024xf32, #tpu.memory_space<hbm>>
    %dma_wait3A_125 = arith.constant 0 : i32
    %dma_wait3A_126 = tpu.memref_slice %arg4[%select_n3A, %add3A_115, %dma_wait3A_125] : memref<4x4096x1024xf32, #tpu.memory_space<hbm>> -> memref<1x16x1024xf32, #tpu.memory_space<hbm>>
    %dma_wait3A_127 = tpu.memref_squeeze %dma_wait3A_126 : memref<1x16x1024xf32, #tpu.memory_space<hbm>> -> memref<16x1024xf32, #tpu.memory_space<hbm>>
    tpu.wait_dma2 semaphore(%arg20 : memref<!tpu.dma_semaphore, #tpu.memory_space<semaphore_mem>>) src(%arg8 : memref<16x1024xf32, #tpu.memory_space<vmem>>) dst(%dma_wait3A_127 : memref<16x1024xf32, #tpu.memory_space<hbm>>)
    %dma_start3A_128 = arith.constant 128 : i32
    %dma_start3A_129 = tpu.memref_slice %arg5[%dma_start3A_128] : memref<512xi32, #tpu.memory_space<vmem>> -> memref<16xi32, #tpu.memory_space<vmem>>
    %dma_start3A_130 = arith.constant 0 : i32
    %dma_start3A_131 = arith.constant 0 : i32
    %dma_start3A_132 = tpu.memref_slice %arg3[%dma_start3A_130, %dma_start3A_131] : memref<100000x1024xf32, #tpu.memory_space<hbm>> -> memref<100000x1024xf32, #tpu.memory_space<hbm>>
    tpu.enqueue_indirect_dma source(%dma_start3A_132 : memref<100000x1024xf32, #tpu.memory_space<hbm>>) target(%arg8 : memref<16x1024xf32, #tpu.memory_space<vmem>>) offsets(%dma_start3A_129 : memref<16xi32, #tpu.memory_space<vmem>>) semaphore(%arg14 : memref<!tpu.dma_semaphore, #tpu.memory_space<semaphore_mem>>)
    %dma_wait3A_133 = arith.constant 48 : i32
    %dma_wait3A_134 = tpu.memref_slice %arg5[%dma_wait3A_133] : memref<512xi32, #tpu.memory_space<vmem>> -> memref<16xi32, #tpu.memory_space<vmem>>
    %dma_wait3A_135 = arith.constant 0 : i32
    %dma_wait3A_136 = arith.constant 0 : i32
    %dma_wait3A_137 = tpu.memref_slice %arg3[%dma_wait3A_135, %dma_wait3A_136] : memref<100000x1024xf32, #tpu.memory_space<hbm>> -> memref<100000x1024xf32, #tpu.memory_space<hbm>>
    tpu.wait_indirect_dma semaphore(%arg15 : memref<!tpu.dma_semaphore, #tpu.memory_space<semaphore_mem>>) src(%dma_wait3A_137 : memref<100000x1024xf32, #tpu.memory_space<hbm>>) dst(%arg9 : memref<16x1024xf32, #tpu.memory_space<vmem>>)
    %add3A_138 = arith.constant 48 : i32
    %add3A_139 = arith.addi %mul3A_32, %add3A_138 : i32
    %dma_start3A_140 = arith.constant 0 : i32
    %dma_start3A_141 = tpu.memref_slice %arg4[%select_n3A, %add3A_139, %dma_start3A_140] : memref<4x4096x1024xf32, #tpu.memory_space<hbm>> -> memref<1x16x1024xf32, #tpu.memory_space<hbm>>
    %dma_start3A_142 = tpu.memref_squeeze %dma_start3A_141 : memref<1x16x1024xf32, #tpu.memory_space<hbm>> -> memref<16x1024xf32, #tpu.memory_space<hbm>>
    %dma_start3A_143 = arith.constant 0 : i32
    %dma_start3A_144 = tpu.memref_slice %arg4[%select_n3A, %add3A_139, %dma_start3A_143] : memref<4x4096x1024xf32, #tpu.memory_space<hbm>> -> memref<1x16x1024xf32, #tpu.memory_space<hbm>>
    %dma_start3A_145 = tpu.memref_squeeze %dma_start3A_144 : memref<1x16x1024xf32, #tpu.memory_space<hbm>> -> memref<16x1024xf32, #tpu.memory_space<hbm>>
    tpu.enqueue_dma source(%arg9 : memref<16x1024xf32, #tpu.memory_space<vmem>>) target(%dma_start3A_145 : memref<16x1024xf32, #tpu.memory_space<hbm>>) target_semaphore(%arg21 : memref<!tpu.dma_semaphore, #tpu.memory_space<semaphore_mem>>)
    %dma_wait3A_146 = arith.constant 0 : i32
    %dma_wait3A_147 = tpu.memref_slice %arg4[%select_n3A, %add3A_139, %dma_wait3A_146] : memref<4x4096x1024xf32, #tpu.memory_space<hbm>> -> memref<1x16x1024xf32, #tpu.memory_space<hbm>>
    %dma_wait3A_148 = tpu.memref_squeeze %dma_wait3A_147 : memref<1x16x1024xf32, #tpu.memory_space<hbm>> -> memref<16x1024xf32, #tpu.memory_space<hbm>>
    %dma_wait3A_149 = arith.constant 0 : i32
    %dma_wait3A_150 = tpu.memref_slice %arg4[%select_n3A, %add3A_139, %dma_wait3A_149] : memref<4x4096x1024xf32, #tpu.memory_space<hbm>> -> memref<1x16x1024xf32, #tpu.memory_space<hbm>>
    %dma_wait3A_151 = tpu.memref_squeeze %dma_wait3A_150 : memref<1x16x1024xf32, #tpu.memory_space<hbm>> -> memref<16x1024xf32, #tpu.memory_space<hbm>>
    tpu.wait_dma2 semaphore(%arg21 : memref<!tpu.dma_semaphore, #tpu.memory_space<semaphore_mem>>) src(%arg9 : memref<16x1024xf32, #tpu.memory_space<vmem>>) dst(%dma_wait3A_151 : memref<16x1024xf32, #tpu.memory_space<hbm>>)
    %dma_start3A_152 = arith.constant 144 : i32
    %dma_start3A_153 = tpu.memref_slice %arg5[%dma_start3A_152] : memref<512xi32, #tpu.memory_space<vmem>> -> memref<16xi32, #tpu.memory_space<vmem>>
    %dma_start3A_154 = arith.constant 0 : i32
    %dma_start3A_155 = arith.constant 0 : i32
    %dma_start3A_156 = tpu.memref_slice %arg3[%dma_start3A_154, %dma_start3A_155] : memref<100000x1024xf32, #tpu.memory_space<hbm>> -> memref<100000x1024xf32, #tpu.memory_space<hbm>>
    tpu.enqueue_indirect_dma source(%dma_start3A_156 : memref<100000x1024xf32, #tpu.memory_space<hbm>>) target(%arg9 : memref<16x1024xf32, #tpu.memory_space<vmem>>) offsets(%dma_start3A_153 : memref<16xi32, #tpu.memory_space<vmem>>) semaphore(%arg15 : memref<!tpu.dma_semaphore, #tpu.memory_space<semaphore_mem>>)
    %dma_wait3A_157 = arith.constant 64 : i32
    %dma_wait3A_158 = tpu.memref_slice %arg5[%dma_wait3A_157] : memref<512xi32, #tpu.memory_space<vmem>> -> memref<16xi32, #tpu.memory_space<vmem>>
    %dma_wait3A_159 = arith.constant 0 : i32
    %dma_wait3A_160 = arith.constant 0 : i32
    %dma_wait3A_161 = tpu.memref_slice %arg3[%dma_wait3A_159, %dma_wait3A_160] : memref<100000x1024xf32, #tpu.memory_space<hbm>> -> memref<100000x1024xf32, #tpu.memory_space<hbm>>
    tpu.wait_indirect_dma semaphore(%arg16 : memref<!tpu.dma_semaphore, #tpu.memory_space<semaphore_mem>>) src(%dma_wait3A_161 : memref<100000x1024xf32, #tpu.memory_space<hbm>>) dst(%arg10 : memref<16x1024xf32, #tpu.memory_space<vmem>>)
    %add3A_162 = arith.constant 64 : i32
    %add3A_163 = arith.addi %mul3A_32, %add3A_162 : i32
    %dma_start3A_164 = arith.constant 0 : i32
    %dma_start3A_165 = tpu.memref_slice %arg4[%select_n3A, %add3A_163, %dma_start3A_164] : memref<4x4096x1024xf32, #tpu.memory_space<hbm>> -> memref<1x16x1024xf32, #tpu.memory_space<hbm>>
    %dma_start3A_166 = tpu.memref_squeeze %dma_start3A_165 : memref<1x16x1024xf32, #tpu.memory_space<hbm>> -> memref<16x1024xf32, #tpu.memory_space<hbm>>
    %dma_start3A_167 = arith.constant 0 : i32
    %dma_start3A_168 = tpu.memref_slice %arg4[%select_n3A, %add3A_163, %dma_start3A_167] : memref<4x4096x1024xf32, #tpu.memory_space<hbm>> -> memref<1x16x1024xf32, #tpu.memory_space<hbm>>
    %dma_start3A_169 = tpu.memref_squeeze %dma_start3A_168 : memref<1x16x1024xf32, #tpu.memory_space<hbm>> -> memref<16x1024xf32, #tpu.memory_space<hbm>>
    tpu.enqueue_dma source(%arg10 : memref<16x1024xf32, #tpu.memory_space<vmem>>) target(%dma_start3A_169 : memref<16x1024xf32, #tpu.memory_space<hbm>>) target_semaphore(%arg22 : memref<!tpu.dma_semaphore, #tpu.memory_space<semaphore_mem>>)
    %dma_wait3A_170 = arith.constant 0 : i32
    %dma_wait3A_171 = tpu.memref_slice %arg4[%select_n3A, %add3A_163, %dma_wait3A_170] : memref<4x4096x1024xf32, #tpu.memory_space<hbm>> -> memref<1x16x1024xf32, #tpu.memory_space<hbm>>
    %dma_wait3A_172 = tpu.memref_squeeze %dma_wait3A_171 : memref<1x16x1024xf32, #tpu.memory_space<hbm>> -> memref<16x1024xf32, #tpu.memory_space<hbm>>
    %dma_wait3A_173 = arith.constant 0 : i32
    %dma_wait3A_174 = tpu.memref_slice %arg4[%select_n3A, %add3A_163, %dma_wait3A_173] : memref<4x4096x1024xf32, #tpu.memory_space<hbm>> -> memref<1x16x1024xf32, #tpu.memory_space<hbm>>
    %dma_wait3A_175 = tpu.memref_squeeze %dma_wait3A_174 : memref<1x16x1024xf32, #tpu.memory_space<hbm>> -> memref<16x1024xf32, #tpu.memory_space<hbm>>
    tpu.wait_dma2 semaphore(%arg22 : memref<!tpu.dma_semaphore, #tpu.memory_space<semaphore_mem>>) src(%arg10 : memref<16x1024xf32, #tpu.memory_space<vmem>>) dst(%dma_wait3A_175 : memref<16x1024xf32, #tpu.memory_space<hbm>>)
    %dma_start3A_176 = arith.constant 160 : i32
    %dma_start3A_177 = tpu.memref_slice %arg5[%dma_start3A_176] : memref<512xi32, #tpu.memory_space<vmem>> -> memref<16xi32, #tpu.memory_space<vmem>>
    %dma_start3A_178 = arith.constant 0 : i32
    %dma_start3A_179 = arith.constant 0 : i32
    %dma_start3A_180 = tpu.memref_slice %arg3[%dma_start3A_178, %dma_start3A_179] : memref<100000x1024xf32, #tpu.memory_space<hbm>> -> memref<100000x1024xf32, #tpu.memory_space<hbm>>
    tpu.enqueue_indirect_dma source(%dma_start3A_180 : memref<100000x1024xf32, #tpu.memory_space<hbm>>) target(%arg10 : memref<16x1024xf32, #tpu.memory_space<vmem>>) offsets(%dma_start3A_177 : memref<16xi32, #tpu.memory_space<vmem>>) semaphore(%arg16 : memref<!tpu.dma_semaphore, #tpu.memory_space<semaphore_mem>>)
    %dma_wait3A_181 = arith.constant 80 : i32
    %dma_wait3A_182 = tpu.memref_slice %arg5[%dma_wait3A_181] : memref<512xi32, #tpu.memory_space<vmem>> -> memref<16xi32, #tpu.memory_space<vmem>>
    %dma_wait3A_183 = arith.constant 0 : i32
    %dma_wait3A_184 = arith.constant 0 : i32
    %dma_wait3A_185 = tpu.memref_slice %arg3[%dma_wait3A_183, %dma_wait3A_184] : memref<100000x1024xf32, #tpu.memory_space<hbm>> -> memref<100000x1024xf32, #tpu.memory_space<hbm>>
    tpu.wait_indirect_dma semaphore(%arg17 : memref<!tpu.dma_semaphore, #tpu.memory_space<semaphore_mem>>) src(%dma_wait3A_185 : memref<100000x1024xf32, #tpu.memory_space<hbm>>) dst(%arg11 : memref<16x1024xf32, #tpu.memory_space<vmem>>)
    %add3A_186 = arith.constant 80 : i32
    %add3A_187 = arith.addi %mul3A_32, %add3A_186 : i32
    %dma_start3A_188 = arith.constant 0 : i32
    %dma_start3A_189 = tpu.memref_slice %arg4[%select_n3A, %add3A_187, %dma_start3A_188] : memref<4x4096x1024xf32, #tpu.memory_space<hbm>> -> memref<1x16x1024xf32, #tpu.memory_space<hbm>>
    %dma_start3A_190 = tpu.memref_squeeze %dma_start3A_189 : memref<1x16x1024xf32, #tpu.memory_space<hbm>> -> memref<16x1024xf32, #tpu.memory_space<hbm>>
    %dma_start3A_191 = arith.constant 0 : i32
    %dma_start3A_192 = tpu.memref_slice %arg4[%select_n3A, %add3A_187, %dma_start3A_191] : memref<4x4096x1024xf32, #tpu.memory_space<hbm>> -> memref<1x16x1024xf32, #tpu.memory_space<hbm>>
    %dma_start3A_193 = tpu.memref_squeeze %dma_start3A_192 : memref<1x16x1024xf32, #tpu.memory_space<hbm>> -> memref<16x1024xf32, #tpu.memory_space<hbm>>
    tpu.enqueue_dma source(%arg11 : memref<16x1024xf32, #tpu.memory_space<vmem>>) target(%dma_start3A_193 : memref<16x1024xf32, #tpu.memory_space<hbm>>) target_semaphore(%arg23 : memref<!tpu.dma_semaphore, #tpu.memory_space<semaphore_mem>>)
    %dma_wait3A_194 = arith.constant 0 : i32
    %dma_wait3A_195 = tpu.memref_slice %arg4[%select_n3A, %add3A_187, %dma_wait3A_194] : memref<4x4096x1024xf32, #tpu.memory_space<hbm>> -> memref<1x16x1024xf32, #tpu.memory_space<hbm>>
    %dma_wait3A_196 = tpu.memref_squeeze %dma_wait3A_195 : memref<1x16x1024xf32, #tpu.memory_space<hbm>> -> memref<16x1024xf32, #tpu.memory_space<hbm>>
    %dma_wait3A_197 = arith.constant 0 : i32
    %dma_wait3A_198 = tpu.memref_slice %arg4[%select_n3A, %add3A_187, %dma_wait3A_197] : memref<4x4096x1024xf32, #tpu.memory_space<hbm>> -> memref<1x16x1024xf32, #tpu.memory_space<hbm>>
    %dma_wait3A_199 = tpu.memref_squeeze %dma_wait3A_198 : memref<1x16x1024xf32, #tpu.memory_space<hbm>> -> memref<16x1024xf32, #tpu.memory_space<hbm>>
    tpu.wait_dma2 semaphore(%arg23 : memref<!tpu.dma_semaphore, #tpu.memory_space<semaphore_mem>>) src(%arg11 : memref<16x1024xf32, #tpu.memory_space<vmem>>) dst(%dma_wait3A_199 : memref<16x1024xf32, #tpu.memory_space<hbm>>)
    %dma_start3A_200 = arith.constant 176 : i32
    %dma_start3A_201 = tpu.memref_slice %arg5[%dma_start3A_200] : memref<512xi32, #tpu.memory_space<vmem>> -> memref<16xi32, #tpu.memory_space<vmem>>
    %dma_start3A_202 = arith.constant 0 : i32
    %dma_start3A_203 = arith.constant 0 : i32
    %dma_start3A_204 = tpu.memref_slice %arg3[%dma_start3A_202, %dma_start3A_203] : memref<100000x1024xf32, #tpu.memory_space<hbm>> -> memref<100000x1024xf32, #tpu.memory_space<hbm>>
    tpu.enqueue_indirect_dma source(%dma_start3A_204 : memref<100000x1024xf32, #tpu.memory_space<hbm>>) target(%arg11 : memref<16x1024xf32, #tpu.memory_space<vmem>>) offsets(%dma_start3A_201 : memref<16xi32, #tpu.memory_space<vmem>>) semaphore(%arg17 : memref<!tpu.dma_semaphore, #tpu.memory_space<semaphore_mem>>)
    %dma_wait3A_205 = arith.constant 96 : i32
    %dma_wait3A_206 = tpu.memref_slice %arg5[%dma_wait3A_205] : memref<512xi32, #tpu.memory_space<vmem>> -> memref<16xi32, #tpu.memory_space<vmem>>
    %dma_wait3A_207 = arith.constant 0 : i32
    %dma_wait3A_208 = arith.constant 0 : i32
    %dma_wait3A_209 = tpu.memref_slice %arg3[%dma_wait3A_207, %dma_wait3A_208] : memref<100000x1024xf32, #tpu.memory_space<hbm>> -> memref<100000x1024xf32, #tpu.memory_space<hbm>>
    tpu.wait_indirect_dma semaphore(%arg12 : memref<!tpu.dma_semaphore, #tpu.memory_space<semaphore_mem>>) src(%dma_wait3A_209 : memref<100000x1024xf32, #tpu.memory_space<hbm>>) dst(%arg6 : memref<16x1024xf32, #tpu.memory_space<vmem>>)
    %add3A_210 = arith.constant 96 : i32
    %add3A_211 = arith.addi %mul3A_32, %add3A_210 : i32
    %dma_start3A_212 = arith.constant 0 : i32
    %dma_start3A_213 = tpu.memref_slice %arg4[%select_n3A, %add3A_211, %dma_start3A_212] : memref<4x4096x1024xf32, #tpu.memory_space<hbm>> -> memref<1x16x1024xf32, #tpu.memory_space<hbm>>
    %dma_start3A_214 = tpu.memref_squeeze %dma_start3A_213 : memref<1x16x1024xf32, #tpu.memory_space<hbm>> -> memref<16x1024xf32, #tpu.memory_space<hbm>>
    %dma_start3A_215 = arith.constant 0 : i32
    %dma_start3A_216 = tpu.memref_slice %arg4[%select_n3A, %add3A_211, %dma_start3A_215] : memref<4x4096x1024xf32, #tpu.memory_space<hbm>> -> memref<1x16x1024xf32, #tpu.memory_space<hbm>>
    %dma_start3A_217 = tpu.memref_squeeze %dma_start3A_216 : memref<1x16x1024xf32, #tpu.memory_space<hbm>> -> memref<16x1024xf32, #tpu.memory_space<hbm>>
    tpu.enqueue_dma source(%arg6 : memref<16x1024xf32, #tpu.memory_space<vmem>>) target(%dma_start3A_217 : memref<16x1024xf32, #tpu.memory_space<hbm>>) target_semaphore(%arg18 : memref<!tpu.dma_semaphore, #tpu.memory_space<semaphore_mem>>)
    %dma_wait3A_218 = arith.constant 0 : i32
    %dma_wait3A_219 = tpu.memref_slice %arg4[%select_n3A, %add3A_211, %dma_wait3A_218] : memref<4x4096x1024xf32, #tpu.memory_space<hbm>> -> memref<1x16x1024xf32, #tpu.memory_space<hbm>>
    %dma_wait3A_220 = tpu.memref_squeeze %dma_wait3A_219 : memref<1x16x1024xf32, #tpu.memory_space<hbm>> -> memref<16x1024xf32, #tpu.memory_space<hbm>>
    %dma_wait3A_221 = arith.constant 0 : i32
    %dma_wait3A_222 = tpu.memref_slice %arg4[%select_n3A, %add3A_211, %dma_wait3A_221] : memref<4x4096x1024xf32, #tpu.memory_space<hbm>> -> memref<1x16x1024xf32, #tpu.memory_space<hbm>>
    %dma_wait3A_223 = tpu.memref_squeeze %dma_wait3A_222 : memref<1x16x1024xf32, #tpu.memory_space<hbm>> -> memref<16x1024xf32, #tpu.memory_space<hbm>>
    tpu.wait_dma2 semaphore(%arg18 : memref<!tpu.dma_semaphore, #tpu.memory_space<semaphore_mem>>) src(%arg6 : memref<16x1024xf32, #tpu.memory_space<vmem>>) dst(%dma_wait3A_223 : memref<16x1024xf32, #tpu.memory_space<hbm>>)
    %dma_start3A_224 = arith.constant 192 : i32
    %dma_start3A_225 = tpu.memref_slice %arg5[%dma_start3A_224] : memref<512xi32, #tpu.memory_space<vmem>> -> memref<16xi32, #tpu.memory_space<vmem>>
    %dma_start3A_226 = arith.constant 0 : i32
    %dma_start3A_227 = arith.constant 0 : i32
    %dma_start3A_228 = tpu.memref_slice %arg3[%dma_start3A_226, %dma_start3A_227] : memref<100000x1024xf32, #tpu.memory_space<hbm>> -> memref<100000x1024xf32, #tpu.memory_space<hbm>>
    tpu.enqueue_indirect_dma source(%dma_start3A_228 : memref<100000x1024xf32, #tpu.memory_space<hbm>>) target(%arg6 : memref<16x1024xf32, #tpu.memory_space<vmem>>) offsets(%dma_start3A_225 : memref<16xi32, #tpu.memory_space<vmem>>) semaphore(%arg12 : memref<!tpu.dma_semaphore, #tpu.memory_space<semaphore_mem>>)
    %dma_wait3A_229 = arith.constant 112 : i32
    %dma_wait3A_230 = tpu.memref_slice %arg5[%dma_wait3A_229] : memref<512xi32, #tpu.memory_space<vmem>> -> memref<16xi32, #tpu.memory_space<vmem>>
    %dma_wait3A_231 = arith.constant 0 : i32
    %dma_wait3A_232 = arith.constant 0 : i32
    %dma_wait3A_233 = tpu.memref_slice %arg3[%dma_wait3A_231, %dma_wait3A_232] : memref<100000x1024xf32, #tpu.memory_space<hbm>> -> memref<100000x1024xf32, #tpu.memory_space<hbm>>
    tpu.wait_indirect_dma semaphore(%arg13 : memref<!tpu.dma_semaphore, #tpu.memory_space<semaphore_mem>>) src(%dma_wait3A_233 : memref<100000x1024xf32, #tpu.memory_space<hbm>>) dst(%arg7 : memref<16x1024xf32, #tpu.memory_space<vmem>>)
    %add3A_234 = arith.constant 112 : i32
    %add3A_235 = arith.addi %mul3A_32, %add3A_234 : i32
    %dma_start3A_236 = arith.constant 0 : i32
    %dma_start3A_237 = tpu.memref_slice %arg4[%select_n3A, %add3A_235, %dma_start3A_236] : memref<4x4096x1024xf32, #tpu.memory_space<hbm>> -> memref<1x16x1024xf32, #tpu.memory_space<hbm>>
    %dma_start3A_238 = tpu.memref_squeeze %dma_start3A_237 : memref<1x16x1024xf32, #tpu.memory_space<hbm>> -> memref<16x1024xf32, #tpu.memory_space<hbm>>
    %dma_start3A_239 = arith.constant 0 : i32
    %dma_start3A_240 = tpu.memref_slice %arg4[%select_n3A, %add3A_235, %dma_start3A_239] : memref<4x4096x1024xf32, #tpu.memory_space<hbm>> -> memref<1x16x1024xf32, #tpu.memory_space<hbm>>
    %dma_start3A_241 = tpu.memref_squeeze %dma_start3A_240 : memref<1x16x1024xf32, #tpu.memory_space<hbm>> -> memref<16x1024xf32, #tpu.memory_space<hbm>>
    tpu.enqueue_dma source(%arg7 : memref<16x1024xf32, #tpu.memory_space<vmem>>) target(%dma_start3A_241 : memref<16x1024xf32, #tpu.memory_space<hbm>>) target_semaphore(%arg19 : memref<!tpu.dma_semaphore, #tpu.memory_space<semaphore_mem>>)
    %dma_wait3A_242 = arith.constant 0 : i32
    %dma_wait3A_243 = tpu.memref_slice %arg4[%select_n3A, %add3A_235, %dma_wait3A_242] : memref<4x4096x1024xf32, #tpu.memory_space<hbm>> -> memref<1x16x1024xf32, #tpu.memory_space<hbm>>
    %dma_wait3A_244 = tpu.memref_squeeze %dma_wait3A_243 : memref<1x16x1024xf32, #tpu.memory_space<hbm>> -> memref<16x1024xf32, #tpu.memory_space<hbm>>
    %dma_wait3A_245 = arith.constant 0 : i32
    %dma_wait3A_246 = tpu.memref_slice %arg4[%select_n3A, %add3A_235, %dma_wait3A_245] : memref<4x4096x1024xf32, #tpu.memory_space<hbm>> -> memref<1x16x1024xf32, #tpu.memory_space<hbm>>
    %dma_wait3A_247 = tpu.memref_squeeze %dma_wait3A_246 : memref<1x16x1024xf32, #tpu.memory_space<hbm>> -> memref<16x1024xf32, #tpu.memory_space<hbm>>
    tpu.wait_dma2 semaphore(%arg19 : memref<!tpu.dma_semaphore, #tpu.memory_space<semaphore_mem>>) src(%arg7 : memref<16x1024xf32, #tpu.memory_space<vmem>>) dst(%dma_wait3A_247 : memref<16x1024xf32, #tpu.memory_space<hbm>>)
    %dma_start3A_248 = arith.constant 208 : i32
    %dma_start3A_249 = tpu.memref_slice %arg5[%dma_start3A_248] : memref<512xi32, #tpu.memory_space<vmem>> -> memref<16xi32, #tpu.memory_space<vmem>>
    %dma_start3A_250 = arith.constant 0 : i32
    %dma_start3A_251 = arith.constant 0 : i32
    %dma_start3A_252 = tpu.memref_slice %arg3[%dma_start3A_250, %dma_start3A_251] : memref<100000x1024xf32, #tpu.memory_space<hbm>> -> memref<100000x1024xf32, #tpu.memory_space<hbm>>
    tpu.enqueue_indirect_dma source(%dma_start3A_252 : memref<100000x1024xf32, #tpu.memory_space<hbm>>) target(%arg7 : memref<16x1024xf32, #tpu.memory_space<vmem>>) offsets(%dma_start3A_249 : memref<16xi32, #tpu.memory_space<vmem>>) semaphore(%arg13 : memref<!tpu.dma_semaphore, #tpu.memory_space<semaphore_mem>>)
    %dma_wait3A_253 = arith.constant 128 : i32
    %dma_wait3A_254 = tpu.memref_slice %arg5[%dma_wait3A_253] : memref<512xi32, #tpu.memory_space<vmem>> -> memref<16xi32, #tpu.memory_space<vmem>>
    %dma_wait3A_255 = arith.constant 0 : i32
    %dma_wait3A_256 = arith.constant 0 : i32
    %dma_wait3A_257 = tpu.memref_slice %arg3[%dma_wait3A_255, %dma_wait3A_256] : memref<100000x1024xf32, #tpu.memory_space<hbm>> -> memref<100000x1024xf32, #tpu.memory_space<hbm>>
    tpu.wait_indirect_dma semaphore(%arg14 : memref<!tpu.dma_semaphore, #tpu.memory_space<semaphore_mem>>) src(%dma_wait3A_257 : memref<100000x1024xf32, #tpu.memory_space<hbm>>) dst(%arg8 : memref<16x1024xf32, #tpu.memory_space<vmem>>)
    %add3A_258 = arith.constant 128 : i32
    %add3A_259 = arith.addi %mul3A_32, %add3A_258 : i32
    %dma_start3A_260 = arith.constant 0 : i32
    %dma_start3A_261 = tpu.memref_slice %arg4[%select_n3A, %add3A_259, %dma_start3A_260] : memref<4x4096x1024xf32, #tpu.memory_space<hbm>> -> memref<1x16x1024xf32, #tpu.memory_space<hbm>>
    %dma_start3A_262 = tpu.memref_squeeze %dma_start3A_261 : memref<1x16x1024xf32, #tpu.memory_space<hbm>> -> memref<16x1024xf32, #tpu.memory_space<hbm>>
    %dma_start3A_263 = arith.constant 0 : i32
    %dma_start3A_264 = tpu.memref_slice %arg4[%select_n3A, %add3A_259, %dma_start3A_263] : memref<4x4096x1024xf32, #tpu.memory_space<hbm>> -> memref<1x16x1024xf32, #tpu.memory_space<hbm>>
    %dma_start3A_265 = tpu.memref_squeeze %dma_start3A_264 : memref<1x16x1024xf32, #tpu.memory_space<hbm>> -> memref<16x1024xf32, #tpu.memory_space<hbm>>
    tpu.enqueue_dma source(%arg8 : memref<16x1024xf32, #tpu.memory_space<vmem>>) target(%dma_start3A_265 : memref<16x1024xf32, #tpu.memory_space<hbm>>) target_semaphore(%arg20 : memref<!tpu.dma_semaphore, #tpu.memory_space<semaphore_mem>>)
    %dma_wait3A_266 = arith.constant 0 : i32
    %dma_wait3A_267 = tpu.memref_slice %arg4[%select_n3A, %add3A_259, %dma_wait3A_266] : memref<4x4096x1024xf32, #tpu.memory_space<hbm>> -> memref<1x16x1024xf32, #tpu.memory_space<hbm>>
    %dma_wait3A_268 = tpu.memref_squeeze %dma_wait3A_267 : memref<1x16x1024xf32, #tpu.memory_space<hbm>> -> memref<16x1024xf32, #tpu.memory_space<hbm>>
    %dma_wait3A_269 = arith.constant 0 : i32
    %dma_wait3A_270 = tpu.memref_slice %arg4[%select_n3A, %add3A_259, %dma_wait3A_269] : memref<4x4096x1024xf32, #tpu.memory_space<hbm>> -> memref<1x16x1024xf32, #tpu.memory_space<hbm>>
    %dma_wait3A_271 = tpu.memref_squeeze %dma_wait3A_270 : memref<1x16x1024xf32, #tpu.memory_space<hbm>> -> memref<16x1024xf32, #tpu.memory_space<hbm>>
    tpu.wait_dma2 semaphore(%arg20 : memref<!tpu.dma_semaphore, #tpu.memory_space<semaphore_mem>>) src(%arg8 : memref<16x1024xf32, #tpu.memory_space<vmem>>) dst(%dma_wait3A_271 : memref<16x1024xf32, #tpu.memory_space<hbm>>)
    %dma_start3A_272 = arith.constant 224 : i32
    %dma_start3A_273 = tpu.memref_slice %arg5[%dma_start3A_272] : memref<512xi32, #tpu.memory_space<vmem>> -> memref<16xi32, #tpu.memory_space<vmem>>
    %dma_start3A_274 = arith.constant 0 : i32
    %dma_start3A_275 = arith.constant 0 : i32
    %dma_start3A_276 = tpu.memref_slice %arg3[%dma_start3A_274, %dma_start3A_275] : memref<100000x1024xf32, #tpu.memory_space<hbm>> -> memref<100000x1024xf32, #tpu.memory_space<hbm>>
    tpu.enqueue_indirect_dma source(%dma_start3A_276 : memref<100000x1024xf32, #tpu.memory_space<hbm>>) target(%arg8 : memref<16x1024xf32, #tpu.memory_space<vmem>>) offsets(%dma_start3A_273 : memref<16xi32, #tpu.memory_space<vmem>>) semaphore(%arg14 : memref<!tpu.dma_semaphore, #tpu.memory_space<semaphore_mem>>)
    %dma_wait3A_277 = arith.constant 144 : i32
    %dma_wait3A_278 = tpu.memref_slice %arg5[%dma_wait3A_277] : memref<512xi32, #tpu.memory_space<vmem>> -> memref<16xi32, #tpu.memory_space<vmem>>
    %dma_wait3A_279 = arith.constant 0 : i32
    %dma_wait3A_280 = arith.constant 0 : i32
    %dma_wait3A_281 = tpu.memref_slice %arg3[%dma_wait3A_279, %dma_wait3A_280] : memref<100000x1024xf32, #tpu.memory_space<hbm>> -> memref<100000x1024xf32, #tpu.memory_space<hbm>>
    tpu.wait_indirect_dma semaphore(%arg15 : memref<!tpu.dma_semaphore, #tpu.memory_space<semaphore_mem>>) src(%dma_wait3A_281 : memref<100000x1024xf32, #tpu.memory_space<hbm>>) dst(%arg9 : memref<16x1024xf32, #tpu.memory_space<vmem>>)
    %add3A_282 = arith.constant 144 : i32
    %add3A_283 = arith.addi %mul3A_32, %add3A_282 : i32
    %dma_start3A_284 = arith.constant 0 : i32
    %dma_start3A_285 = tpu.memref_slice %arg4[%select_n3A, %add3A_283, %dma_start3A_284] : memref<4x4096x1024xf32, #tpu.memory_space<hbm>> -> memref<1x16x1024xf32, #tpu.memory_space<hbm>>
    %dma_start3A_286 = tpu.memref_squeeze %dma_start3A_285 : memref<1x16x1024xf32, #tpu.memory_space<hbm>> -> memref<16x1024xf32, #tpu.memory_space<hbm>>
    %dma_start3A_287 = arith.constant 0 : i32
    %dma_start3A_288 = tpu.memref_slice %arg4[%select_n3A, %add3A_283, %dma_start3A_287] : memref<4x4096x1024xf32, #tpu.memory_space<hbm>> -> memref<1x16x1024xf32, #tpu.memory_space<hbm>>
    %dma_start3A_289 = tpu.memref_squeeze %dma_start3A_288 : memref<1x16x1024xf32, #tpu.memory_space<hbm>> -> memref<16x1024xf32, #tpu.memory_space<hbm>>
    tpu.enqueue_dma source(%arg9 : memref<16x1024xf32, #tpu.memory_space<vmem>>) target(%dma_start3A_289 : memref<16x1024xf32, #tpu.memory_space<hbm>>) target_semaphore(%arg21 : memref<!tpu.dma_semaphore, #tpu.memory_space<semaphore_mem>>)
    %dma_wait3A_290 = arith.constant 0 : i32
    %dma_wait3A_291 = tpu.memref_slice %arg4[%select_n3A, %add3A_283, %dma_wait3A_290] : memref<4x4096x1024xf32, #tpu.memory_space<hbm>> -> memref<1x16x1024xf32, #tpu.memory_space<hbm>>
    %dma_wait3A_292 = tpu.memref_squeeze %dma_wait3A_291 : memref<1x16x1024xf32, #tpu.memory_space<hbm>> -> memref<16x1024xf32, #tpu.memory_space<hbm>>
    %dma_wait3A_293 = arith.constant 0 : i32
    %dma_wait3A_294 = tpu.memref_slice %arg4[%select_n3A, %add3A_283, %dma_wait3A_293] : memref<4x4096x1024xf32, #tpu.memory_space<hbm>> -> memref<1x16x1024xf32, #tpu.memory_space<hbm>>
    %dma_wait3A_295 = tpu.memref_squeeze %dma_wait3A_294 : memref<1x16x1024xf32, #tpu.memory_space<hbm>> -> memref<16x1024xf32, #tpu.memory_space<hbm>>
    tpu.wait_dma2 semaphore(%arg21 : memref<!tpu.dma_semaphore, #tpu.memory_space<semaphore_mem>>) src(%arg9 : memref<16x1024xf32, #tpu.memory_space<vmem>>) dst(%dma_wait3A_295 : memref<16x1024xf32, #tpu.memory_space<hbm>>)
    %dma_start3A_296 = arith.constant 240 : i32
    %dma_start3A_297 = tpu.memref_slice %arg5[%dma_start3A_296] : memref<512xi32, #tpu.memory_space<vmem>> -> memref<16xi32, #tpu.memory_space<vmem>>
    %dma_start3A_298 = arith.constant 0 : i32
    %dma_start3A_299 = arith.constant 0 : i32
    %dma_start3A_300 = tpu.memref_slice %arg3[%dma_start3A_298, %dma_start3A_299] : memref<100000x1024xf32, #tpu.memory_space<hbm>> -> memref<100000x1024xf32, #tpu.memory_space<hbm>>
    tpu.enqueue_indirect_dma source(%dma_start3A_300 : memref<100000x1024xf32, #tpu.memory_space<hbm>>) target(%arg9 : memref<16x1024xf32, #tpu.memory_space<vmem>>) offsets(%dma_start3A_297 : memref<16xi32, #tpu.memory_space<vmem>>) semaphore(%arg15 : memref<!tpu.dma_semaphore, #tpu.memory_space<semaphore_mem>>)
    %dma_wait3A_301 = arith.constant 160 : i32
    %dma_wait3A_302 = tpu.memref_slice %arg5[%dma_wait3A_301] : memref<512xi32, #tpu.memory_space<vmem>> -> memref<16xi32, #tpu.memory_space<vmem>>
    %dma_wait3A_303 = arith.constant 0 : i32
    %dma_wait3A_304 = arith.constant 0 : i32
    %dma_wait3A_305 = tpu.memref_slice %arg3[%dma_wait3A_303, %dma_wait3A_304] : memref<100000x1024xf32, #tpu.memory_space<hbm>> -> memref<100000x1024xf32, #tpu.memory_space<hbm>>
    tpu.wait_indirect_dma semaphore(%arg16 : memref<!tpu.dma_semaphore, #tpu.memory_space<semaphore_mem>>) src(%dma_wait3A_305 : memref<100000x1024xf32, #tpu.memory_space<hbm>>) dst(%arg10 : memref<16x1024xf32, #tpu.memory_space<vmem>>)
    %add3A_306 = arith.constant 160 : i32
    %add3A_307 = arith.addi %mul3A_32, %add3A_306 : i32
    %dma_start3A_308 = arith.constant 0 : i32
    %dma_start3A_309 = tpu.memref_slice %arg4[%select_n3A, %add3A_307, %dma_start3A_308] : memref<4x4096x1024xf32, #tpu.memory_space<hbm>> -> memref<1x16x1024xf32, #tpu.memory_space<hbm>>
    %dma_start3A_310 = tpu.memref_squeeze %dma_start3A_309 : memref<1x16x1024xf32, #tpu.memory_space<hbm>> -> memref<16x1024xf32, #tpu.memory_space<hbm>>
    %dma_start3A_311 = arith.constant 0 : i32
    %dma_start3A_312 = tpu.memref_slice %arg4[%select_n3A, %add3A_307, %dma_start3A_311] : memref<4x4096x1024xf32, #tpu.memory_space<hbm>> -> memref<1x16x1024xf32, #tpu.memory_space<hbm>>
    %dma_start3A_313 = tpu.memref_squeeze %dma_start3A_312 : memref<1x16x1024xf32, #tpu.memory_space<hbm>> -> memref<16x1024xf32, #tpu.memory_space<hbm>>
    tpu.enqueue_dma source(%arg10 : memref<16x1024xf32, #tpu.memory_space<vmem>>) target(%dma_start3A_313 : memref<16x1024xf32, #tpu.memory_space<hbm>>) target_semaphore(%arg22 : memref<!tpu.dma_semaphore, #tpu.memory_space<semaphore_mem>>)
    %dma_wait3A_314 = arith.constant 0 : i32
    %dma_wait3A_315 = tpu.memref_slice %arg4[%select_n3A, %add3A_307, %dma_wait3A_314] : memref<4x4096x1024xf32, #tpu.memory_space<hbm>> -> memref<1x16x1024xf32, #tpu.memory_space<hbm>>
    %dma_wait3A_316 = tpu.memref_squeeze %dma_wait3A_315 : memref<1x16x1024xf32, #tpu.memory_space<hbm>> -> memref<16x1024xf32, #tpu.memory_space<hbm>>
    %dma_wait3A_317 = arith.constant 0 : i32
    %dma_wait3A_318 = tpu.memref_slice %arg4[%select_n3A, %add3A_307, %dma_wait3A_317] : memref<4x4096x1024xf32, #tpu.memory_space<hbm>> -> memref<1x16x1024xf32, #tpu.memory_space<hbm>>
    %dma_wait3A_319 = tpu.memref_squeeze %dma_wait3A_318 : memref<1x16x1024xf32, #tpu.memory_space<hbm>> -> memref<16x1024xf32, #tpu.memory_space<hbm>>
    tpu.wait_dma2 semaphore(%arg22 : memref<!tpu.dma_semaphore, #tpu.memory_space<semaphore_mem>>) src(%arg10 : memref<16x1024xf32, #tpu.memory_space<vmem>>) dst(%dma_wait3A_319 : memref<16x1024xf32, #tpu.memory_space<hbm>>)
    %dma_start3A_320 = arith.constant 256 : i32
    %dma_start3A_321 = tpu.memref_slice %arg5[%dma_start3A_320] : memref<512xi32, #tpu.memory_space<vmem>> -> memref<16xi32, #tpu.memory_space<vmem>>
    %dma_start3A_322 = arith.constant 0 : i32
    %dma_start3A_323 = arith.constant 0 : i32
    %dma_start3A_324 = tpu.memref_slice %arg3[%dma_start3A_322, %dma_start3A_323] : memref<100000x1024xf32, #tpu.memory_space<hbm>> -> memref<100000x1024xf32, #tpu.memory_space<hbm>>
    tpu.enqueue_indirect_dma source(%dma_start3A_324 : memref<100000x1024xf32, #tpu.memory_space<hbm>>) target(%arg10 : memref<16x1024xf32, #tpu.memory_space<vmem>>) offsets(%dma_start3A_321 : memref<16xi32, #tpu.memory_space<vmem>>) semaphore(%arg16 : memref<!tpu.dma_semaphore, #tpu.memory_space<semaphore_mem>>)
    %dma_wait3A_325 = arith.constant 176 : i32
    %dma_wait3A_326 = tpu.memref_slice %arg5[%dma_wait3A_325] : memref<512xi32, #tpu.memory_space<vmem>> -> memref<16xi32, #tpu.memory_space<vmem>>
    %dma_wait3A_327 = arith.constant 0 : i32
    %dma_wait3A_328 = arith.constant 0 : i32
    %dma_wait3A_329 = tpu.memref_slice %arg3[%dma_wait3A_327, %dma_wait3A_328] : memref<100000x1024xf32, #tpu.memory_space<hbm>> -> memref<100000x1024xf32, #tpu.memory_space<hbm>>
    tpu.wait_indirect_dma semaphore(%arg17 : memref<!tpu.dma_semaphore, #tpu.memory_space<semaphore_mem>>) src(%dma_wait3A_329 : memref<100000x1024xf32, #tpu.memory_space<hbm>>) dst(%arg11 : memref<16x1024xf32, #tpu.memory_space<vmem>>)
    %add3A_330 = arith.constant 176 : i32
    %add3A_331 = arith.addi %mul3A_32, %add3A_330 : i32
    %dma_start3A_332 = arith.constant 0 : i32
    %dma_start3A_333 = tpu.memref_slice %arg4[%select_n3A, %add3A_331, %dma_start3A_332] : memref<4x4096x1024xf32, #tpu.memory_space<hbm>> -> memref<1x16x1024xf32, #tpu.memory_space<hbm>>
    %dma_start3A_334 = tpu.memref_squeeze %dma_start3A_333 : memref<1x16x1024xf32, #tpu.memory_space<hbm>> -> memref<16x1024xf32, #tpu.memory_space<hbm>>
    %dma_start3A_335 = arith.constant 0 : i32
    %dma_start3A_336 = tpu.memref_slice %arg4[%select_n3A, %add3A_331, %dma_start3A_335] : memref<4x4096x1024xf32, #tpu.memory_space<hbm>> -> memref<1x16x1024xf32, #tpu.memory_space<hbm>>
    %dma_start3A_337 = tpu.memref_squeeze %dma_start3A_336 : memref<1x16x1024xf32, #tpu.memory_space<hbm>> -> memref<16x1024xf32, #tpu.memory_space<hbm>>
    tpu.enqueue_dma source(%arg11 : memref<16x1024xf32, #tpu.memory_space<vmem>>) target(%dma_start3A_337 : memref<16x1024xf32, #tpu.memory_space<hbm>>) target_semaphore(%arg23 : memref<!tpu.dma_semaphore, #tpu.memory_space<semaphore_mem>>)
    %dma_wait3A_338 = arith.constant 0 : i32
    %dma_wait3A_339 = tpu.memref_slice %arg4[%select_n3A, %add3A_331, %dma_wait3A_338] : memref<4x4096x1024xf32, #tpu.memory_space<hbm>> -> memref<1x16x1024xf32, #tpu.memory_space<hbm>>
    %dma_wait3A_340 = tpu.memref_squeeze %dma_wait3A_339 : memref<1x16x1024xf32, #tpu.memory_space<hbm>> -> memref<16x1024xf32, #tpu.memory_space<hbm>>
    %dma_wait3A_341 = arith.constant 0 : i32
    %dma_wait3A_342 = tpu.memref_slice %arg4[%select_n3A, %add3A_331, %dma_wait3A_341] : memref<4x4096x1024xf32, #tpu.memory_space<hbm>> -> memref<1x16x1024xf32, #tpu.memory_space<hbm>>
    %dma_wait3A_343 = tpu.memref_squeeze %dma_wait3A_342 : memref<1x16x1024xf32, #tpu.memory_space<hbm>> -> memref<16x1024xf32, #tpu.memory_space<hbm>>
    tpu.wait_dma2 semaphore(%arg23 : memref<!tpu.dma_semaphore, #tpu.memory_space<semaphore_mem>>) src(%arg11 : memref<16x1024xf32, #tpu.memory_space<vmem>>) dst(%dma_wait3A_343 : memref<16x1024xf32, #tpu.memory_space<hbm>>)
    %dma_start3A_344 = arith.constant 272 : i32
    %dma_start3A_345 = tpu.memref_slice %arg5[%dma_start3A_344] : memref<512xi32, #tpu.memory_space<vmem>> -> memref<16xi32, #tpu.memory_space<vmem>>
    %dma_start3A_346 = arith.constant 0 : i32
    %dma_start3A_347 = arith.constant 0 : i32
    %dma_start3A_348 = tpu.memref_slice %arg3[%dma_start3A_346, %dma_start3A_347] : memref<100000x1024xf32, #tpu.memory_space<hbm>> -> memref<100000x1024xf32, #tpu.memory_space<hbm>>
    tpu.enqueue_indirect_dma source(%dma_start3A_348 : memref<100000x1024xf32, #tpu.memory_space<hbm>>) target(%arg11 : memref<16x1024xf32, #tpu.memory_space<vmem>>) offsets(%dma_start3A_345 : memref<16xi32, #tpu.memory_space<vmem>>) semaphore(%arg17 : memref<!tpu.dma_semaphore, #tpu.memory_space<semaphore_mem>>)
    %dma_wait3A_349 = arith.constant 192 : i32
    %dma_wait3A_350 = tpu.memref_slice %arg5[%dma_wait3A_349] : memref<512xi32, #tpu.memory_space<vmem>> -> memref<16xi32, #tpu.memory_space<vmem>>
    %dma_wait3A_351 = arith.constant 0 : i32
    %dma_wait3A_352 = arith.constant 0 : i32
    %dma_wait3A_353 = tpu.memref_slice %arg3[%dma_wait3A_351, %dma_wait3A_352] : memref<100000x1024xf32, #tpu.memory_space<hbm>> -> memref<100000x1024xf32, #tpu.memory_space<hbm>>
    tpu.wait_indirect_dma semaphore(%arg12 : memref<!tpu.dma_semaphore, #tpu.memory_space<semaphore_mem>>) src(%dma_wait3A_353 : memref<100000x1024xf32, #tpu.memory_space<hbm>>) dst(%arg6 : memref<16x1024xf32, #tpu.memory_space<vmem>>)
    %add3A_354 = arith.constant 192 : i32
    %add3A_355 = arith.addi %mul3A_32, %add3A_354 : i32
    %dma_start3A_356 = arith.constant 0 : i32
    %dma_start3A_357 = tpu.memref_slice %arg4[%select_n3A, %add3A_355, %dma_start3A_356] : memref<4x4096x1024xf32, #tpu.memory_space<hbm>> -> memref<1x16x1024xf32, #tpu.memory_space<hbm>>
    %dma_start3A_358 = tpu.memref_squeeze %dma_start3A_357 : memref<1x16x1024xf32, #tpu.memory_space<hbm>> -> memref<16x1024xf32, #tpu.memory_space<hbm>>
    %dma_start3A_359 = arith.constant 0 : i32
    %dma_start3A_360 = tpu.memref_slice %arg4[%select_n3A, %add3A_355, %dma_start3A_359] : memref<4x4096x1024xf32, #tpu.memory_space<hbm>> -> memref<1x16x1024xf32, #tpu.memory_space<hbm>>
    %dma_start3A_361 = tpu.memref_squeeze %dma_start3A_360 : memref<1x16x1024xf32, #tpu.memory_space<hbm>> -> memref<16x1024xf32, #tpu.memory_space<hbm>>
    tpu.enqueue_dma source(%arg6 : memref<16x1024xf32, #tpu.memory_space<vmem>>) target(%dma_start3A_361 : memref<16x1024xf32, #tpu.memory_space<hbm>>) target_semaphore(%arg18 : memref<!tpu.dma_semaphore, #tpu.memory_space<semaphore_mem>>)
    %dma_wait3A_362 = arith.constant 0 : i32
    %dma_wait3A_363 = tpu.memref_slice %arg4[%select_n3A, %add3A_355, %dma_wait3A_362] : memref<4x4096x1024xf32, #tpu.memory_space<hbm>> -> memref<1x16x1024xf32, #tpu.memory_space<hbm>>
    %dma_wait3A_364 = tpu.memref_squeeze %dma_wait3A_363 : memref<1x16x1024xf32, #tpu.memory_space<hbm>> -> memref<16x1024xf32, #tpu.memory_space<hbm>>
    %dma_wait3A_365 = arith.constant 0 : i32
    %dma_wait3A_366 = tpu.memref_slice %arg4[%select_n3A, %add3A_355, %dma_wait3A_365] : memref<4x4096x1024xf32, #tpu.memory_space<hbm>> -> memref<1x16x1024xf32, #tpu.memory_space<hbm>>
    %dma_wait3A_367 = tpu.memref_squeeze %dma_wait3A_366 : memref<1x16x1024xf32, #tpu.memory_space<hbm>> -> memref<16x1024xf32, #tpu.memory_space<hbm>>
    tpu.wait_dma2 semaphore(%arg18 : memref<!tpu.dma_semaphore, #tpu.memory_space<semaphore_mem>>) src(%arg6 : memref<16x1024xf32, #tpu.memory_space<vmem>>) dst(%dma_wait3A_367 : memref<16x1024xf32, #tpu.memory_space<hbm>>)
    %dma_start3A_368 = arith.constant 288 : i32
    %dma_start3A_369 = tpu.memref_slice %arg5[%dma_start3A_368] : memref<512xi32, #tpu.memory_space<vmem>> -> memref<16xi32, #tpu.memory_space<vmem>>
    %dma_start3A_370 = arith.constant 0 : i32
    %dma_start3A_371 = arith.constant 0 : i32
    %dma_start3A_372 = tpu.memref_slice %arg3[%dma_start3A_370, %dma_start3A_371] : memref<100000x1024xf32, #tpu.memory_space<hbm>> -> memref<100000x1024xf32, #tpu.memory_space<hbm>>
    tpu.enqueue_indirect_dma source(%dma_start3A_372 : memref<100000x1024xf32, #tpu.memory_space<hbm>>) target(%arg6 : memref<16x1024xf32, #tpu.memory_space<vmem>>) offsets(%dma_start3A_369 : memref<16xi32, #tpu.memory_space<vmem>>) semaphore(%arg12 : memref<!tpu.dma_semaphore, #tpu.memory_space<semaphore_mem>>)
    %dma_wait3A_373 = arith.constant 208 : i32
    %dma_wait3A_374 = tpu.memref_slice %arg5[%dma_wait3A_373] : memref<512xi32, #tpu.memory_space<vmem>> -> memref<16xi32, #tpu.memory_space<vmem>>
    %dma_wait3A_375 = arith.constant 0 : i32
    %dma_wait3A_376 = arith.constant 0 : i32
    %dma_wait3A_377 = tpu.memref_slice %arg3[%dma_wait3A_375, %dma_wait3A_376] : memref<100000x1024xf32, #tpu.memory_space<hbm>> -> memref<100000x1024xf32, #tpu.memory_space<hbm>>
    tpu.wait_indirect_dma semaphore(%arg13 : memref<!tpu.dma_semaphore, #tpu.memory_space<semaphore_mem>>) src(%dma_wait3A_377 : memref<100000x1024xf32, #tpu.memory_space<hbm>>) dst(%arg7 : memref<16x1024xf32, #tpu.memory_space<vmem>>)
    %add3A_378 = arith.constant 208 : i32
    %add3A_379 = arith.addi %mul3A_32, %add3A_378 : i32
    %dma_start3A_380 = arith.constant 0 : i32
    %dma_start3A_381 = tpu.memref_slice %arg4[%select_n3A, %add3A_379, %dma_start3A_380] : memref<4x4096x1024xf32, #tpu.memory_space<hbm>> -> memref<1x16x1024xf32, #tpu.memory_space<hbm>>
    %dma_start3A_382 = tpu.memref_squeeze %dma_start3A_381 : memref<1x16x1024xf32, #tpu.memory_space<hbm>> -> memref<16x1024xf32, #tpu.memory_space<hbm>>
    %dma_start3A_383 = arith.constant 0 : i32
    %dma_start3A_384 = tpu.memref_slice %arg4[%select_n3A, %add3A_379, %dma_start3A_383] : memref<4x4096x1024xf32, #tpu.memory_space<hbm>> -> memref<1x16x1024xf32, #tpu.memory_space<hbm>>
    %dma_start3A_385 = tpu.memref_squeeze %dma_start3A_384 : memref<1x16x1024xf32, #tpu.memory_space<hbm>> -> memref<16x1024xf32, #tpu.memory_space<hbm>>
    tpu.enqueue_dma source(%arg7 : memref<16x1024xf32, #tpu.memory_space<vmem>>) target(%dma_start3A_385 : memref<16x1024xf32, #tpu.memory_space<hbm>>) target_semaphore(%arg19 : memref<!tpu.dma_semaphore, #tpu.memory_space<semaphore_mem>>)
    %dma_wait3A_386 = arith.constant 0 : i32
    %dma_wait3A_387 = tpu.memref_slice %arg4[%select_n3A, %add3A_379, %dma_wait3A_386] : memref<4x4096x1024xf32, #tpu.memory_space<hbm>> -> memref<1x16x1024xf32, #tpu.memory_space<hbm>>
    %dma_wait3A_388 = tpu.memref_squeeze %dma_wait3A_387 : memref<1x16x1024xf32, #tpu.memory_space<hbm>> -> memref<16x1024xf32, #tpu.memory_space<hbm>>
    %dma_wait3A_389 = arith.constant 0 : i32
    %dma_wait3A_390 = tpu.memref_slice %arg4[%select_n3A, %add3A_379, %dma_wait3A_389] : memref<4x4096x1024xf32, #tpu.memory_space<hbm>> -> memref<1x16x1024xf32, #tpu.memory_space<hbm>>
    %dma_wait3A_391 = tpu.memref_squeeze %dma_wait3A_390 : memref<1x16x1024xf32, #tpu.memory_space<hbm>> -> memref<16x1024xf32, #tpu.memory_space<hbm>>
    tpu.wait_dma2 semaphore(%arg19 : memref<!tpu.dma_semaphore, #tpu.memory_space<semaphore_mem>>) src(%arg7 : memref<16x1024xf32, #tpu.memory_space<vmem>>) dst(%dma_wait3A_391 : memref<16x1024xf32, #tpu.memory_space<hbm>>)
    %dma_start3A_392 = arith.constant 304 : i32
    %dma_start3A_393 = tpu.memref_slice %arg5[%dma_start3A_392] : memref<512xi32, #tpu.memory_space<vmem>> -> memref<16xi32, #tpu.memory_space<vmem>>
    %dma_start3A_394 = arith.constant 0 : i32
    %dma_start3A_395 = arith.constant 0 : i32
    %dma_start3A_396 = tpu.memref_slice %arg3[%dma_start3A_394, %dma_start3A_395] : memref<100000x1024xf32, #tpu.memory_space<hbm>> -> memref<100000x1024xf32, #tpu.memory_space<hbm>>
    tpu.enqueue_indirect_dma source(%dma_start3A_396 : memref<100000x1024xf32, #tpu.memory_space<hbm>>) target(%arg7 : memref<16x1024xf32, #tpu.memory_space<vmem>>) offsets(%dma_start3A_393 : memref<16xi32, #tpu.memory_space<vmem>>) semaphore(%arg13 : memref<!tpu.dma_semaphore, #tpu.memory_space<semaphore_mem>>)
    %dma_wait3A_397 = arith.constant 224 : i32
    %dma_wait3A_398 = tpu.memref_slice %arg5[%dma_wait3A_397] : memref<512xi32, #tpu.memory_space<vmem>> -> memref<16xi32, #tpu.memory_space<vmem>>
    %dma_wait3A_399 = arith.constant 0 : i32
    %dma_wait3A_400 = arith.constant 0 : i32
    %dma_wait3A_401 = tpu.memref_slice %arg3[%dma_wait3A_399, %dma_wait3A_400] : memref<100000x1024xf32, #tpu.memory_space<hbm>> -> memref<100000x1024xf32, #tpu.memory_space<hbm>>
    tpu.wait_indirect_dma semaphore(%arg14 : memref<!tpu.dma_semaphore, #tpu.memory_space<semaphore_mem>>) src(%dma_wait3A_401 : memref<100000x1024xf32, #tpu.memory_space<hbm>>) dst(%arg8 : memref<16x1024xf32, #tpu.memory_space<vmem>>)
    %add3A_402 = arith.constant 224 : i32
    %add3A_403 = arith.addi %mul3A_32, %add3A_402 : i32
    %dma_start3A_404 = arith.constant 0 : i32
    %dma_start3A_405 = tpu.memref_slice %arg4[%select_n3A, %add3A_403, %dma_start3A_404] : memref<4x4096x1024xf32, #tpu.memory_space<hbm>> -> memref<1x16x1024xf32, #tpu.memory_space<hbm>>
    %dma_start3A_406 = tpu.memref_squeeze %dma_start3A_405 : memref<1x16x1024xf32, #tpu.memory_space<hbm>> -> memref<16x1024xf32, #tpu.memory_space<hbm>>
    %dma_start3A_407 = arith.constant 0 : i32
    %dma_start3A_408 = tpu.memref_slice %arg4[%select_n3A, %add3A_403, %dma_start3A_407] : memref<4x4096x1024xf32, #tpu.memory_space<hbm>> -> memref<1x16x1024xf32, #tpu.memory_space<hbm>>
    %dma_start3A_409 = tpu.memref_squeeze %dma_start3A_408 : memref<1x16x1024xf32, #tpu.memory_space<hbm>> -> memref<16x1024xf32, #tpu.memory_space<hbm>>
    tpu.enqueue_dma source(%arg8 : memref<16x1024xf32, #tpu.memory_space<vmem>>) target(%dma_start3A_409 : memref<16x1024xf32, #tpu.memory_space<hbm>>) target_semaphore(%arg20 : memref<!tpu.dma_semaphore, #tpu.memory_space<semaphore_mem>>)
    %dma_wait3A_410 = arith.constant 0 : i32
    %dma_wait3A_411 = tpu.memref_slice %arg4[%select_n3A, %add3A_403, %dma_wait3A_410] : memref<4x4096x1024xf32, #tpu.memory_space<hbm>> -> memref<1x16x1024xf32, #tpu.memory_space<hbm>>
    %dma_wait3A_412 = tpu.memref_squeeze %dma_wait3A_411 : memref<1x16x1024xf32, #tpu.memory_space<hbm>> -> memref<16x1024xf32, #tpu.memory_space<hbm>>
    %dma_wait3A_413 = arith.constant 0 : i32
    %dma_wait3A_414 = tpu.memref_slice %arg4[%select_n3A, %add3A_403, %dma_wait3A_413] : memref<4x4096x1024xf32, #tpu.memory_space<hbm>> -> memref<1x16x1024xf32, #tpu.memory_space<hbm>>
    %dma_wait3A_415 = tpu.memref_squeeze %dma_wait3A_414 : memref<1x16x1024xf32, #tpu.memory_space<hbm>> -> memref<16x1024xf32, #tpu.memory_space<hbm>>
    tpu.wait_dma2 semaphore(%arg20 : memref<!tpu.dma_semaphore, #tpu.memory_space<semaphore_mem>>) src(%arg8 : memref<16x1024xf32, #tpu.memory_space<vmem>>) dst(%dma_wait3A_415 : memref<16x1024xf32, #tpu.memory_space<hbm>>)
    %dma_start3A_416 = arith.constant 320 : i32
    %dma_start3A_417 = tpu.memref_slice %arg5[%dma_start3A_416] : memref<512xi32, #tpu.memory_space<vmem>> -> memref<16xi32, #tpu.memory_space<vmem>>
    %dma_start3A_418 = arith.constant 0 : i32
    %dma_start3A_419 = arith.constant 0 : i32
    %dma_start3A_420 = tpu.memref_slice %arg3[%dma_start3A_418, %dma_start3A_419] : memref<100000x1024xf32, #tpu.memory_space<hbm>> -> memref<100000x1024xf32, #tpu.memory_space<hbm>>
    tpu.enqueue_indirect_dma source(%dma_start3A_420 : memref<100000x1024xf32, #tpu.memory_space<hbm>>) target(%arg8 : memref<16x1024xf32, #tpu.memory_space<vmem>>) offsets(%dma_start3A_417 : memref<16xi32, #tpu.memory_space<vmem>>) semaphore(%arg14 : memref<!tpu.dma_semaphore, #tpu.memory_space<semaphore_mem>>)
    %dma_wait3A_421 = arith.constant 240 : i32
    %dma_wait3A_422 = tpu.memref_slice %arg5[%dma_wait3A_421] : memref<512xi32, #tpu.memory_space<vmem>> -> memref<16xi32, #tpu.memory_space<vmem>>
    %dma_wait3A_423 = arith.constant 0 : i32
    %dma_wait3A_424 = arith.constant 0 : i32
    %dma_wait3A_425 = tpu.memref_slice %arg3[%dma_wait3A_423, %dma_wait3A_424] : memref<100000x1024xf32, #tpu.memory_space<hbm>> -> memref<100000x1024xf32, #tpu.memory_space<hbm>>
    tpu.wait_indirect_dma semaphore(%arg15 : memref<!tpu.dma_semaphore, #tpu.memory_space<semaphore_mem>>) src(%dma_wait3A_425 : memref<100000x1024xf32, #tpu.memory_space<hbm>>) dst(%arg9 : memref<16x1024xf32, #tpu.memory_space<vmem>>)
    %add3A_426 = arith.constant 240 : i32
    %add3A_427 = arith.addi %mul3A_32, %add3A_426 : i32
    %dma_start3A_428 = arith.constant 0 : i32
    %dma_start3A_429 = tpu.memref_slice %arg4[%select_n3A, %add3A_427, %dma_start3A_428] : memref<4x4096x1024xf32, #tpu.memory_space<hbm>> -> memref<1x16x1024xf32, #tpu.memory_space<hbm>>
    %dma_start3A_430 = tpu.memref_squeeze %dma_start3A_429 : memref<1x16x1024xf32, #tpu.memory_space<hbm>> -> memref<16x1024xf32, #tpu.memory_space<hbm>>
    %dma_start3A_431 = arith.constant 0 : i32
    %dma_start3A_432 = tpu.memref_slice %arg4[%select_n3A, %add3A_427, %dma_start3A_431] : memref<4x4096x1024xf32, #tpu.memory_space<hbm>> -> memref<1x16x1024xf32, #tpu.memory_space<hbm>>
    %dma_start3A_433 = tpu.memref_squeeze %dma_start3A_432 : memref<1x16x1024xf32, #tpu.memory_space<hbm>> -> memref<16x1024xf32, #tpu.memory_space<hbm>>
    tpu.enqueue_dma source(%arg9 : memref<16x1024xf32, #tpu.memory_space<vmem>>) target(%dma_start3A_433 : memref<16x1024xf32, #tpu.memory_space<hbm>>) target_semaphore(%arg21 : memref<!tpu.dma_semaphore, #tpu.memory_space<semaphore_mem>>)
    %dma_wait3A_434 = arith.constant 0 : i32
    %dma_wait3A_435 = tpu.memref_slice %arg4[%select_n3A, %add3A_427, %dma_wait3A_434] : memref<4x4096x1024xf32, #tpu.memory_space<hbm>> -> memref<1x16x1024xf32, #tpu.memory_space<hbm>>
    %dma_wait3A_436 = tpu.memref_squeeze %dma_wait3A_435 : memref<1x16x1024xf32, #tpu.memory_space<hbm>> -> memref<16x1024xf32, #tpu.memory_space<hbm>>
    %dma_wait3A_437 = arith.constant 0 : i32
    %dma_wait3A_438 = tpu.memref_slice %arg4[%select_n3A, %add3A_427, %dma_wait3A_437] : memref<4x4096x1024xf32, #tpu.memory_space<hbm>> -> memref<1x16x1024xf32, #tpu.memory_space<hbm>>
    %dma_wait3A_439 = tpu.memref_squeeze %dma_wait3A_438 : memref<1x16x1024xf32, #tpu.memory_space<hbm>> -> memref<16x1024xf32, #tpu.memory_space<hbm>>
    tpu.wait_dma2 semaphore(%arg21 : memref<!tpu.dma_semaphore, #tpu.memory_space<semaphore_mem>>) src(%arg9 : memref<16x1024xf32, #tpu.memory_space<vmem>>) dst(%dma_wait3A_439 : memref<16x1024xf32, #tpu.memory_space<hbm>>)
    %dma_start3A_440 = arith.constant 336 : i32
    %dma_start3A_441 = tpu.memref_slice %arg5[%dma_start3A_440] : memref<512xi32, #tpu.memory_space<vmem>> -> memref<16xi32, #tpu.memory_space<vmem>>
    %dma_start3A_442 = arith.constant 0 : i32
    %dma_start3A_443 = arith.constant 0 : i32
    %dma_start3A_444 = tpu.memref_slice %arg3[%dma_start3A_442, %dma_start3A_443] : memref<100000x1024xf32, #tpu.memory_space<hbm>> -> memref<100000x1024xf32, #tpu.memory_space<hbm>>
    tpu.enqueue_indirect_dma source(%dma_start3A_444 : memref<100000x1024xf32, #tpu.memory_space<hbm>>) target(%arg9 : memref<16x1024xf32, #tpu.memory_space<vmem>>) offsets(%dma_start3A_441 : memref<16xi32, #tpu.memory_space<vmem>>) semaphore(%arg15 : memref<!tpu.dma_semaphore, #tpu.memory_space<semaphore_mem>>)
    %dma_wait3A_445 = arith.constant 256 : i32
    %dma_wait3A_446 = tpu.memref_slice %arg5[%dma_wait3A_445] : memref<512xi32, #tpu.memory_space<vmem>> -> memref<16xi32, #tpu.memory_space<vmem>>
    %dma_wait3A_447 = arith.constant 0 : i32
    %dma_wait3A_448 = arith.constant 0 : i32
    %dma_wait3A_449 = tpu.memref_slice %arg3[%dma_wait3A_447, %dma_wait3A_448] : memref<100000x1024xf32, #tpu.memory_space<hbm>> -> memref<100000x1024xf32, #tpu.memory_space<hbm>>
    tpu.wait_indirect_dma semaphore(%arg16 : memref<!tpu.dma_semaphore, #tpu.memory_space<semaphore_mem>>) src(%dma_wait3A_449 : memref<100000x1024xf32, #tpu.memory_space<hbm>>) dst(%arg10 : memref<16x1024xf32, #tpu.memory_space<vmem>>)
    %add3A_450 = arith.constant 256 : i32
    %add3A_451 = arith.addi %mul3A_32, %add3A_450 : i32
    %dma_start3A_452 = arith.constant 0 : i32
    %dma_start3A_453 = tpu.memref_slice %arg4[%select_n3A, %add3A_451, %dma_start3A_452] : memref<4x4096x1024xf32, #tpu.memory_space<hbm>> -> memref<1x16x1024xf32, #tpu.memory_space<hbm>>
    %dma_start3A_454 = tpu.memref_squeeze %dma_start3A_453 : memref<1x16x1024xf32, #tpu.memory_space<hbm>> -> memref<16x1024xf32, #tpu.memory_space<hbm>>
    %dma_start3A_455 = arith.constant 0 : i32
    %dma_start3A_456 = tpu.memref_slice %arg4[%select_n3A, %add3A_451, %dma_start3A_455] : memref<4x4096x1024xf32, #tpu.memory_space<hbm>> -> memref<1x16x1024xf32, #tpu.memory_space<hbm>>
    %dma_start3A_457 = tpu.memref_squeeze %dma_start3A_456 : memref<1x16x1024xf32, #tpu.memory_space<hbm>> -> memref<16x1024xf32, #tpu.memory_space<hbm>>
    tpu.enqueue_dma source(%arg10 : memref<16x1024xf32, #tpu.memory_space<vmem>>) target(%dma_start3A_457 : memref<16x1024xf32, #tpu.memory_space<hbm>>) target_semaphore(%arg22 : memref<!tpu.dma_semaphore, #tpu.memory_space<semaphore_mem>>)
    %dma_wait3A_458 = arith.constant 0 : i32
    %dma_wait3A_459 = tpu.memref_slice %arg4[%select_n3A, %add3A_451, %dma_wait3A_458] : memref<4x4096x1024xf32, #tpu.memory_space<hbm>> -> memref<1x16x1024xf32, #tpu.memory_space<hbm>>
    %dma_wait3A_460 = tpu.memref_squeeze %dma_wait3A_459 : memref<1x16x1024xf32, #tpu.memory_space<hbm>> -> memref<16x1024xf32, #tpu.memory_space<hbm>>
    %dma_wait3A_461 = arith.constant 0 : i32
    %dma_wait3A_462 = tpu.memref_slice %arg4[%select_n3A, %add3A_451, %dma_wait3A_461] : memref<4x4096x1024xf32, #tpu.memory_space<hbm>> -> memref<1x16x1024xf32, #tpu.memory_space<hbm>>
    %dma_wait3A_463 = tpu.memref_squeeze %dma_wait3A_462 : memref<1x16x1024xf32, #tpu.memory_space<hbm>> -> memref<16x1024xf32, #tpu.memory_space<hbm>>
    tpu.wait_dma2 semaphore(%arg22 : memref<!tpu.dma_semaphore, #tpu.memory_space<semaphore_mem>>) src(%arg10 : memref<16x1024xf32, #tpu.memory_space<vmem>>) dst(%dma_wait3A_463 : memref<16x1024xf32, #tpu.memory_space<hbm>>)
    %dma_start3A_464 = arith.constant 352 : i32
    %dma_start3A_465 = tpu.memref_slice %arg5[%dma_start3A_464] : memref<512xi32, #tpu.memory_space<vmem>> -> memref<16xi32, #tpu.memory_space<vmem>>
    %dma_start3A_466 = arith.constant 0 : i32
    %dma_start3A_467 = arith.constant 0 : i32
    %dma_start3A_468 = tpu.memref_slice %arg3[%dma_start3A_466, %dma_start3A_467] : memref<100000x1024xf32, #tpu.memory_space<hbm>> -> memref<100000x1024xf32, #tpu.memory_space<hbm>>
    tpu.enqueue_indirect_dma source(%dma_start3A_468 : memref<100000x1024xf32, #tpu.memory_space<hbm>>) target(%arg10 : memref<16x1024xf32, #tpu.memory_space<vmem>>) offsets(%dma_start3A_465 : memref<16xi32, #tpu.memory_space<vmem>>) semaphore(%arg16 : memref<!tpu.dma_semaphore, #tpu.memory_space<semaphore_mem>>)
    %dma_wait3A_469 = arith.constant 272 : i32
    %dma_wait3A_470 = tpu.memref_slice %arg5[%dma_wait3A_469] : memref<512xi32, #tpu.memory_space<vmem>> -> memref<16xi32, #tpu.memory_space<vmem>>
    %dma_wait3A_471 = arith.constant 0 : i32
    %dma_wait3A_472 = arith.constant 0 : i32
    %dma_wait3A_473 = tpu.memref_slice %arg3[%dma_wait3A_471, %dma_wait3A_472] : memref<100000x1024xf32, #tpu.memory_space<hbm>> -> memref<100000x1024xf32, #tpu.memory_space<hbm>>
    tpu.wait_indirect_dma semaphore(%arg17 : memref<!tpu.dma_semaphore, #tpu.memory_space<semaphore_mem>>) src(%dma_wait3A_473 : memref<100000x1024xf32, #tpu.memory_space<hbm>>) dst(%arg11 : memref<16x1024xf32, #tpu.memory_space<vmem>>)
    %add3A_474 = arith.constant 272 : i32
    %add3A_475 = arith.addi %mul3A_32, %add3A_474 : i32
    %dma_start3A_476 = arith.constant 0 : i32
    %dma_start3A_477 = tpu.memref_slice %arg4[%select_n3A, %add3A_475, %dma_start3A_476] : memref<4x4096x1024xf32, #tpu.memory_space<hbm>> -> memref<1x16x1024xf32, #tpu.memory_space<hbm>>
    %dma_start3A_478 = tpu.memref_squeeze %dma_start3A_477 : memref<1x16x1024xf32, #tpu.memory_space<hbm>> -> memref<16x1024xf32, #tpu.memory_space<hbm>>
    %dma_start3A_479 = arith.constant 0 : i32
    %dma_start3A_480 = tpu.memref_slice %arg4[%select_n3A, %add3A_475, %dma_start3A_479] : memref<4x4096x1024xf32, #tpu.memory_space<hbm>> -> memref<1x16x1024xf32, #tpu.memory_space<hbm>>
    %dma_start3A_481 = tpu.memref_squeeze %dma_start3A_480 : memref<1x16x1024xf32, #tpu.memory_space<hbm>> -> memref<16x1024xf32, #tpu.memory_space<hbm>>
    tpu.enqueue_dma source(%arg11 : memref<16x1024xf32, #tpu.memory_space<vmem>>) target(%dma_start3A_481 : memref<16x1024xf32, #tpu.memory_space<hbm>>) target_semaphore(%arg23 : memref<!tpu.dma_semaphore, #tpu.memory_space<semaphore_mem>>)
    %dma_wait3A_482 = arith.constant 0 : i32
    %dma_wait3A_483 = tpu.memref_slice %arg4[%select_n3A, %add3A_475, %dma_wait3A_482] : memref<4x4096x1024xf32, #tpu.memory_space<hbm>> -> memref<1x16x1024xf32, #tpu.memory_space<hbm>>
    %dma_wait3A_484 = tpu.memref_squeeze %dma_wait3A_483 : memref<1x16x1024xf32, #tpu.memory_space<hbm>> -> memref<16x1024xf32, #tpu.memory_space<hbm>>
    %dma_wait3A_485 = arith.constant 0 : i32
    %dma_wait3A_486 = tpu.memref_slice %arg4[%select_n3A, %add3A_475, %dma_wait3A_485] : memref<4x4096x1024xf32, #tpu.memory_space<hbm>> -> memref<1x16x1024xf32, #tpu.memory_space<hbm>>
    %dma_wait3A_487 = tpu.memref_squeeze %dma_wait3A_486 : memref<1x16x1024xf32, #tpu.memory_space<hbm>> -> memref<16x1024xf32, #tpu.memory_space<hbm>>
    tpu.wait_dma2 semaphore(%arg23 : memref<!tpu.dma_semaphore, #tpu.memory_space<semaphore_mem>>) src(%arg11 : memref<16x1024xf32, #tpu.memory_space<vmem>>) dst(%dma_wait3A_487 : memref<16x1024xf32, #tpu.memory_space<hbm>>)
    %dma_start3A_488 = arith.constant 368 : i32
    %dma_start3A_489 = tpu.memref_slice %arg5[%dma_start3A_488] : memref<512xi32, #tpu.memory_space<vmem>> -> memref<16xi32, #tpu.memory_space<vmem>>
    %dma_start3A_490 = arith.constant 0 : i32
    %dma_start3A_491 = arith.constant 0 : i32
    %dma_start3A_492 = tpu.memref_slice %arg3[%dma_start3A_490, %dma_start3A_491] : memref<100000x1024xf32, #tpu.memory_space<hbm>> -> memref<100000x1024xf32, #tpu.memory_space<hbm>>
    tpu.enqueue_indirect_dma source(%dma_start3A_492 : memref<100000x1024xf32, #tpu.memory_space<hbm>>) target(%arg11 : memref<16x1024xf32, #tpu.memory_space<vmem>>) offsets(%dma_start3A_489 : memref<16xi32, #tpu.memory_space<vmem>>) semaphore(%arg17 : memref<!tpu.dma_semaphore, #tpu.memory_space<semaphore_mem>>)
    %dma_wait3A_493 = arith.constant 288 : i32
    %dma_wait3A_494 = tpu.memref_slice %arg5[%dma_wait3A_493] : memref<512xi32, #tpu.memory_space<vmem>> -> memref<16xi32, #tpu.memory_space<vmem>>
    %dma_wait3A_495 = arith.constant 0 : i32
    %dma_wait3A_496 = arith.constant 0 : i32
    %dma_wait3A_497 = tpu.memref_slice %arg3[%dma_wait3A_495, %dma_wait3A_496] : memref<100000x1024xf32, #tpu.memory_space<hbm>> -> memref<100000x1024xf32, #tpu.memory_space<hbm>>
    tpu.wait_indirect_dma semaphore(%arg12 : memref<!tpu.dma_semaphore, #tpu.memory_space<semaphore_mem>>) src(%dma_wait3A_497 : memref<100000x1024xf32, #tpu.memory_space<hbm>>) dst(%arg6 : memref<16x1024xf32, #tpu.memory_space<vmem>>)
    %add3A_498 = arith.constant 288 : i32
    %add3A_499 = arith.addi %mul3A_32, %add3A_498 : i32
    %dma_start3A_500 = arith.constant 0 : i32
    %dma_start3A_501 = tpu.memref_slice %arg4[%select_n3A, %add3A_499, %dma_start3A_500] : memref<4x4096x1024xf32, #tpu.memory_space<hbm>> -> memref<1x16x1024xf32, #tpu.memory_space<hbm>>
    %dma_start3A_502 = tpu.memref_squeeze %dma_start3A_501 : memref<1x16x1024xf32, #tpu.memory_space<hbm>> -> memref<16x1024xf32, #tpu.memory_space<hbm>>
    %dma_start3A_503 = arith.constant 0 : i32
    %dma_start3A_504 = tpu.memref_slice %arg4[%select_n3A, %add3A_499, %dma_start3A_503] : memref<4x4096x1024xf32, #tpu.memory_space<hbm>> -> memref<1x16x1024xf32, #tpu.memory_space<hbm>>
    %dma_start3A_505 = tpu.memref_squeeze %dma_start3A_504 : memref<1x16x1024xf32, #tpu.memory_space<hbm>> -> memref<16x1024xf32, #tpu.memory_space<hbm>>
    tpu.enqueue_dma source(%arg6 : memref<16x1024xf32, #tpu.memory_space<vmem>>) target(%dma_start3A_505 : memref<16x1024xf32, #tpu.memory_space<hbm>>) target_semaphore(%arg18 : memref<!tpu.dma_semaphore, #tpu.memory_space<semaphore_mem>>)
    %dma_wait3A_506 = arith.constant 0 : i32
    %dma_wait3A_507 = tpu.memref_slice %arg4[%select_n3A, %add3A_499, %dma_wait3A_506] : memref<4x4096x1024xf32, #tpu.memory_space<hbm>> -> memref<1x16x1024xf32, #tpu.memory_space<hbm>>
    %dma_wait3A_508 = tpu.memref_squeeze %dma_wait3A_507 : memref<1x16x1024xf32, #tpu.memory_space<hbm>> -> memref<16x1024xf32, #tpu.memory_space<hbm>>
    %dma_wait3A_509 = arith.constant 0 : i32
    %dma_wait3A_510 = tpu.memref_slice %arg4[%select_n3A, %add3A_499, %dma_wait3A_509] : memref<4x4096x1024xf32, #tpu.memory_space<hbm>> -> memref<1x16x1024xf32, #tpu.memory_space<hbm>>
    %dma_wait3A_511 = tpu.memref_squeeze %dma_wait3A_510 : memref<1x16x1024xf32, #tpu.memory_space<hbm>> -> memref<16x1024xf32, #tpu.memory_space<hbm>>
    tpu.wait_dma2 semaphore(%arg18 : memref<!tpu.dma_semaphore, #tpu.memory_space<semaphore_mem>>) src(%arg6 : memref<16x1024xf32, #tpu.memory_space<vmem>>) dst(%dma_wait3A_511 : memref<16x1024xf32, #tpu.memory_space<hbm>>)
    %dma_start3A_512 = arith.constant 384 : i32
    %dma_start3A_513 = tpu.memref_slice %arg5[%dma_start3A_512] : memref<512xi32, #tpu.memory_space<vmem>> -> memref<16xi32, #tpu.memory_space<vmem>>
    %dma_start3A_514 = arith.constant 0 : i32
    %dma_start3A_515 = arith.constant 0 : i32
    %dma_start3A_516 = tpu.memref_slice %arg3[%dma_start3A_514, %dma_start3A_515] : memref<100000x1024xf32, #tpu.memory_space<hbm>> -> memref<100000x1024xf32, #tpu.memory_space<hbm>>
    tpu.enqueue_indirect_dma source(%dma_start3A_516 : memref<100000x1024xf32, #tpu.memory_space<hbm>>) target(%arg6 : memref<16x1024xf32, #tpu.memory_space<vmem>>) offsets(%dma_start3A_513 : memref<16xi32, #tpu.memory_space<vmem>>) semaphore(%arg12 : memref<!tpu.dma_semaphore, #tpu.memory_space<semaphore_mem>>)
    %dma_wait3A_517 = arith.constant 304 : i32
    %dma_wait3A_518 = tpu.memref_slice %arg5[%dma_wait3A_517] : memref<512xi32, #tpu.memory_space<vmem>> -> memref<16xi32, #tpu.memory_space<vmem>>
    %dma_wait3A_519 = arith.constant 0 : i32
    %dma_wait3A_520 = arith.constant 0 : i32
    %dma_wait3A_521 = tpu.memref_slice %arg3[%dma_wait3A_519, %dma_wait3A_520] : memref<100000x1024xf32, #tpu.memory_space<hbm>> -> memref<100000x1024xf32, #tpu.memory_space<hbm>>
    tpu.wait_indirect_dma semaphore(%arg13 : memref<!tpu.dma_semaphore, #tpu.memory_space<semaphore_mem>>) src(%dma_wait3A_521 : memref<100000x1024xf32, #tpu.memory_space<hbm>>) dst(%arg7 : memref<16x1024xf32, #tpu.memory_space<vmem>>)
    %add3A_522 = arith.constant 304 : i32
    %add3A_523 = arith.addi %mul3A_32, %add3A_522 : i32
    %dma_start3A_524 = arith.constant 0 : i32
    %dma_start3A_525 = tpu.memref_slice %arg4[%select_n3A, %add3A_523, %dma_start3A_524] : memref<4x4096x1024xf32, #tpu.memory_space<hbm>> -> memref<1x16x1024xf32, #tpu.memory_space<hbm>>
    %dma_start3A_526 = tpu.memref_squeeze %dma_start3A_525 : memref<1x16x1024xf32, #tpu.memory_space<hbm>> -> memref<16x1024xf32, #tpu.memory_space<hbm>>
    %dma_start3A_527 = arith.constant 0 : i32
    %dma_start3A_528 = tpu.memref_slice %arg4[%select_n3A, %add3A_523, %dma_start3A_527] : memref<4x4096x1024xf32, #tpu.memory_space<hbm>> -> memref<1x16x1024xf32, #tpu.memory_space<hbm>>
    %dma_start3A_529 = tpu.memref_squeeze %dma_start3A_528 : memref<1x16x1024xf32, #tpu.memory_space<hbm>> -> memref<16x1024xf32, #tpu.memory_space<hbm>>
    tpu.enqueue_dma source(%arg7 : memref<16x1024xf32, #tpu.memory_space<vmem>>) target(%dma_start3A_529 : memref<16x1024xf32, #tpu.memory_space<hbm>>) target_semaphore(%arg19 : memref<!tpu.dma_semaphore, #tpu.memory_space<semaphore_mem>>)
    %dma_wait3A_530 = arith.constant 0 : i32
    %dma_wait3A_531 = tpu.memref_slice %arg4[%select_n3A, %add3A_523, %dma_wait3A_530] : memref<4x4096x1024xf32, #tpu.memory_space<hbm>> -> memref<1x16x1024xf32, #tpu.memory_space<hbm>>
    %dma_wait3A_532 = tpu.memref_squeeze %dma_wait3A_531 : memref<1x16x1024xf32, #tpu.memory_space<hbm>> -> memref<16x1024xf32, #tpu.memory_space<hbm>>
    %dma_wait3A_533 = arith.constant 0 : i32
    %dma_wait3A_534 = tpu.memref_slice %arg4[%select_n3A, %add3A_523, %dma_wait3A_533] : memref<4x4096x1024xf32, #tpu.memory_space<hbm>> -> memref<1x16x1024xf32, #tpu.memory_space<hbm>>
    %dma_wait3A_535 = tpu.memref_squeeze %dma_wait3A_534 : memref<1x16x1024xf32, #tpu.memory_space<hbm>> -> memref<16x1024xf32, #tpu.memory_space<hbm>>
    tpu.wait_dma2 semaphore(%arg19 : memref<!tpu.dma_semaphore, #tpu.memory_space<semaphore_mem>>) src(%arg7 : memref<16x1024xf32, #tpu.memory_space<vmem>>) dst(%dma_wait3A_535 : memref<16x1024xf32, #tpu.memory_space<hbm>>)
    %dma_start3A_536 = arith.constant 400 : i32
    %dma_start3A_537 = tpu.memref_slice %arg5[%dma_start3A_536] : memref<512xi32, #tpu.memory_space<vmem>> -> memref<16xi32, #tpu.memory_space<vmem>>
    %dma_start3A_538 = arith.constant 0 : i32
    %dma_start3A_539 = arith.constant 0 : i32
    %dma_start3A_540 = tpu.memref_slice %arg3[%dma_start3A_538, %dma_start3A_539] : memref<100000x1024xf32, #tpu.memory_space<hbm>> -> memref<100000x1024xf32, #tpu.memory_space<hbm>>
    tpu.enqueue_indirect_dma source(%dma_start3A_540 : memref<100000x1024xf32, #tpu.memory_space<hbm>>) target(%arg7 : memref<16x1024xf32, #tpu.memory_space<vmem>>) offsets(%dma_start3A_537 : memref<16xi32, #tpu.memory_space<vmem>>) semaphore(%arg13 : memref<!tpu.dma_semaphore, #tpu.memory_space<semaphore_mem>>)
    %dma_wait3A_541 = arith.constant 320 : i32
    %dma_wait3A_542 = tpu.memref_slice %arg5[%dma_wait3A_541] : memref<512xi32, #tpu.memory_space<vmem>> -> memref<16xi32, #tpu.memory_space<vmem>>
    %dma_wait3A_543 = arith.constant 0 : i32
    %dma_wait3A_544 = arith.constant 0 : i32
    %dma_wait3A_545 = tpu.memref_slice %arg3[%dma_wait3A_543, %dma_wait3A_544] : memref<100000x1024xf32, #tpu.memory_space<hbm>> -> memref<100000x1024xf32, #tpu.memory_space<hbm>>
    tpu.wait_indirect_dma semaphore(%arg14 : memref<!tpu.dma_semaphore, #tpu.memory_space<semaphore_mem>>) src(%dma_wait3A_545 : memref<100000x1024xf32, #tpu.memory_space<hbm>>) dst(%arg8 : memref<16x1024xf32, #tpu.memory_space<vmem>>)
    %add3A_546 = arith.constant 320 : i32
    %add3A_547 = arith.addi %mul3A_32, %add3A_546 : i32
    %dma_start3A_548 = arith.constant 0 : i32
    %dma_start3A_549 = tpu.memref_slice %arg4[%select_n3A, %add3A_547, %dma_start3A_548] : memref<4x4096x1024xf32, #tpu.memory_space<hbm>> -> memref<1x16x1024xf32, #tpu.memory_space<hbm>>
    %dma_start3A_550 = tpu.memref_squeeze %dma_start3A_549 : memref<1x16x1024xf32, #tpu.memory_space<hbm>> -> memref<16x1024xf32, #tpu.memory_space<hbm>>
    %dma_start3A_551 = arith.constant 0 : i32
    %dma_start3A_552 = tpu.memref_slice %arg4[%select_n3A, %add3A_547, %dma_start3A_551] : memref<4x4096x1024xf32, #tpu.memory_space<hbm>> -> memref<1x16x1024xf32, #tpu.memory_space<hbm>>
    %dma_start3A_553 = tpu.memref_squeeze %dma_start3A_552 : memref<1x16x1024xf32, #tpu.memory_space<hbm>> -> memref<16x1024xf32, #tpu.memory_space<hbm>>
    tpu.enqueue_dma source(%arg8 : memref<16x1024xf32, #tpu.memory_space<vmem>>) target(%dma_start3A_553 : memref<16x1024xf32, #tpu.memory_space<hbm>>) target_semaphore(%arg20 : memref<!tpu.dma_semaphore, #tpu.memory_space<semaphore_mem>>)
    %dma_wait3A_554 = arith.constant 0 : i32
    %dma_wait3A_555 = tpu.memref_slice %arg4[%select_n3A, %add3A_547, %dma_wait3A_554] : memref<4x4096x1024xf32, #tpu.memory_space<hbm>> -> memref<1x16x1024xf32, #tpu.memory_space<hbm>>
    %dma_wait3A_556 = tpu.memref_squeeze %dma_wait3A_555 : memref<1x16x1024xf32, #tpu.memory_space<hbm>> -> memref<16x1024xf32, #tpu.memory_space<hbm>>
    %dma_wait3A_557 = arith.constant 0 : i32
    %dma_wait3A_558 = tpu.memref_slice %arg4[%select_n3A, %add3A_547, %dma_wait3A_557] : memref<4x4096x1024xf32, #tpu.memory_space<hbm>> -> memref<1x16x1024xf32, #tpu.memory_space<hbm>>
    %dma_wait3A_559 = tpu.memref_squeeze %dma_wait3A_558 : memref<1x16x1024xf32, #tpu.memory_space<hbm>> -> memref<16x1024xf32, #tpu.memory_space<hbm>>
    tpu.wait_dma2 semaphore(%arg20 : memref<!tpu.dma_semaphore, #tpu.memory_space<semaphore_mem>>) src(%arg8 : memref<16x1024xf32, #tpu.memory_space<vmem>>) dst(%dma_wait3A_559 : memref<16x1024xf32, #tpu.memory_space<hbm>>)
    %dma_start3A_560 = arith.constant 416 : i32
    %dma_start3A_561 = tpu.memref_slice %arg5[%dma_start3A_560] : memref<512xi32, #tpu.memory_space<vmem>> -> memref<16xi32, #tpu.memory_space<vmem>>
    %dma_start3A_562 = arith.constant 0 : i32
    %dma_start3A_563 = arith.constant 0 : i32
    %dma_start3A_564 = tpu.memref_slice %arg3[%dma_start3A_562, %dma_start3A_563] : memref<100000x1024xf32, #tpu.memory_space<hbm>> -> memref<100000x1024xf32, #tpu.memory_space<hbm>>
    tpu.enqueue_indirect_dma source(%dma_start3A_564 : memref<100000x1024xf32, #tpu.memory_space<hbm>>) target(%arg8 : memref<16x1024xf32, #tpu.memory_space<vmem>>) offsets(%dma_start3A_561 : memref<16xi32, #tpu.memory_space<vmem>>) semaphore(%arg14 : memref<!tpu.dma_semaphore, #tpu.memory_space<semaphore_mem>>)
    %dma_wait3A_565 = arith.constant 336 : i32
    %dma_wait3A_566 = tpu.memref_slice %arg5[%dma_wait3A_565] : memref<512xi32, #tpu.memory_space<vmem>> -> memref<16xi32, #tpu.memory_space<vmem>>
    %dma_wait3A_567 = arith.constant 0 : i32
    %dma_wait3A_568 = arith.constant 0 : i32
    %dma_wait3A_569 = tpu.memref_slice %arg3[%dma_wait3A_567, %dma_wait3A_568] : memref<100000x1024xf32, #tpu.memory_space<hbm>> -> memref<100000x1024xf32, #tpu.memory_space<hbm>>
    tpu.wait_indirect_dma semaphore(%arg15 : memref<!tpu.dma_semaphore, #tpu.memory_space<semaphore_mem>>) src(%dma_wait3A_569 : memref<100000x1024xf32, #tpu.memory_space<hbm>>) dst(%arg9 : memref<16x1024xf32, #tpu.memory_space<vmem>>)
    %add3A_570 = arith.constant 336 : i32
    %add3A_571 = arith.addi %mul3A_32, %add3A_570 : i32
    %dma_start3A_572 = arith.constant 0 : i32
    %dma_start3A_573 = tpu.memref_slice %arg4[%select_n3A, %add3A_571, %dma_start3A_572] : memref<4x4096x1024xf32, #tpu.memory_space<hbm>> -> memref<1x16x1024xf32, #tpu.memory_space<hbm>>
    %dma_start3A_574 = tpu.memref_squeeze %dma_start3A_573 : memref<1x16x1024xf32, #tpu.memory_space<hbm>> -> memref<16x1024xf32, #tpu.memory_space<hbm>>
    %dma_start3A_575 = arith.constant 0 : i32
    %dma_start3A_576 = tpu.memref_slice %arg4[%select_n3A, %add3A_571, %dma_start3A_575] : memref<4x4096x1024xf32, #tpu.memory_space<hbm>> -> memref<1x16x1024xf32, #tpu.memory_space<hbm>>
    %dma_start3A_577 = tpu.memref_squeeze %dma_start3A_576 : memref<1x16x1024xf32, #tpu.memory_space<hbm>> -> memref<16x1024xf32, #tpu.memory_space<hbm>>
    tpu.enqueue_dma source(%arg9 : memref<16x1024xf32, #tpu.memory_space<vmem>>) target(%dma_start3A_577 : memref<16x1024xf32, #tpu.memory_space<hbm>>) target_semaphore(%arg21 : memref<!tpu.dma_semaphore, #tpu.memory_space<semaphore_mem>>)
    %dma_wait3A_578 = arith.constant 0 : i32
    %dma_wait3A_579 = tpu.memref_slice %arg4[%select_n3A, %add3A_571, %dma_wait3A_578] : memref<4x4096x1024xf32, #tpu.memory_space<hbm>> -> memref<1x16x1024xf32, #tpu.memory_space<hbm>>
    %dma_wait3A_580 = tpu.memref_squeeze %dma_wait3A_579 : memref<1x16x1024xf32, #tpu.memory_space<hbm>> -> memref<16x1024xf32, #tpu.memory_space<hbm>>
    %dma_wait3A_581 = arith.constant 0 : i32
    %dma_wait3A_582 = tpu.memref_slice %arg4[%select_n3A, %add3A_571, %dma_wait3A_581] : memref<4x4096x1024xf32, #tpu.memory_space<hbm>> -> memref<1x16x1024xf32, #tpu.memory_space<hbm>>
    %dma_wait3A_583 = tpu.memref_squeeze %dma_wait3A_582 : memref<1x16x1024xf32, #tpu.memory_space<hbm>> -> memref<16x1024xf32, #tpu.memory_space<hbm>>
    tpu.wait_dma2 semaphore(%arg21 : memref<!tpu.dma_semaphore, #tpu.memory_space<semaphore_mem>>) src(%arg9 : memref<16x1024xf32, #tpu.memory_space<vmem>>) dst(%dma_wait3A_583 : memref<16x1024xf32, #tpu.memory_space<hbm>>)
    %dma_start3A_584 = arith.constant 432 : i32
    %dma_start3A_585 = tpu.memref_slice %arg5[%dma_start3A_584] : memref<512xi32, #tpu.memory_space<vmem>> -> memref<16xi32, #tpu.memory_space<vmem>>
    %dma_start3A_586 = arith.constant 0 : i32
    %dma_start3A_587 = arith.constant 0 : i32
    %dma_start3A_588 = tpu.memref_slice %arg3[%dma_start3A_586, %dma_start3A_587] : memref<100000x1024xf32, #tpu.memory_space<hbm>> -> memref<100000x1024xf32, #tpu.memory_space<hbm>>
    tpu.enqueue_indirect_dma source(%dma_start3A_588 : memref<100000x1024xf32, #tpu.memory_space<hbm>>) target(%arg9 : memref<16x1024xf32, #tpu.memory_space<vmem>>) offsets(%dma_start3A_585 : memref<16xi32, #tpu.memory_space<vmem>>) semaphore(%arg15 : memref<!tpu.dma_semaphore, #tpu.memory_space<semaphore_mem>>)
    %dma_wait3A_589 = arith.constant 352 : i32
    %dma_wait3A_590 = tpu.memref_slice %arg5[%dma_wait3A_589] : memref<512xi32, #tpu.memory_space<vmem>> -> memref<16xi32, #tpu.memory_space<vmem>>
    %dma_wait3A_591 = arith.constant 0 : i32
    %dma_wait3A_592 = arith.constant 0 : i32
    %dma_wait3A_593 = tpu.memref_slice %arg3[%dma_wait3A_591, %dma_wait3A_592] : memref<100000x1024xf32, #tpu.memory_space<hbm>> -> memref<100000x1024xf32, #tpu.memory_space<hbm>>
    tpu.wait_indirect_dma semaphore(%arg16 : memref<!tpu.dma_semaphore, #tpu.memory_space<semaphore_mem>>) src(%dma_wait3A_593 : memref<100000x1024xf32, #tpu.memory_space<hbm>>) dst(%arg10 : memref<16x1024xf32, #tpu.memory_space<vmem>>)
    %add3A_594 = arith.constant 352 : i32
    %add3A_595 = arith.addi %mul3A_32, %add3A_594 : i32
    %dma_start3A_596 = arith.constant 0 : i32
    %dma_start3A_597 = tpu.memref_slice %arg4[%select_n3A, %add3A_595, %dma_start3A_596] : memref<4x4096x1024xf32, #tpu.memory_space<hbm>> -> memref<1x16x1024xf32, #tpu.memory_space<hbm>>
    %dma_start3A_598 = tpu.memref_squeeze %dma_start3A_597 : memref<1x16x1024xf32, #tpu.memory_space<hbm>> -> memref<16x1024xf32, #tpu.memory_space<hbm>>
    %dma_start3A_599 = arith.constant 0 : i32
    %dma_start3A_600 = tpu.memref_slice %arg4[%select_n3A, %add3A_595, %dma_start3A_599] : memref<4x4096x1024xf32, #tpu.memory_space<hbm>> -> memref<1x16x1024xf32, #tpu.memory_space<hbm>>
    %dma_start3A_601 = tpu.memref_squeeze %dma_start3A_600 : memref<1x16x1024xf32, #tpu.memory_space<hbm>> -> memref<16x1024xf32, #tpu.memory_space<hbm>>
    tpu.enqueue_dma source(%arg10 : memref<16x1024xf32, #tpu.memory_space<vmem>>) target(%dma_start3A_601 : memref<16x1024xf32, #tpu.memory_space<hbm>>) target_semaphore(%arg22 : memref<!tpu.dma_semaphore, #tpu.memory_space<semaphore_mem>>)
    %dma_wait3A_602 = arith.constant 0 : i32
    %dma_wait3A_603 = tpu.memref_slice %arg4[%select_n3A, %add3A_595, %dma_wait3A_602] : memref<4x4096x1024xf32, #tpu.memory_space<hbm>> -> memref<1x16x1024xf32, #tpu.memory_space<hbm>>
    %dma_wait3A_604 = tpu.memref_squeeze %dma_wait3A_603 : memref<1x16x1024xf32, #tpu.memory_space<hbm>> -> memref<16x1024xf32, #tpu.memory_space<hbm>>
    %dma_wait3A_605 = arith.constant 0 : i32
    %dma_wait3A_606 = tpu.memref_slice %arg4[%select_n3A, %add3A_595, %dma_wait3A_605] : memref<4x4096x1024xf32, #tpu.memory_space<hbm>> -> memref<1x16x1024xf32, #tpu.memory_space<hbm>>
    %dma_wait3A_607 = tpu.memref_squeeze %dma_wait3A_606 : memref<1x16x1024xf32, #tpu.memory_space<hbm>> -> memref<16x1024xf32, #tpu.memory_space<hbm>>
    tpu.wait_dma2 semaphore(%arg22 : memref<!tpu.dma_semaphore, #tpu.memory_space<semaphore_mem>>) src(%arg10 : memref<16x1024xf32, #tpu.memory_space<vmem>>) dst(%dma_wait3A_607 : memref<16x1024xf32, #tpu.memory_space<hbm>>)
    %dma_start3A_608 = arith.constant 448 : i32
    %dma_start3A_609 = tpu.memref_slice %arg5[%dma_start3A_608] : memref<512xi32, #tpu.memory_space<vmem>> -> memref<16xi32, #tpu.memory_space<vmem>>
    %dma_start3A_610 = arith.constant 0 : i32
    %dma_start3A_611 = arith.constant 0 : i32
    %dma_start3A_612 = tpu.memref_slice %arg3[%dma_start3A_610, %dma_start3A_611] : memref<100000x1024xf32, #tpu.memory_space<hbm>> -> memref<100000x1024xf32, #tpu.memory_space<hbm>>
    tpu.enqueue_indirect_dma source(%dma_start3A_612 : memref<100000x1024xf32, #tpu.memory_space<hbm>>) target(%arg10 : memref<16x1024xf32, #tpu.memory_space<vmem>>) offsets(%dma_start3A_609 : memref<16xi32, #tpu.memory_space<vmem>>) semaphore(%arg16 : memref<!tpu.dma_semaphore, #tpu.memory_space<semaphore_mem>>)
    %dma_wait3A_613 = arith.constant 368 : i32
    %dma_wait3A_614 = tpu.memref_slice %arg5[%dma_wait3A_613] : memref<512xi32, #tpu.memory_space<vmem>> -> memref<16xi32, #tpu.memory_space<vmem>>
    %dma_wait3A_615 = arith.constant 0 : i32
    %dma_wait3A_616 = arith.constant 0 : i32
    %dma_wait3A_617 = tpu.memref_slice %arg3[%dma_wait3A_615, %dma_wait3A_616] : memref<100000x1024xf32, #tpu.memory_space<hbm>> -> memref<100000x1024xf32, #tpu.memory_space<hbm>>
    tpu.wait_indirect_dma semaphore(%arg17 : memref<!tpu.dma_semaphore, #tpu.memory_space<semaphore_mem>>) src(%dma_wait3A_617 : memref<100000x1024xf32, #tpu.memory_space<hbm>>) dst(%arg11 : memref<16x1024xf32, #tpu.memory_space<vmem>>)
    %add3A_618 = arith.constant 368 : i32
    %add3A_619 = arith.addi %mul3A_32, %add3A_618 : i32
    %dma_start3A_620 = arith.constant 0 : i32
    %dma_start3A_621 = tpu.memref_slice %arg4[%select_n3A, %add3A_619, %dma_start3A_620] : memref<4x4096x1024xf32, #tpu.memory_space<hbm>> -> memref<1x16x1024xf32, #tpu.memory_space<hbm>>
    %dma_start3A_622 = tpu.memref_squeeze %dma_start3A_621 : memref<1x16x1024xf32, #tpu.memory_space<hbm>> -> memref<16x1024xf32, #tpu.memory_space<hbm>>
    %dma_start3A_623 = arith.constant 0 : i32
    %dma_start3A_624 = tpu.memref_slice %arg4[%select_n3A, %add3A_619, %dma_start3A_623] : memref<4x4096x1024xf32, #tpu.memory_space<hbm>> -> memref<1x16x1024xf32, #tpu.memory_space<hbm>>
    %dma_start3A_625 = tpu.memref_squeeze %dma_start3A_624 : memref<1x16x1024xf32, #tpu.memory_space<hbm>> -> memref<16x1024xf32, #tpu.memory_space<hbm>>
    tpu.enqueue_dma source(%arg11 : memref<16x1024xf32, #tpu.memory_space<vmem>>) target(%dma_start3A_625 : memref<16x1024xf32, #tpu.memory_space<hbm>>) target_semaphore(%arg23 : memref<!tpu.dma_semaphore, #tpu.memory_space<semaphore_mem>>)
    %dma_wait3A_626 = arith.constant 0 : i32
    %dma_wait3A_627 = tpu.memref_slice %arg4[%select_n3A, %add3A_619, %dma_wait3A_626] : memref<4x4096x1024xf32, #tpu.memory_space<hbm>> -> memref<1x16x1024xf32, #tpu.memory_space<hbm>>
    %dma_wait3A_628 = tpu.memref_squeeze %dma_wait3A_627 : memref<1x16x1024xf32, #tpu.memory_space<hbm>> -> memref<16x1024xf32, #tpu.memory_space<hbm>>
    %dma_wait3A_629 = arith.constant 0 : i32
    %dma_wait3A_630 = tpu.memref_slice %arg4[%select_n3A, %add3A_619, %dma_wait3A_629] : memref<4x4096x1024xf32, #tpu.memory_space<hbm>> -> memref<1x16x1024xf32, #tpu.memory_space<hbm>>
    %dma_wait3A_631 = tpu.memref_squeeze %dma_wait3A_630 : memref<1x16x1024xf32, #tpu.memory_space<hbm>> -> memref<16x1024xf32, #tpu.memory_space<hbm>>
    tpu.wait_dma2 semaphore(%arg23 : memref<!tpu.dma_semaphore, #tpu.memory_space<semaphore_mem>>) src(%arg11 : memref<16x1024xf32, #tpu.memory_space<vmem>>) dst(%dma_wait3A_631 : memref<16x1024xf32, #tpu.memory_space<hbm>>)
    %dma_start3A_632 = arith.constant 464 : i32
    %dma_start3A_633 = tpu.memref_slice %arg5[%dma_start3A_632] : memref<512xi32, #tpu.memory_space<vmem>> -> memref<16xi32, #tpu.memory_space<vmem>>
    %dma_start3A_634 = arith.constant 0 : i32
    %dma_start3A_635 = arith.constant 0 : i32
    %dma_start3A_636 = tpu.memref_slice %arg3[%dma_start3A_634, %dma_start3A_635] : memref<100000x1024xf32, #tpu.memory_space<hbm>> -> memref<100000x1024xf32, #tpu.memory_space<hbm>>
    tpu.enqueue_indirect_dma source(%dma_start3A_636 : memref<100000x1024xf32, #tpu.memory_space<hbm>>) target(%arg11 : memref<16x1024xf32, #tpu.memory_space<vmem>>) offsets(%dma_start3A_633 : memref<16xi32, #tpu.memory_space<vmem>>) semaphore(%arg17 : memref<!tpu.dma_semaphore, #tpu.memory_space<semaphore_mem>>)
    %dma_wait3A_637 = arith.constant 384 : i32
    %dma_wait3A_638 = tpu.memref_slice %arg5[%dma_wait3A_637] : memref<512xi32, #tpu.memory_space<vmem>> -> memref<16xi32, #tpu.memory_space<vmem>>
    %dma_wait3A_639 = arith.constant 0 : i32
    %dma_wait3A_640 = arith.constant 0 : i32
    %dma_wait3A_641 = tpu.memref_slice %arg3[%dma_wait3A_639, %dma_wait3A_640] : memref<100000x1024xf32, #tpu.memory_space<hbm>> -> memref<100000x1024xf32, #tpu.memory_space<hbm>>
    tpu.wait_indirect_dma semaphore(%arg12 : memref<!tpu.dma_semaphore, #tpu.memory_space<semaphore_mem>>) src(%dma_wait3A_641 : memref<100000x1024xf32, #tpu.memory_space<hbm>>) dst(%arg6 : memref<16x1024xf32, #tpu.memory_space<vmem>>)
    %add3A_642 = arith.constant 384 : i32
    %add3A_643 = arith.addi %mul3A_32, %add3A_642 : i32
    %dma_start3A_644 = arith.constant 0 : i32
    %dma_start3A_645 = tpu.memref_slice %arg4[%select_n3A, %add3A_643, %dma_start3A_644] : memref<4x4096x1024xf32, #tpu.memory_space<hbm>> -> memref<1x16x1024xf32, #tpu.memory_space<hbm>>
    %dma_start3A_646 = tpu.memref_squeeze %dma_start3A_645 : memref<1x16x1024xf32, #tpu.memory_space<hbm>> -> memref<16x1024xf32, #tpu.memory_space<hbm>>
    %dma_start3A_647 = arith.constant 0 : i32
    %dma_start3A_648 = tpu.memref_slice %arg4[%select_n3A, %add3A_643, %dma_start3A_647] : memref<4x4096x1024xf32, #tpu.memory_space<hbm>> -> memref<1x16x1024xf32, #tpu.memory_space<hbm>>
    %dma_start3A_649 = tpu.memref_squeeze %dma_start3A_648 : memref<1x16x1024xf32, #tpu.memory_space<hbm>> -> memref<16x1024xf32, #tpu.memory_space<hbm>>
    tpu.enqueue_dma source(%arg6 : memref<16x1024xf32, #tpu.memory_space<vmem>>) target(%dma_start3A_649 : memref<16x1024xf32, #tpu.memory_space<hbm>>) target_semaphore(%arg18 : memref<!tpu.dma_semaphore, #tpu.memory_space<semaphore_mem>>)
    %dma_wait3A_650 = arith.constant 0 : i32
    %dma_wait3A_651 = tpu.memref_slice %arg4[%select_n3A, %add3A_643, %dma_wait3A_650] : memref<4x4096x1024xf32, #tpu.memory_space<hbm>> -> memref<1x16x1024xf32, #tpu.memory_space<hbm>>
    %dma_wait3A_652 = tpu.memref_squeeze %dma_wait3A_651 : memref<1x16x1024xf32, #tpu.memory_space<hbm>> -> memref<16x1024xf32, #tpu.memory_space<hbm>>
    %dma_wait3A_653 = arith.constant 0 : i32
    %dma_wait3A_654 = tpu.memref_slice %arg4[%select_n3A, %add3A_643, %dma_wait3A_653] : memref<4x4096x1024xf32, #tpu.memory_space<hbm>> -> memref<1x16x1024xf32, #tpu.memory_space<hbm>>
    %dma_wait3A_655 = tpu.memref_squeeze %dma_wait3A_654 : memref<1x16x1024xf32, #tpu.memory_space<hbm>> -> memref<16x1024xf32, #tpu.memory_space<hbm>>
    tpu.wait_dma2 semaphore(%arg18 : memref<!tpu.dma_semaphore, #tpu.memory_space<semaphore_mem>>) src(%arg6 : memref<16x1024xf32, #tpu.memory_space<vmem>>) dst(%dma_wait3A_655 : memref<16x1024xf32, #tpu.memory_space<hbm>>)
    %dma_start3A_656 = arith.constant 480 : i32
    %dma_start3A_657 = tpu.memref_slice %arg5[%dma_start3A_656] : memref<512xi32, #tpu.memory_space<vmem>> -> memref<16xi32, #tpu.memory_space<vmem>>
    %dma_start3A_658 = arith.constant 0 : i32
    %dma_start3A_659 = arith.constant 0 : i32
    %dma_start3A_660 = tpu.memref_slice %arg3[%dma_start3A_658, %dma_start3A_659] : memref<100000x1024xf32, #tpu.memory_space<hbm>> -> memref<100000x1024xf32, #tpu.memory_space<hbm>>
    tpu.enqueue_indirect_dma source(%dma_start3A_660 : memref<100000x1024xf32, #tpu.memory_space<hbm>>) target(%arg6 : memref<16x1024xf32, #tpu.memory_space<vmem>>) offsets(%dma_start3A_657 : memref<16xi32, #tpu.memory_space<vmem>>) semaphore(%arg12 : memref<!tpu.dma_semaphore, #tpu.memory_space<semaphore_mem>>)
    %dma_wait3A_661 = arith.constant 400 : i32
    %dma_wait3A_662 = tpu.memref_slice %arg5[%dma_wait3A_661] : memref<512xi32, #tpu.memory_space<vmem>> -> memref<16xi32, #tpu.memory_space<vmem>>
    %dma_wait3A_663 = arith.constant 0 : i32
    %dma_wait3A_664 = arith.constant 0 : i32
    %dma_wait3A_665 = tpu.memref_slice %arg3[%dma_wait3A_663, %dma_wait3A_664] : memref<100000x1024xf32, #tpu.memory_space<hbm>> -> memref<100000x1024xf32, #tpu.memory_space<hbm>>
    tpu.wait_indirect_dma semaphore(%arg13 : memref<!tpu.dma_semaphore, #tpu.memory_space<semaphore_mem>>) src(%dma_wait3A_665 : memref<100000x1024xf32, #tpu.memory_space<hbm>>) dst(%arg7 : memref<16x1024xf32, #tpu.memory_space<vmem>>)
    %add3A_666 = arith.constant 400 : i32
    %add3A_667 = arith.addi %mul3A_32, %add3A_666 : i32
    %dma_start3A_668 = arith.constant 0 : i32
    %dma_start3A_669 = tpu.memref_slice %arg4[%select_n3A, %add3A_667, %dma_start3A_668] : memref<4x4096x1024xf32, #tpu.memory_space<hbm>> -> memref<1x16x1024xf32, #tpu.memory_space<hbm>>
    %dma_start3A_670 = tpu.memref_squeeze %dma_start3A_669 : memref<1x16x1024xf32, #tpu.memory_space<hbm>> -> memref<16x1024xf32, #tpu.memory_space<hbm>>
    %dma_start3A_671 = arith.constant 0 : i32
    %dma_start3A_672 = tpu.memref_slice %arg4[%select_n3A, %add3A_667, %dma_start3A_671] : memref<4x4096x1024xf32, #tpu.memory_space<hbm>> -> memref<1x16x1024xf32, #tpu.memory_space<hbm>>
    %dma_start3A_673 = tpu.memref_squeeze %dma_start3A_672 : memref<1x16x1024xf32, #tpu.memory_space<hbm>> -> memref<16x1024xf32, #tpu.memory_space<hbm>>
    tpu.enqueue_dma source(%arg7 : memref<16x1024xf32, #tpu.memory_space<vmem>>) target(%dma_start3A_673 : memref<16x1024xf32, #tpu.memory_space<hbm>>) target_semaphore(%arg19 : memref<!tpu.dma_semaphore, #tpu.memory_space<semaphore_mem>>)
    %dma_wait3A_674 = arith.constant 0 : i32
    %dma_wait3A_675 = tpu.memref_slice %arg4[%select_n3A, %add3A_667, %dma_wait3A_674] : memref<4x4096x1024xf32, #tpu.memory_space<hbm>> -> memref<1x16x1024xf32, #tpu.memory_space<hbm>>
    %dma_wait3A_676 = tpu.memref_squeeze %dma_wait3A_675 : memref<1x16x1024xf32, #tpu.memory_space<hbm>> -> memref<16x1024xf32, #tpu.memory_space<hbm>>
    %dma_wait3A_677 = arith.constant 0 : i32
    %dma_wait3A_678 = tpu.memref_slice %arg4[%select_n3A, %add3A_667, %dma_wait3A_677] : memref<4x4096x1024xf32, #tpu.memory_space<hbm>> -> memref<1x16x1024xf32, #tpu.memory_space<hbm>>
    %dma_wait3A_679 = tpu.memref_squeeze %dma_wait3A_678 : memref<1x16x1024xf32, #tpu.memory_space<hbm>> -> memref<16x1024xf32, #tpu.memory_space<hbm>>
    tpu.wait_dma2 semaphore(%arg19 : memref<!tpu.dma_semaphore, #tpu.memory_space<semaphore_mem>>) src(%arg7 : memref<16x1024xf32, #tpu.memory_space<vmem>>) dst(%dma_wait3A_679 : memref<16x1024xf32, #tpu.memory_space<hbm>>)
    %dma_start3A_680 = arith.constant 496 : i32
    %dma_start3A_681 = tpu.memref_slice %arg5[%dma_start3A_680] : memref<512xi32, #tpu.memory_space<vmem>> -> memref<16xi32, #tpu.memory_space<vmem>>
    %dma_start3A_682 = arith.constant 0 : i32
    %dma_start3A_683 = arith.constant 0 : i32
    %dma_start3A_684 = tpu.memref_slice %arg3[%dma_start3A_682, %dma_start3A_683] : memref<100000x1024xf32, #tpu.memory_space<hbm>> -> memref<100000x1024xf32, #tpu.memory_space<hbm>>
    tpu.enqueue_indirect_dma source(%dma_start3A_684 : memref<100000x1024xf32, #tpu.memory_space<hbm>>) target(%arg7 : memref<16x1024xf32, #tpu.memory_space<vmem>>) offsets(%dma_start3A_681 : memref<16xi32, #tpu.memory_space<vmem>>) semaphore(%arg13 : memref<!tpu.dma_semaphore, #tpu.memory_space<semaphore_mem>>)
    %dma_wait3A_685 = arith.constant 416 : i32
    %dma_wait3A_686 = tpu.memref_slice %arg5[%dma_wait3A_685] : memref<512xi32, #tpu.memory_space<vmem>> -> memref<16xi32, #tpu.memory_space<vmem>>
    %dma_wait3A_687 = arith.constant 0 : i32
    %dma_wait3A_688 = arith.constant 0 : i32
    %dma_wait3A_689 = tpu.memref_slice %arg3[%dma_wait3A_687, %dma_wait3A_688] : memref<100000x1024xf32, #tpu.memory_space<hbm>> -> memref<100000x1024xf32, #tpu.memory_space<hbm>>
    tpu.wait_indirect_dma semaphore(%arg14 : memref<!tpu.dma_semaphore, #tpu.memory_space<semaphore_mem>>) src(%dma_wait3A_689 : memref<100000x1024xf32, #tpu.memory_space<hbm>>) dst(%arg8 : memref<16x1024xf32, #tpu.memory_space<vmem>>)
    %add3A_690 = arith.constant 416 : i32
    %add3A_691 = arith.addi %mul3A_32, %add3A_690 : i32
    %dma_start3A_692 = arith.constant 0 : i32
    %dma_start3A_693 = tpu.memref_slice %arg4[%select_n3A, %add3A_691, %dma_start3A_692] : memref<4x4096x1024xf32, #tpu.memory_space<hbm>> -> memref<1x16x1024xf32, #tpu.memory_space<hbm>>
    %dma_start3A_694 = tpu.memref_squeeze %dma_start3A_693 : memref<1x16x1024xf32, #tpu.memory_space<hbm>> -> memref<16x1024xf32, #tpu.memory_space<hbm>>
    %dma_start3A_695 = arith.constant 0 : i32
    %dma_start3A_696 = tpu.memref_slice %arg4[%select_n3A, %add3A_691, %dma_start3A_695] : memref<4x4096x1024xf32, #tpu.memory_space<hbm>> -> memref<1x16x1024xf32, #tpu.memory_space<hbm>>
    %dma_start3A_697 = tpu.memref_squeeze %dma_start3A_696 : memref<1x16x1024xf32, #tpu.memory_space<hbm>> -> memref<16x1024xf32, #tpu.memory_space<hbm>>
    tpu.enqueue_dma source(%arg8 : memref<16x1024xf32, #tpu.memory_space<vmem>>) target(%dma_start3A_697 : memref<16x1024xf32, #tpu.memory_space<hbm>>) target_semaphore(%arg20 : memref<!tpu.dma_semaphore, #tpu.memory_space<semaphore_mem>>)
    %dma_wait3A_698 = arith.constant 432 : i32
    %dma_wait3A_699 = tpu.memref_slice %arg5[%dma_wait3A_698] : memref<512xi32, #tpu.memory_space<vmem>> -> memref<16xi32, #tpu.memory_space<vmem>>
    %dma_wait3A_700 = arith.constant 0 : i32
    %dma_wait3A_701 = arith.constant 0 : i32
    %dma_wait3A_702 = tpu.memref_slice %arg3[%dma_wait3A_700, %dma_wait3A_701] : memref<100000x1024xf32, #tpu.memory_space<hbm>> -> memref<100000x1024xf32, #tpu.memory_space<hbm>>
    tpu.wait_indirect_dma semaphore(%arg15 : memref<!tpu.dma_semaphore, #tpu.memory_space<semaphore_mem>>) src(%dma_wait3A_702 : memref<100000x1024xf32, #tpu.memory_space<hbm>>) dst(%arg9 : memref<16x1024xf32, #tpu.memory_space<vmem>>)
    %add3A_703 = arith.constant 432 : i32
    %add3A_704 = arith.addi %mul3A_32, %add3A_703 : i32
    %dma_start3A_705 = arith.constant 0 : i32
    %dma_start3A_706 = tpu.memref_slice %arg4[%select_n3A, %add3A_704, %dma_start3A_705] : memref<4x4096x1024xf32, #tpu.memory_space<hbm>> -> memref<1x16x1024xf32, #tpu.memory_space<hbm>>
    %dma_start3A_707 = tpu.memref_squeeze %dma_start3A_706 : memref<1x16x1024xf32, #tpu.memory_space<hbm>> -> memref<16x1024xf32, #tpu.memory_space<hbm>>
    %dma_start3A_708 = arith.constant 0 : i32
    %dma_start3A_709 = tpu.memref_slice %arg4[%select_n3A, %add3A_704, %dma_start3A_708] : memref<4x4096x1024xf32, #tpu.memory_space<hbm>> -> memref<1x16x1024xf32, #tpu.memory_space<hbm>>
    %dma_start3A_710 = tpu.memref_squeeze %dma_start3A_709 : memref<1x16x1024xf32, #tpu.memory_space<hbm>> -> memref<16x1024xf32, #tpu.memory_space<hbm>>
    tpu.enqueue_dma source(%arg9 : memref<16x1024xf32, #tpu.memory_space<vmem>>) target(%dma_start3A_710 : memref<16x1024xf32, #tpu.memory_space<hbm>>) target_semaphore(%arg21 : memref<!tpu.dma_semaphore, #tpu.memory_space<semaphore_mem>>)
    %dma_wait3A_711 = arith.constant 448 : i32
    %dma_wait3A_712 = tpu.memref_slice %arg5[%dma_wait3A_711] : memref<512xi32, #tpu.memory_space<vmem>> -> memref<16xi32, #tpu.memory_space<vmem>>
    %dma_wait3A_713 = arith.constant 0 : i32
    %dma_wait3A_714 = arith.constant 0 : i32
    %dma_wait3A_715 = tpu.memref_slice %arg3[%dma_wait3A_713, %dma_wait3A_714] : memref<100000x1024xf32, #tpu.memory_space<hbm>> -> memref<100000x1024xf32, #tpu.memory_space<hbm>>
    tpu.wait_indirect_dma semaphore(%arg16 : memref<!tpu.dma_semaphore, #tpu.memory_space<semaphore_mem>>) src(%dma_wait3A_715 : memref<100000x1024xf32, #tpu.memory_space<hbm>>) dst(%arg10 : memref<16x1024xf32, #tpu.memory_space<vmem>>)
    %add3A_716 = arith.constant 448 : i32
    %add3A_717 = arith.addi %mul3A_32, %add3A_716 : i32
    %dma_start3A_718 = arith.constant 0 : i32
    %dma_start3A_719 = tpu.memref_slice %arg4[%select_n3A, %add3A_717, %dma_start3A_718] : memref<4x4096x1024xf32, #tpu.memory_space<hbm>> -> memref<1x16x1024xf32, #tpu.memory_space<hbm>>
    %dma_start3A_720 = tpu.memref_squeeze %dma_start3A_719 : memref<1x16x1024xf32, #tpu.memory_space<hbm>> -> memref<16x1024xf32, #tpu.memory_space<hbm>>
    %dma_start3A_721 = arith.constant 0 : i32
    %dma_start3A_722 = tpu.memref_slice %arg4[%select_n3A, %add3A_717, %dma_start3A_721] : memref<4x4096x1024xf32, #tpu.memory_space<hbm>> -> memref<1x16x1024xf32, #tpu.memory_space<hbm>>
    %dma_start3A_723 = tpu.memref_squeeze %dma_start3A_722 : memref<1x16x1024xf32, #tpu.memory_space<hbm>> -> memref<16x1024xf32, #tpu.memory_space<hbm>>
    tpu.enqueue_dma source(%arg10 : memref<16x1024xf32, #tpu.memory_space<vmem>>) target(%dma_start3A_723 : memref<16x1024xf32, #tpu.memory_space<hbm>>) target_semaphore(%arg22 : memref<!tpu.dma_semaphore, #tpu.memory_space<semaphore_mem>>)
    %dma_wait3A_724 = arith.constant 464 : i32
    %dma_wait3A_725 = tpu.memref_slice %arg5[%dma_wait3A_724] : memref<512xi32, #tpu.memory_space<vmem>> -> memref<16xi32, #tpu.memory_space<vmem>>
    %dma_wait3A_726 = arith.constant 0 : i32
    %dma_wait3A_727 = arith.constant 0 : i32
    %dma_wait3A_728 = tpu.memref_slice %arg3[%dma_wait3A_726, %dma_wait3A_727] : memref<100000x1024xf32, #tpu.memory_space<hbm>> -> memref<100000x1024xf32, #tpu.memory_space<hbm>>
    tpu.wait_indirect_dma semaphore(%arg17 : memref<!tpu.dma_semaphore, #tpu.memory_space<semaphore_mem>>) src(%dma_wait3A_728 : memref<100000x1024xf32, #tpu.memory_space<hbm>>) dst(%arg11 : memref<16x1024xf32, #tpu.memory_space<vmem>>)
    %add3A_729 = arith.constant 464 : i32
    %add3A_730 = arith.addi %mul3A_32, %add3A_729 : i32
    %dma_start3A_731 = arith.constant 0 : i32
    %dma_start3A_732 = tpu.memref_slice %arg4[%select_n3A, %add3A_730, %dma_start3A_731] : memref<4x4096x1024xf32, #tpu.memory_space<hbm>> -> memref<1x16x1024xf32, #tpu.memory_space<hbm>>
    %dma_start3A_733 = tpu.memref_squeeze %dma_start3A_732 : memref<1x16x1024xf32, #tpu.memory_space<hbm>> -> memref<16x1024xf32, #tpu.memory_space<hbm>>
    %dma_start3A_734 = arith.constant 0 : i32
    %dma_start3A_735 = tpu.memref_slice %arg4[%select_n3A, %add3A_730, %dma_start3A_734] : memref<4x4096x1024xf32, #tpu.memory_space<hbm>> -> memref<1x16x1024xf32, #tpu.memory_space<hbm>>
    %dma_start3A_736 = tpu.memref_squeeze %dma_start3A_735 : memref<1x16x1024xf32, #tpu.memory_space<hbm>> -> memref<16x1024xf32, #tpu.memory_space<hbm>>
    tpu.enqueue_dma source(%arg11 : memref<16x1024xf32, #tpu.memory_space<vmem>>) target(%dma_start3A_736 : memref<16x1024xf32, #tpu.memory_space<hbm>>) target_semaphore(%arg23 : memref<!tpu.dma_semaphore, #tpu.memory_space<semaphore_mem>>)
    %dma_wait3A_737 = arith.constant 480 : i32
    %dma_wait3A_738 = tpu.memref_slice %arg5[%dma_wait3A_737] : memref<512xi32, #tpu.memory_space<vmem>> -> memref<16xi32, #tpu.memory_space<vmem>>
    %dma_wait3A_739 = arith.constant 0 : i32
    %dma_wait3A_740 = arith.constant 0 : i32
    %dma_wait3A_741 = tpu.memref_slice %arg3[%dma_wait3A_739, %dma_wait3A_740] : memref<100000x1024xf32, #tpu.memory_space<hbm>> -> memref<100000x1024xf32, #tpu.memory_space<hbm>>
    tpu.wait_indirect_dma semaphore(%arg12 : memref<!tpu.dma_semaphore, #tpu.memory_space<semaphore_mem>>) src(%dma_wait3A_741 : memref<100000x1024xf32, #tpu.memory_space<hbm>>) dst(%arg6 : memref<16x1024xf32, #tpu.memory_space<vmem>>)
    %add3A_742 = arith.constant 480 : i32
    %add3A_743 = arith.addi %mul3A_32, %add3A_742 : i32
    %dma_start3A_744 = arith.constant 0 : i32
    %dma_start3A_745 = tpu.memref_slice %arg4[%select_n3A, %add3A_743, %dma_start3A_744] : memref<4x4096x1024xf32, #tpu.memory_space<hbm>> -> memref<1x16x1024xf32, #tpu.memory_space<hbm>>
    %dma_start3A_746 = tpu.memref_squeeze %dma_start3A_745 : memref<1x16x1024xf32, #tpu.memory_space<hbm>> -> memref<16x1024xf32, #tpu.memory_space<hbm>>
    %dma_start3A_747 = arith.constant 0 : i32
    %dma_start3A_748 = tpu.memref_slice %arg4[%select_n3A, %add3A_743, %dma_start3A_747] : memref<4x4096x1024xf32, #tpu.memory_space<hbm>> -> memref<1x16x1024xf32, #tpu.memory_space<hbm>>
    %dma_start3A_749 = tpu.memref_squeeze %dma_start3A_748 : memref<1x16x1024xf32, #tpu.memory_space<hbm>> -> memref<16x1024xf32, #tpu.memory_space<hbm>>
    tpu.enqueue_dma source(%arg6 : memref<16x1024xf32, #tpu.memory_space<vmem>>) target(%dma_start3A_749 : memref<16x1024xf32, #tpu.memory_space<hbm>>) target_semaphore(%arg18 : memref<!tpu.dma_semaphore, #tpu.memory_space<semaphore_mem>>)
    %dma_wait3A_750 = arith.constant 496 : i32
    %dma_wait3A_751 = tpu.memref_slice %arg5[%dma_wait3A_750] : memref<512xi32, #tpu.memory_space<vmem>> -> memref<16xi32, #tpu.memory_space<vmem>>
    %dma_wait3A_752 = arith.constant 0 : i32
    %dma_wait3A_753 = arith.constant 0 : i32
    %dma_wait3A_754 = tpu.memref_slice %arg3[%dma_wait3A_752, %dma_wait3A_753] : memref<100000x1024xf32, #tpu.memory_space<hbm>> -> memref<100000x1024xf32, #tpu.memory_space<hbm>>
    tpu.wait_indirect_dma semaphore(%arg13 : memref<!tpu.dma_semaphore, #tpu.memory_space<semaphore_mem>>) src(%dma_wait3A_754 : memref<100000x1024xf32, #tpu.memory_space<hbm>>) dst(%arg7 : memref<16x1024xf32, #tpu.memory_space<vmem>>)
    %add3A_755 = arith.constant 496 : i32
    %add3A_756 = arith.addi %mul3A_32, %add3A_755 : i32
    %dma_start3A_757 = arith.constant 0 : i32
    %dma_start3A_758 = tpu.memref_slice %arg4[%select_n3A, %add3A_756, %dma_start3A_757] : memref<4x4096x1024xf32, #tpu.memory_space<hbm>> -> memref<1x16x1024xf32, #tpu.memory_space<hbm>>
    %dma_start3A_759 = tpu.memref_squeeze %dma_start3A_758 : memref<1x16x1024xf32, #tpu.memory_space<hbm>> -> memref<16x1024xf32, #tpu.memory_space<hbm>>
    %dma_start3A_760 = arith.constant 0 : i32
    %dma_start3A_761 = tpu.memref_slice %arg4[%select_n3A, %add3A_756, %dma_start3A_760] : memref<4x4096x1024xf32, #tpu.memory_space<hbm>> -> memref<1x16x1024xf32, #tpu.memory_space<hbm>>
    %dma_start3A_762 = tpu.memref_squeeze %dma_start3A_761 : memref<1x16x1024xf32, #tpu.memory_space<hbm>> -> memref<16x1024xf32, #tpu.memory_space<hbm>>
    tpu.enqueue_dma source(%arg7 : memref<16x1024xf32, #tpu.memory_space<vmem>>) target(%dma_start3A_762 : memref<16x1024xf32, #tpu.memory_space<hbm>>) target_semaphore(%arg19 : memref<!tpu.dma_semaphore, #tpu.memory_space<semaphore_mem>>)
    %dma_wait3A_763 = arith.constant 0 : i32
    %dma_wait3A_764 = tpu.memref_slice %arg4[%select_n3A, %add3A_691, %dma_wait3A_763] : memref<4x4096x1024xf32, #tpu.memory_space<hbm>> -> memref<1x16x1024xf32, #tpu.memory_space<hbm>>
    %dma_wait3A_765 = tpu.memref_squeeze %dma_wait3A_764 : memref<1x16x1024xf32, #tpu.memory_space<hbm>> -> memref<16x1024xf32, #tpu.memory_space<hbm>>
    %dma_wait3A_766 = arith.constant 0 : i32
    %dma_wait3A_767 = tpu.memref_slice %arg4[%select_n3A, %add3A_691, %dma_wait3A_766] : memref<4x4096x1024xf32, #tpu.memory_space<hbm>> -> memref<1x16x1024xf32, #tpu.memory_space<hbm>>
    %dma_wait3A_768 = tpu.memref_squeeze %dma_wait3A_767 : memref<1x16x1024xf32, #tpu.memory_space<hbm>> -> memref<16x1024xf32, #tpu.memory_space<hbm>>
    tpu.wait_dma2 semaphore(%arg20 : memref<!tpu.dma_semaphore, #tpu.memory_space<semaphore_mem>>) src(%arg8 : memref<16x1024xf32, #tpu.memory_space<vmem>>) dst(%dma_wait3A_768 : memref<16x1024xf32, #tpu.memory_space<hbm>>)
    %dma_wait3A_769 = arith.constant 0 : i32
    %dma_wait3A_770 = tpu.memref_slice %arg4[%select_n3A, %add3A_704, %dma_wait3A_769] : memref<4x4096x1024xf32, #tpu.memory_space<hbm>> -> memref<1x16x1024xf32, #tpu.memory_space<hbm>>
    %dma_wait3A_771 = tpu.memref_squeeze %dma_wait3A_770 : memref<1x16x1024xf32, #tpu.memory_space<hbm>> -> memref<16x1024xf32, #tpu.memory_space<hbm>>
    %dma_wait3A_772 = arith.constant 0 : i32
    %dma_wait3A_773 = tpu.memref_slice %arg4[%select_n3A, %add3A_704, %dma_wait3A_772] : memref<4x4096x1024xf32, #tpu.memory_space<hbm>> -> memref<1x16x1024xf32, #tpu.memory_space<hbm>>
    %dma_wait3A_774 = tpu.memref_squeeze %dma_wait3A_773 : memref<1x16x1024xf32, #tpu.memory_space<hbm>> -> memref<16x1024xf32, #tpu.memory_space<hbm>>
    tpu.wait_dma2 semaphore(%arg21 : memref<!tpu.dma_semaphore, #tpu.memory_space<semaphore_mem>>) src(%arg9 : memref<16x1024xf32, #tpu.memory_space<vmem>>) dst(%dma_wait3A_774 : memref<16x1024xf32, #tpu.memory_space<hbm>>)
    %dma_wait3A_775 = arith.constant 0 : i32
    %dma_wait3A_776 = tpu.memref_slice %arg4[%select_n3A, %add3A_717, %dma_wait3A_775] : memref<4x4096x1024xf32, #tpu.memory_space<hbm>> -> memref<1x16x1024xf32, #tpu.memory_space<hbm>>
    %dma_wait3A_777 = tpu.memref_squeeze %dma_wait3A_776 : memref<1x16x1024xf32, #tpu.memory_space<hbm>> -> memref<16x1024xf32, #tpu.memory_space<hbm>>
    %dma_wait3A_778 = arith.constant 0 : i32
    %dma_wait3A_779 = tpu.memref_slice %arg4[%select_n3A, %add3A_717, %dma_wait3A_778] : memref<4x4096x1024xf32, #tpu.memory_space<hbm>> -> memref<1x16x1024xf32, #tpu.memory_space<hbm>>
    %dma_wait3A_780 = tpu.memref_squeeze %dma_wait3A_779 : memref<1x16x1024xf32, #tpu.memory_space<hbm>> -> memref<16x1024xf32, #tpu.memory_space<hbm>>
    tpu.wait_dma2 semaphore(%arg22 : memref<!tpu.dma_semaphore, #tpu.memory_space<semaphore_mem>>) src(%arg10 : memref<16x1024xf32, #tpu.memory_space<vmem>>) dst(%dma_wait3A_780 : memref<16x1024xf32, #tpu.memory_space<hbm>>)
    %dma_wait3A_781 = arith.constant 0 : i32
    %dma_wait3A_782 = tpu.memref_slice %arg4[%select_n3A, %add3A_730, %dma_wait3A_781] : memref<4x4096x1024xf32, #tpu.memory_space<hbm>> -> memref<1x16x1024xf32, #tpu.memory_space<hbm>>
    %dma_wait3A_783 = tpu.memref_squeeze %dma_wait3A_782 : memref<1x16x1024xf32, #tpu.memory_space<hbm>> -> memref<16x1024xf32, #tpu.memory_space<hbm>>
    %dma_wait3A_784 = arith.constant 0 : i32
    %dma_wait3A_785 = tpu.memref_slice %arg4[%select_n3A, %add3A_730, %dma_wait3A_784] : memref<4x4096x1024xf32, #tpu.memory_space<hbm>> -> memref<1x16x1024xf32, #tpu.memory_space<hbm>>
    %dma_wait3A_786 = tpu.memref_squeeze %dma_wait3A_785 : memref<1x16x1024xf32, #tpu.memory_space<hbm>> -> memref<16x1024xf32, #tpu.memory_space<hbm>>
    tpu.wait_dma2 semaphore(%arg23 : memref<!tpu.dma_semaphore, #tpu.memory_space<semaphore_mem>>) src(%arg11 : memref<16x1024xf32, #tpu.memory_space<vmem>>) dst(%dma_wait3A_786 : memref<16x1024xf32, #tpu.memory_space<hbm>>)
    %dma_wait3A_787 = arith.constant 0 : i32
    %dma_wait3A_788 = tpu.memref_slice %arg4[%select_n3A, %add3A_743, %dma_wait3A_787] : memref<4x4096x1024xf32, #tpu.memory_space<hbm>> -> memref<1x16x1024xf32, #tpu.memory_space<hbm>>
    %dma_wait3A_789 = tpu.memref_squeeze %dma_wait3A_788 : memref<1x16x1024xf32, #tpu.memory_space<hbm>> -> memref<16x1024xf32, #tpu.memory_space<hbm>>
    %dma_wait3A_790 = arith.constant 0 : i32
    %dma_wait3A_791 = tpu.memref_slice %arg4[%select_n3A, %add3A_743, %dma_wait3A_790] : memref<4x4096x1024xf32, #tpu.memory_space<hbm>> -> memref<1x16x1024xf32, #tpu.memory_space<hbm>>
    %dma_wait3A_792 = tpu.memref_squeeze %dma_wait3A_791 : memref<1x16x1024xf32, #tpu.memory_space<hbm>> -> memref<16x1024xf32, #tpu.memory_space<hbm>>
    tpu.wait_dma2 semaphore(%arg18 : memref<!tpu.dma_semaphore, #tpu.memory_space<semaphore_mem>>) src(%arg6 : memref<16x1024xf32, #tpu.memory_space<vmem>>) dst(%dma_wait3A_792 : memref<16x1024xf32, #tpu.memory_space<hbm>>)
    %dma_wait3A_793 = arith.constant 0 : i32
    %dma_wait3A_794 = tpu.memref_slice %arg4[%select_n3A, %add3A_756, %dma_wait3A_793] : memref<4x4096x1024xf32, #tpu.memory_space<hbm>> -> memref<1x16x1024xf32, #tpu.memory_space<hbm>>
    %dma_wait3A_795 = tpu.memref_squeeze %dma_wait3A_794 : memref<1x16x1024xf32, #tpu.memory_space<hbm>> -> memref<16x1024xf32, #tpu.memory_space<hbm>>
    %dma_wait3A_796 = arith.constant 0 : i32
    %dma_wait3A_797 = tpu.memref_slice %arg4[%select_n3A, %add3A_756, %dma_wait3A_796] : memref<4x4096x1024xf32, #tpu.memory_space<hbm>> -> memref<1x16x1024xf32, #tpu.memory_space<hbm>>
    %dma_wait3A_798 = tpu.memref_squeeze %dma_wait3A_797 : memref<1x16x1024xf32, #tpu.memory_space<hbm>> -> memref<16x1024xf32, #tpu.memory_space<hbm>>
    tpu.wait_dma2 semaphore(%arg19 : memref<!tpu.dma_semaphore, #tpu.memory_space<semaphore_mem>>) src(%arg7 : memref<16x1024xf32, #tpu.memory_space<vmem>>) dst(%dma_wait3A_798 : memref<16x1024xf32, #tpu.memory_space<hbm>>)
    return
  }
}

</mosaic_0001>

<sc_bundles>
// kernel: kernel.3.cloned.1.call-start
scs
__scs_entry_jumppad:
0x0: {  	(pc) =	sbr.rel $0x88, $3  }
0x1: {  	(tag) =	ssettag $0x0;
	lr =	simm.s32 $0x1  }
0x2: {  	[smem:$0x3F9F] =	sst lr;
	_ =	strace $0xD0000000  }
0x3: {  	_ = 	snop  }
0x4: {  	_ = 	snop  }
0x5: {  	_ = 	snop  }
0x6: {  	_ = 	snop  }
0x7: {  	_ = 	snop  }
__scs_overlays_trampoline_lowered:
0x8: {  	[smem:$0x3FAE] =	sst s0  }
0x9: {  	[smem:$0x3FAF] =	sst s1  }
0xa: {  	[smem:$0x3FB0] =	sst s2  }
0xb: {  	[smem:$0x3FB1] =	sst s3  }
0xc: {  	[smem:$0x3FB2] =	sst s4  }
0xd: {  	[smem:$0x3FB3] =	sst s5  }
0xe: {  	[smem:$0x3FB4] =	sst s6  }
0xf: {  	[smem:$0x3FB5] =	sst s7  }
0x10: {  	[smem:$0x3FB6] =	sst s8  }
0x11: {  	[smem:$0x3FB7] =	sst s9;
	s0 =	simm.s32 @!p0 $0x0  }
0x12: {  	s1 =	sld [smem:$0x3F9D];
	s0 =	simm.s32 @p0 $0x1  }
0x13: {  	[smem:$0x3FB8] =	sst s0;
	s0 =	simm.s32 @!p1 $0x0  }
0x14: {  	s2 =	sld [smem:$0x3F9C];
	s0 =	simm.s32 @p1 $0x1  }
0x15: {  	[smem:$0x3FB9] =	sst s0;
	s0 =	simm.s32 @!p2 $0x0  }
0x16: {  	s3 =	sld [smem:$0x3FDB];
	s0 =	simm.s32 @p2 $0x1  }
0x17: {  	s4 =	simm.s32 $0x1BF5;
	[smem:$0x3FBB] =	sst s0  }
0x18: {  	s0 =	sld [smem:$0x3F9E];
	_ =	swait.ge [sflag:s4], $0x0  }
0x19: {  	s7 =	sld [smem:$0x3F9F]  }
0x1a: {  	s8 =	sadd.s32 $0xFFFFE003, lr  }
0x1b: {  	s9 =	sadd.s32 $0xFFFFFEF7, lr;
	s5 =	simm.s32 $0xFFFFFFFF;
	p2 =	slt.u32 s8, $0xFFFFF086  }
0x1c: {  	p1 =	slt.u32 s9, $0xF7A;
	s5 =	simm.s32 @!p2 $0x0  }
0x1d: {  	s5 =	simm.s32 @p1 $0x1;
	p0 =	seq.s32 s7, s2  }
0x1e: {  	s7 =	smul.u32 @!p0 $0xF7A, s2;
	p2 =	seq.s32 @!p0 s5, $0x0  }
0x1f: {  	s9 =	smul.u32 $0xF7A, s1;
	s8 =	simm.s32 @!p0 $0x1BF5;
	p2 =	por !p2, p0  }
0x20: {  	[sflag:s8] =	ssyncset.s32 @!p0 $0xFFFFF086;
	s6 =	sadd.s32 @!p0 s3, s7;
	s7 =	simm.s32 @!p0 $0x108  }
0x21: {  	s3 =	sadd.s32 s3, s9;
	s6 =	sadd.s32 @!p0 $0x88, s6;
	s7 =	simm.s32 @p2 $0x1082  }
0x22: {  	[simem:s7], [sflag:s8] =	dma.local @!p0 [hbm:s6], $0xF7A  }
0x23: {  	s9 =	sor.u32 $0xD0000000, s2;
	s6 =	simm.s32 $0x108;
	_ =	swait.ge @!p0 [sflag:s8], $0x0  }
0x24: {  	s3 =	sadd.s32 $0x88, s3;
	s6 =	simm.s32 @!p1 $0x1082;
	[sflag:s4] =	ssyncset.s32 $0xFFFFF086  }
0x25: {  	[simem:s6], [sflag:s4] =	dma.local [hbm:s3], $0xF7A  }
0x26: {  	[smem:$0x3F9F] =	sst s1;
	(tag) =	ssettag s2;
	_ =	strace s9  }
0x27: {  	s1 =	sld [smem:$0x3FAF]  }
0x28: {  	s2 =	sld [smem:$0x3FB0]  }
0x29: {  	s4 =	sld [smem:$0x3FB2]  }
0x2a: {  	p0 =	seq.s32 s5, $0x0;
	s5 =	sld [smem:$0x3FB3]  }
0x2b: {  	s6 =	sld [smem:$0x3FB4]  }
0x2c: {  	s7 =	sld [smem:$0x3FB5]  }
0x2d: {  	s3 =	simm.s32 $0x108;
	s8 =	sld [smem:$0x3FB6]  }
0x2e: {  	s3 =	simm.s32 @!p0 $0x1082;
	s9 =	sld [smem:$0x3FB7]  }
0x2f: {  	lr =	sadd.s32 s0, s3;
	s0 =	sld [smem:$0x3FAE]  }
0x30: {  	s3 =	sld [smem:$0x3FB1]  }
0x31: {  	[smem:$0x3FBA] =	sst s10  }
0x32: {  	s10 =	sld [smem:$0x3FB8];
	_ =	sdelay $0x3  }
0x33: {  	p0 =	seq.s32 s10, $0x1;
	s10 =	sld [smem:$0x3FBA];
	_ =	sdelay $0x3  }
0x34: {  	[smem:$0x3FBA] =	sst s10  }
0x35: {  	s10 =	sld [smem:$0x3FB9];
	_ =	sdelay $0x3  }
0x36: {  	p1 =	seq.s32 s10, $0x1;
	s10 =	sld [smem:$0x3FBA];
	_ =	sdelay $0x3  }
0x37: {  	[smem:$0x3FBA] =	sst s10  }
0x38: {  	s10 =	sld [smem:$0x3FBB]  }
0x39: {  	_ = 	snop;
	(pc) =	sbr.ind lr, $3  }
0x3a: {  	_ = 	snop  }
0x3b: {  	_ = 	snop  }
0x3c: {  	p2 =	seq.s32 s10, $0x1;
	s10 =	sld [smem:$0x3FBA]  }
0x3d: {  	_ =	shalt  }
0x3e: {  	_ =	shalt  }
0x3f: {  	_ =	shalt  }
0x40: {  	_ =	shalt  }
0x41: {  	_ =	shalt  }
0x42: {  	_ =	shalt  }
0x43: {  	_ =	shalt  }
0x44: {  	_ =	shalt  }
0x45: {  	_ =	shalt  }
0x46: {  	_ =	shalt  }
0x47: {  	_ =	shalt  }
0x48: {  	_ =	shalt  }
0x49: {  	_ =	shalt  }
0x4a: {  	_ =	shalt  }
0x4b: {  	_ =	shalt  }
0x4c: {  	_ =	shalt  }
0x4d: {  	_ =	shalt  }
0x4e: {  	_ =	shalt  }
0x4f: {  	_ =	shalt  }
0x50: {  	_ =	shalt  }
0x51: {  	_ =	shalt  }
0x52: {  	_ =	shalt  }
0x53: {  	_ =	shalt  }
0x54: {  	_ =	shalt  }
0x55: {  	_ =	shalt  }
0x56: {  	_ =	shalt  }
0x57: {  	_ =	shalt  }
0x58: {  	_ =	shalt  }
0x59: {  	_ =	shalt  }
0x5a: {  	_ =	shalt  }
0x5b: {  	_ =	shalt  }
0x5c: {  	_ =	shalt  }
0x5d: {  	_ =	shalt  }
0x5e: {  	_ =	shalt  }
0x5f: {  	_ =	shalt  }
0x60: {  	_ =	shalt  }
0x61: {  	_ =	shalt  }
0x62: {  	_ =	shalt  }
0x63: {  	_ =	shalt  }
0x64: {  	_ =	shalt  }
0x65: {  	_ =	shalt  }
0x66: {  	_ =	shalt  }
0x67: {  	_ =	shalt  }
0x68: {  	_ =	shalt  }
0x69: {  	_ =	shalt  }
0x6a: {  	_ =	shalt  }
0x6b: {  	_ =	shalt  }
0x6c: {  	_ =	shalt  }
0x6d: {  	_ =	shalt  }
0x6e: {  	_ =	shalt  }
0x6f: {  	_ =	shalt  }
0x70: {  	_ =	shalt  }
0x71: {  	_ =	shalt  }
0x72: {  	_ =	shalt  }
0x73: {  	_ =	shalt  }
0x74: {  	_ =	shalt  }
0x75: {  	_ =	shalt  }
0x76: {  	_ =	shalt  }
0x77: {  	_ =	shalt  }
0x78: {  	_ =	shalt  }
0x79: {  	_ =	shalt  }
0x7a: {  	_ =	shalt  }
0x7b: {  	_ =	shalt  }
0x7c: {  	_ =	shalt  }
0x7d: {  	_ =	shalt  }
0x7e: {  	_ =	shalt  }
0x7f: {  	_ =	shalt  }
0x80: {  	_ =	shalt  }
0x81: {  	_ =	shalt  }
0x82: {  	_ =	shalt  }
0x83: {  	_ =	shalt  }
0x84: {  	_ =	shalt  }
0x85: {  	_ =	shalt  }
0x86: {  	_ =	shalt  }
0x87: {  	_ =	shalt  }
.Lfunc_end0:
.L_simem_size_0:
called_computation_lowered:
.L_overlay_start_0:
0x88: {  	s2 =	sld [smem:$0x3FD9]  }
0x89: {  	s3 =	sld [smem:$0x3FFE];
	_ =	sdelay $0x1  }
0x8a: {  	s1 =	srdreg.scid  }
0x8b: {  	s0 =	sand.u32 $0x1, s1  }
0x8c: {  	s18 =	sshll.u32 s0, $0xA;
	s2 =	sadd.s32 s3, s2  }
0x8d: {  	s2 =	sadd.s32 s2, s18  }
0x8e: {  	[smem:$0x3FC6] =	sst s2  }
0x8f: {  	_ = 	snop  }
0x90: {  	s2 =	sld [smem:$0x3FC9]  }
0x91: {  	s19 =	sld [smem:$0x3FC8]  }
0x92: {  	s4 =	sld [smem:$0x3FD0];
	(tm) =	ssettm $0x1  }
0x93: {  	s5 =	sld [smem:$0x3FFB];
	_ =	sdelay $0x3  }
0x94: {  	_ =	strace s5  }
0x95: {  	s5 =	sld [smem:$0x3FFC];
	_ =	sdelay $0x3  }
0x96: {  	_ =	strace s5  }
0x97: {  	s5 =	sld [smem:$0x3FFD];
	_ =	sdelay $0x3  }
0x98: {  	_ =	strace s5  }
0x99: {  	_ =	strace $0x8FFFFFFF  }
0x9a: {  	s20 =	sld [smem:$0x3FDB];
	_ =	sdelay $0x1  }
0x9b: {  	s6 =	simm.s32 $_scs_section_size  }
0x9c: {  	s7 =	simm.s32 $_size__tile_overlayer_lowered;
	s8 =	simm.s32 $_tile_overlayer_lowered  }
0x9d: {  	s23 =	simm.s32 $0x1BFF;
	s22 =	sshll.u32 s8, $0x1;
	s5 =	sadd.s32 s6, s20  }
0x9e: {  	s9 =	simm.s32 $0x0;
	s21 =	sshll.u32 s7, $0x1;
	s7 =	sadd.s32 s22, s5  }
0x9f: {  	[timem:s9], [sflag:s23] =	dma.local [hbm:s7], s21  }
0xa0: {  	_ =	swait.ge [sflag:s23], s21  }
0xa1: {  	s6 =	ssub.s32 $0x0, s21;
	[sflag:s23] =	ssyncset.done $0x0  }
0xa2: {  	[sflag:s23] =	ssyncadd.s32 s6;
	_ =	sdelay $0x1  }
0xa3: {  	s24 =	simm.s32 $0x1B8B  }
0xa4: {  	_ =	swait.ge [sflag:s24], $0x1  }
0xa5: {  	[sflag:s24] =	ssyncset.done $0x0  }
0xa6: {  	s25 =	simm.s32 $0x1B8E;
	[sflag:s24] =	ssyncadd.s32 $0xFFFFFFFF  }
0xa7: {  	s26 =	simm.s32 $execute0_lowered;
	[smem:$0x3FD2] =	sst s25  }
0xa8: {  	s6 =	sshll.u32 s26, $0x1;
	_ =	strace $0x80000046;
	[dreg:$0x1] =	wrdreg $0xFFFFFFFF  }
0xa9: {  	s28 =	simm.s32 $_size_execute0_lowered;
	s5 =	sadd.s32 s5, s6;
	[dreg:$0x0] =	wrdreg $0x0  }
0xaa: {  	s6 =	sshll.u32 s28, $0x1;
	[dreg:$0x2] =	wrdreg s5  }
0xab: {  	[dreg:$0x3] =	wrdreg s6  }
0xac: {  	[dreg:$0x4] =	wrdreg $0xC0  }
0xad: {  	_ =	task [dreg:s9], $0x5FFFF  }
0xae: {  	[dreg:$0x1] =	wrdreg $0xFFFFFFFF  }
0xaf: {  	[dreg:$0x0] =	wrdreg $0x60  }
0xb0: {  	[dreg:$0x2] =	wrdreg s2  }
0xb1: {  	[dreg:$0x3] =	wrdreg s19  }
0xb2: {  	[dreg:$0x4] =	wrdreg s4  }
0xb3: {  	[dreg:$0x5] =	wrdreg $0x9  }
0xb4: {  	_ =	task.clear_ibuf [dreg:s9], $0x6FFFF;
	_ =	strace $0x90000046  }
0xb5: {  	s29 =	simm.s32 $0x9;
	_ =	strace $0x80000048  }
0xb6: {  	_ =	swait.ge [sflag:s29], $0x1  }
0xb7: {  	[sflag:s29] =	ssyncadd.s32 $0xFFFFFFFF  }
0xb8: {  	_ =	strace $0x90000048  }
0xb9: {  	_ =	sfence  }
0xba: {  	s30 =	sld [smem:$0x0];
	_ =	sdelay $0x2  }
0xbb: {  	s31 =	sshll.u32 s1, $0xD;
	s1 =	sshrl.u32 s1, $0x2  }
0xbc: {  	s3 =	sand.u32 $0x4000, s31;
	s1 =	sadd.s32 s1, s30  }
0xbd: {  	s0 =	sor.u32 s3, s0;
	s1 =	sshll.u32 s1, $0x11  }
0xbe: {  	s0 =	sor.u32 s1, s0  }
0xbf: {  	s0 =	sadd.s32 $0x8F2B, s0  }
0xc0: {  	[sflag:s0] =	ssyncadd.remote.s32 $0x1  }
0xc1: {  	_ =	sfence.sel $0xFFFF  }
0xc2: {  	[dreg:$0x0] =	wrdreg $0xFFFFFFFF;
	(pc) =	sbr.abs _section_cstart, $3  }
0xc3: {  	[dreg:$0x1] =	wrdreg $0xFFFFFFFF  }
0xc4: {  	_ =	task.clear_ibuf [dreg:s9], $0x2FFFF;
	_ =	strace $0x9FFFFFFF  }
0xc5: {  	(tm) =	ssettm $0x7FFFFFFF  }
tec
execute0_lowered:
.L_overlay_start_1:
0x0: {  	(tag) =	ssettag $0x1  }
0x1: {  	s1 =	rddreg [dreg:$0x0]  }
0x2: {  	s2 =	rddreg [dreg:$0x1]  }
0x3: {  	s4 =	rddreg [dreg:$0x2];
	s6 =	stileid.u32  }
0x4: {  	s0 =	srdreg.scid;
	s3 =	simm.s32 $0x0;
	s5 =	sshll.u32 s6, $0x1  }
0x5: {  	s0 =	sand.u32 $0x1, s0;
	s6 =	sshrl.u32 s6, $0x2;
	s5 =	sand.u32 $0x6, s5  }
0x6: {  	s8 =	sshll.u32 s6, $0x4;
	s6 =	sshll.u32 s6, $0x13;
	s5 =	sor.u32 s0, s5  }
0x7: {  	s1 =	sadd.s32 s1, s8;
	s7 =	sshll.u32 s5, $0x10;
	s5 =	sshll.u32 s5, $0x8  }
0x8: {  	[smem:$0x7FF] =	sst s3;
	s6 =	sor.u32 s6, s7;
	s1 =	sadd.s32 s5, s1  }
0x9: {  	_ =	strace $0x80000047;
	s7 =	sadd.s32 s4, s6;
	[dreg:$0x4] =	wrdreg s1  }
0xa: {  	s20 =	sadd.s32 $0x800, s7;
	[smem:$0x7FB] =	sst s7  }
0xb: {  	s21 =	sadd.s32 $0x1000, s7;
	[dreg:$0x5] =	wrdreg s20  }
0xc: {  	s22 =	sadd.s32 $0x1800, s7;
	[dreg:$0x6] =	wrdreg s21  }
0xd: {  	s23 =	sadd.s32 $0x2000, s7;
	[dreg:$0x7] =	wrdreg s22  }
0xe: {  	s24 =	sadd.s32 $0x2800, s7;
	[dreg:$0x8] =	wrdreg s23  }
0xf: {  	s25 =	sadd.s32 $0x3000, s7;
	[dreg:$0x9] =	wrdreg s24  }
0x10: {  	s26 =	sadd.s32 $0x3800, s7;
	[dreg:$0xa] =	wrdreg s25  }
0x11: {  	s28 =	sadd.s32 $0x4000, s7;
	[dreg:$0xb] =	wrdreg s26  }
0x12: {  	s30 =	sadd.s32 $0x4800, s7;
	[dreg:$0xc] =	wrdreg s28  }
0x13: {  	s4 =	sadd.s32 $0x5000, s7;
	[dreg:$0xd] =	wrdreg s30  }
0x14: {  	s5 =	sadd.s32 $0x5800, s7;
	[dreg:$0xe] =	wrdreg s4  }
0x15: {  	s6 =	sadd.s32 $0x6000, s7;
	[dreg:$0xf] =	wrdreg s5  }
0x16: {  	s8 =	sadd.s32 $0x6800, s7;
	[dreg:$0x10] =	wrdreg s6  }
0x17: {  	s9 =	sadd.s32 $0x7000, s7;
	[dreg:$0x11] =	wrdreg s8  }
0x18: {  	s10 =	sadd.s32 $0x7800, s7;
	[dreg:$0x12] =	wrdreg s9  }
0x19: {  	s11 =	sadd.s32 $0x8000, s7;
	[dreg:$0x13] =	wrdreg s10  }
0x1a: {  	s12 =	sadd.s32 $0x8800, s7;
	[dreg:$0x14] =	wrdreg s11  }
0x1b: {  	s13 =	sadd.s32 $0x9000, s7;
	[dreg:$0x15] =	wrdreg s12  }
0x1c: {  	s14 =	sadd.s32 $0x9800, s7;
	[dreg:$0x16] =	wrdreg s13  }
0x1d: {  	s15 =	sadd.s32 $0xA000, s7;
	[dreg:$0x17] =	wrdreg s14  }
0x1e: {  	s29 =	simm.s32 $0x2;
	s16 =	sadd.s32 $0xA800, s7;
	[dreg:$0x18] =	wrdreg s15  }
0x1f: {  	s31 =	simm.s32 $0x8;
	s17 =	sadd.s32 $0xB000, s7;
	[dreg:$0x19] =	wrdreg s16  }
0x20: {  	s0 =	ssub.s32 $0x2, s0;
	s18 =	sadd.s32 $0xB800, s7;
	[dreg:$0x1a] =	wrdreg s17  }
0x21: {  	s1 =	simm.s32 $0x1;
	s19 =	sadd.s32 $0xC000, s7;
	[dreg:$0x1b] =	wrdreg s18  }
0x22: {  	[dreg:$0x1c] =	wrdreg s19;
	s20 =	sadd.s32 $0xC800, s7;
	s21 =	sadd.s32 $0xD000, s7  }
0x23: {  	s22 =	sadd.s32 $0xD800, s7;
	s23 =	sshrl.u32 s0, $0x1;
	s24 =	sadd.s32 $0xE000, s7  }
0x24: {  	s25 =	sadd.s32 $0xE800, s7;
	s5 =	sadd.s32 $0x100, s2;
	s26 =	sadd.s32 $0xF000, s7  }
0x25: {  	s6 =	sadd.s32 $0x200, s2;
	s28 =	sadd.s32 $0xF800, s7;
	[dreg:$0x1d] =	wrdreg s20  }
0x26: {  	s7 =	sadd.s32 $0x300, s2;
	s30 =	simm.s32 $0x80;
	[dreg:$0x1e] =	wrdreg s21  }
0x27: {  	s10 =	simm.s32 $0x7;
	s11 =	simm.s32 $0x9;
	[dreg:$0x1f] =	wrdreg s22  }
0x28: {  	s12 =	simm.s32 $0x4;
	s13 =	simm.s32 $0xA;
	[smem:$0x7F8] =	sst s24  }
0x29: {  	s14 =	simm.s32 $0x5;
	s15 =	simm.s32 $0xB;
	[smem:$0x7F9] =	sst s25  }
0x2a: {  	v2 =	vlaneseq.u32;
	s16 =	simm.s32 $0x6;
	s17 =	simm.s32 $0xC;
	[smem:$0x7FA] =	sst s26  }
0x2b: {  	vm0 =	vmmov $0xffff;
	v1 =	vshrl.u32 v2, $0x3;
	s8 =	simm.s32 $0x200;
	s0 =	ssub.s32 s0, s23;
	[smem:$0x7FC] =	sst s28  }
0x2c: {  	v0 =	vand.u32 $0x7, v2;
	v2 =	vor.u32 $0x8, v2;
	v1 =	vmul.u32 $0x8, v1;
	[smem:$0x7FD] =	sst s30;
	s21 =	simm.s32 $0x3;
	s4 =	smax.u32 s0, $0x1  }
.LBB2_1:
0x2d: {  	s20 =	sld [smem:$0x7FD]  }
0x2e: {  	[smem:$0x7F7] =	sst s4  }
0x2f: {  	s19 =	rddreg [dreg:$0x4];
	s18 =	simm.s32 $0xD  }
0x30: {  	[tilespmem:s3], [sflag:$0xD] =	stream.strided.gather [hbm4b:s19+s20], $0x200, s8, s20, $0x38;
	[tilespmem:$0x18200] =	vst v63  }
0x31: {  	_ =	swait.ge [sflag:s18], $0x200  }
0x32: {  	[sflag:s18] =	ssyncset.done $0x0  }
0x33: {  	[sflag:s18] =	ssyncadd.s32 $0xFFFFFE00  }
0x34: {  	v3 =	vld [tilespmem:$0x0];
	_ =	sdelay $0x4  }
0x35: {  	v4 =	vshll.u32 v3, $0x3  }
0x36: {  	v3 =	vand.u32 $0x7, v3;
	v4 =	vand.u32 $0xFFFFFFC0, v4  }
0x37: {  	v3 =	vor.u32 v3, v4  }
0x38: {  	v4 =	vperm.xlane v3, v0;
	_ =	sdelay $0x1  }
0x39: {  	v4 =	vadd.s32 v1, v4;
	_ =	sdelay $0x4  }
0x3a: {  	[tilespmem:s8], [sflag:$0x1] =	stream.indirect_vreg.gather [hbm4b:s2+s3], $0x80, v4, vm0, $0xb8;
	[tilespmem:$0x18200] =	vst v63  }
0x3b: {  	s19 =	simm.s32 $0xA00;
	v3 =	vperm.xlane v3, v2  }
0x3c: {  	[tilespmem:s19], [sflag:$0x1] =	stream.indirect_vreg.gather [hbm4b:s5+s3], $0x80, v4, vm0, $0xb8;
	[tilespmem:$0x18200] =	vst v63  }
0x3d: {  	s20 =	simm.s32 $0x1200;
	v3 =	vadd.s32 v1, v3  }
0x3e: {  	[tilespmem:s20], [sflag:$0x1] =	stream.indirect_vreg.gather [hbm4b:s6+s3], $0x80, v4, vm0, $0xb8;
	[tilespmem:$0x18200] =	vst v63  }
0x3f: {  	s22 =	simm.s32 $0x1A00  }
0x40: {  	[tilespmem:s22], [sflag:$0x1] =	stream.indirect_vreg.gather [hbm4b:s7+s3], $0x80, v4, vm0, $0xb8;
	[tilespmem:$0x18200] =	vst v63  }
0x41: {  	s23 =	simm.s32 $0x2200  }
0x42: {  	[tilespmem:s23], [sflag:$0x1] =	stream.indirect_vreg.gather [hbm4b:s2+s3], $0x80, v3, vm0, $0xb8;
	[tilespmem:$0x18200] =	vst v63  }
0x43: {  	s24 =	simm.s32 $0x2A00  }
0x44: {  	[tilespmem:s24], [sflag:$0x1] =	stream.indirect_vreg.gather [hbm4b:s5+s3], $0x80, v3, vm0, $0xb8;
	[tilespmem:$0x18200] =	vst v63  }
0x45: {  	s28 =	simm.s32 $0x3200  }
0x46: {  	[tilespmem:s28], [sflag:$0x1] =	stream.indirect_vreg.gather [hbm4b:s6+s3], $0x80, v3, vm0, $0xb8;
	[tilespmem:$0x18200] =	vst v63  }
0x47: {  	s30 =	simm.s32 $0x3A00  }
0x48: {  	[tilespmem:s30], [sflag:$0x1] =	stream.indirect_vreg.gather [hbm4b:s7+s3], $0x80, v3, vm0, $0xb8;
	[tilespmem:$0x18200] =	vst v63  }
0x49: {  	v3 =	vld [tilespmem:$0x10];
	_ =	sdelay $0x4  }
0x4a: {  	v33 =	vshll.u32 v3, $0x3  }
0x4b: {  	v3 =	vand.u32 $0x7, v3;
	v4 =	vand.u32 $0xFFFFFFC0, v33  }
0x4c: {  	v3 =	vor.u32 v3, v4  }
0x4d: {  	v4 =	vperm.xlane v3, v0;
	_ =	sdelay $0x1  }
0x4e: {  	v4 =	vadd.s32 v1, v4;
	_ =	sdelay $0x3  }
0x4f: {  	s9 =	simm.s32 $0x4200  }
0x50: {  	[tilespmem:s9], [sflag:$0x2] =	stream.indirect_vreg.gather [hbm4b:s2+s3], $0x80, v4, vm0, $0xb8;
	[tilespmem:$0x18200] =	vst v63  }
0x51: {  	s18 =	simm.s32 $0x4A00;
	v3 =	vperm.xlane v3, v2  }
0x52: {  	[tilespmem:s18], [sflag:$0x2] =	stream.indirect_vreg.gather [hbm4b:s5+s3], $0x80, v4, vm0, $0xb8;
	[tilespmem:$0x18200] =	vst v63  }
0x53: {  	s20 =	simm.s32 $0x5200;
	v3 =	vadd.s32 v1, v3  }
0x54: {  	[tilespmem:s20], [sflag:$0x2] =	stream.indirect_vreg.gather [hbm4b:s6+s3], $0x80, v4, vm0, $0xb8;
	[tilespmem:$0x18200] =	vst v63  }
0x55: {  	s28 =	simm.s32 $0x5A00  }
0x56: {  	[tilespmem:s28], [sflag:$0x2] =	stream.indirect_vreg.gather [hbm4b:s7+s3], $0x80, v4, vm0, $0xb8;
	[tilespmem:$0x18200] =	vst v63  }
0x57: {  	s30 =	simm.s32 $0x6200  }
0x58: {  	[tilespmem:s30], [sflag:$0x2] =	stream.indirect_vreg.gather [hbm4b:s2+s3], $0x80, v3, vm0, $0xb8;
	[tilespmem:$0x18200] =	vst v63  }
0x59: {  	s4 =	simm.s32 $0x6A00  }
0x5a: {  	[tilespmem:s4], [sflag:$0x2] =	stream.indirect_vreg.gather [hbm4b:s5+s3], $0x80, v3, vm0, $0xb8;
	[tilespmem:$0x18200] =	vst v63  }
0x5b: {  	s9 =	simm.s32 $0x7200  }
0x5c: {  	[tilespmem:s9], [sflag:$0x2] =	stream.indirect_vreg.gather [hbm4b:s6+s3], $0x80, v3, vm0, $0xb8;
	[tilespmem:$0x18200] =	vst v63  }
0x5d: {  	s18 =	simm.s32 $0x7A00  }
0x5e: {  	[tilespmem:s18], [sflag:$0x2] =	stream.indirect_vreg.gather [hbm4b:s7+s3], $0x80, v3, vm0, $0xb8;
	[tilespmem:$0x18200] =	vst v63  }
0x5f: {  	v3 =	vld [tilespmem:$0x20];
	_ =	sdelay $0x4  }
0x60: {  	v34 =	vshll.u32 v3, $0x3  }
0x61: {  	v3 =	vand.u32 $0x7, v3;
	v4 =	vand.u32 $0xFFFFFFC0, v34  }
0x62: {  	v3 =	vor.u32 v3, v4  }
0x63: {  	v4 =	vperm.xlane v3, v0;
	_ =	sdelay $0x1  }
0x64: {  	v4 =	vadd.s32 v1, v4;
	_ =	sdelay $0x3  }
0x65: {  	s19 =	simm.s32 $0x8200  }
0x66: {  	[tilespmem:s19], [sflag:$0x3] =	stream.indirect_vreg.gather [hbm4b:s2+s3], $0x80, v4, vm0, $0xb8;
	[tilespmem:$0x18200] =	vst v63  }
0x67: {  	s20 =	simm.s32 $0x8A00;
	v3 =	vperm.xlane v3, v2  }
0x68: {  	[tilespmem:s20], [sflag:$0x3] =	stream.indirect_vreg.gather [hbm4b:s5+s3], $0x80, v4, vm0, $0xb8;
	[tilespmem:$0x18200] =	vst v63  }
0x69: {  	s28 =	simm.s32 $0x9200;
	v3 =	vadd.s32 v1, v3  }
0x6a: {  	[tilespmem:s28], [sflag:$0x3] =	stream.indirect_vreg.gather [hbm4b:s6+s3], $0x80, v4, vm0, $0xb8;
	[tilespmem:$0x18200] =	vst v63  }
0x6b: {  	s30 =	simm.s32 $0x9A00  }
0x6c: {  	[tilespmem:s30], [sflag:$0x3] =	stream.indirect_vreg.gather [hbm4b:s7+s3], $0x80, v4, vm0, $0xb8;
	[tilespmem:$0x18200] =	vst v63  }
0x6d: {  	s18 =	simm.s32 $0xA200  }
0x6e: {  	[tilespmem:s18], [sflag:$0x3] =	stream.indirect_vreg.gather [hbm4b:s2+s3], $0x80, v3, vm0, $0xb8;
	[tilespmem:$0x18200] =	vst v63  }
0x6f: {  	s19 =	simm.s32 $0xAA00  }
0x70: {  	[tilespmem:s19], [sflag:$0x3] =	stream.indirect_vreg.gather [hbm4b:s5+s3], $0x80, v3, vm0, $0xb8;
	[tilespmem:$0x18200] =	vst v63  }
0x71: {  	s18 =	simm.s32 $0xB200  }
0x72: {  	[tilespmem:s18], [sflag:$0x3] =	stream.indirect_vreg.gather [hbm4b:s6+s3], $0x80, v3, vm0, $0xb8;
	[tilespmem:$0x18200] =	vst v63  }
0x73: {  	s19 =	simm.s32 $0xBA00  }
0x74: {  	[tilespmem:s19], [sflag:$0x3] =	stream.indirect_vreg.gather [hbm4b:s7+s3], $0x80, v3, vm0, $0xb8;
	[tilespmem:$0x18200] =	vst v63  }
0x75: {  	v3 =	vld [tilespmem:$0x30];
	_ =	sdelay $0x4  }
0x76: {  	v35 =	vshll.u32 v3, $0x3  }
0x77: {  	v3 =	vand.u32 $0x7, v3;
	v4 =	vand.u32 $0xFFFFFFC0, v35  }
0x78: {  	v3 =	vor.u32 v3, v4  }
0x79: {  	v4 =	vperm.xlane v3, v0;
	_ =	sdelay $0x1  }
0x7a: {  	v4 =	vadd.s32 v1, v4;
	_ =	sdelay $0x3  }
0x7b: {  	s18 =	simm.s32 $0xC200  }
0x7c: {  	[tilespmem:s18], [sflag:$0x4] =	stream.indirect_vreg.gather [hbm4b:s2+s3], $0x80, v4, vm0, $0xb8;
	[tilespmem:$0x18200] =	vst v63  }
0x7d: {  	s19 =	simm.s32 $0xCA00;
	v3 =	vperm.xlane v3, v2  }
0x7e: {  	[tilespmem:s19], [sflag:$0x4] =	stream.indirect_vreg.gather [hbm4b:s5+s3], $0x80, v4, vm0, $0xb8;
	[tilespmem:$0x18200] =	vst v63  }
0x7f: {  	v3 =	vadd.s32 v1, v3;
	s18 =	simm.s32 $0xD200  }
0x80: {  	[tilespmem:s18], [sflag:$0x4] =	stream.indirect_vreg.gather [hbm4b:s6+s3], $0x80, v4, vm0, $0xb8;
	[tilespmem:$0x18200] =	vst v63  }
0x81: {  	s19 =	simm.s32 $0xDA00  }
0x82: {  	[tilespmem:s19], [sflag:$0x4] =	stream.indirect_vreg.gather [hbm4b:s7+s3], $0x80, v4, vm0, $0xb8;
	[tilespmem:$0x18200] =	vst v63  }
0x83: {  	s18 =	simm.s32 $0xE200  }
0x84: {  	[tilespmem:s18], [sflag:$0x4] =	stream.indirect_vreg.gather [hbm4b:s2+s3], $0x80, v3, vm0, $0xb8;
	[tilespmem:$0x18200] =	vst v63  }
0x85: {  	s19 =	simm.s32 $0xEA00  }
0x86: {  	[tilespmem:s19], [sflag:$0x4] =	stream.indirect_vreg.gather [hbm4b:s5+s3], $0x80, v3, vm0, $0xb8;
	[tilespmem:$0x18200] =	vst v63  }
0x87: {  	s18 =	simm.s32 $0xF200  }
0x88: {  	[tilespmem:s18], [sflag:$0x4] =	stream.indirect_vreg.gather [hbm4b:s6+s3], $0x80, v3, vm0, $0xb8;
	[tilespmem:$0x18200] =	vst v63  }
0x89: {  	s19 =	simm.s32 $0xFA00  }
0x8a: {  	[tilespmem:s19], [sflag:$0x4] =	stream.indirect_vreg.gather [hbm4b:s7+s3], $0x80, v3, vm0, $0xb8;
	[tilespmem:$0x18200] =	vst v63  }
0x8b: {  	v3 =	vld [tilespmem:$0x40];
	_ =	sdelay $0x4  }
0x8c: {  	v36 =	vshll.u32 v3, $0x3  }
0x8d: {  	v3 =	vand.u32 $0x7, v3;
	v4 =	vand.u32 $0xFFFFFFC0, v36  }
0x8e: {  	v3 =	vor.u32 v3, v4  }
0x8f: {  	v4 =	vperm.xlane v3, v0;
	_ =	sdelay $0x1  }
0x90: {  	v4 =	vadd.s32 v1, v4;
	_ =	sdelay $0x3  }
0x91: {  	s18 =	simm.s32 $0x10200  }
0x92: {  	[tilespmem:s18], [sflag:$0x5] =	stream.indirect_vreg.gather [hbm4b:s2+s3], $0x80, v4, vm0, $0xb8;
	[tilespmem:$0x18200] =	vst v63  }
0x93: {  	v3 =	vperm.xlane v3, v2;
	s18 =	simm.s32 $0x10A00  }
0x94: {  	[tilespmem:s18], [sflag:$0x5] =	stream.indirect_vreg.gather [hbm4b:s5+s3], $0x80, v4, vm0, $0xb8;
	[tilespmem:$0x18200] =	vst v63  }
0x95: {  	s19 =	simm.s32 $0x11200;
	v3 =	vadd.s32 v1, v3  }
0x96: {  	[tilespmem:s19], [sflag:$0x5] =	stream.indirect_vreg.gather [hbm4b:s6+s3], $0x80, v4, vm0, $0xb8;
	[tilespmem:$0x18200] =	vst v63  }
0x97: {  	s4 =	simm.s32 $0x11A00  }
0x98: {  	[tilespmem:s4], [sflag:$0x5] =	stream.indirect_vreg.gather [hbm4b:s7+s3], $0x80, v4, vm0, $0xb8;
	[tilespmem:$0x18200] =	vst v63  }
0x99: {  	s19 =	simm.s32 $0x12200  }
0x9a: {  	[tilespmem:s19], [sflag:$0x5] =	stream.indirect_vreg.gather [hbm4b:s2+s3], $0x80, v3, vm0, $0xb8;
	[tilespmem:$0x18200] =	vst v63  }
0x9b: {  	s4 =	simm.s32 $0x12A00  }
0x9c: {  	[tilespmem:s4], [sflag:$0x5] =	stream.indirect_vreg.gather [hbm4b:s5+s3], $0x80, v3, vm0, $0xb8;
	[tilespmem:$0x18200] =	vst v63  }
0x9d: {  	s19 =	simm.s32 $0x13200  }
0x9e: {  	[tilespmem:s19], [sflag:$0x5] =	stream.indirect_vreg.gather [hbm4b:s6+s3], $0x80, v3, vm0, $0xb8;
	[tilespmem:$0x18200] =	vst v63  }
0x9f: {  	s4 =	simm.s32 $0x13A00  }
0xa0: {  	[tilespmem:s4], [sflag:$0x5] =	stream.indirect_vreg.gather [hbm4b:s7+s3], $0x80, v3, vm0, $0xb8;
	[tilespmem:$0x18200] =	vst v63  }
0xa1: {  	v3 =	vld [tilespmem:$0x50];
	_ =	sdelay $0x4  }
0xa2: {  	v37 =	vshll.u32 v3, $0x3  }
0xa3: {  	v3 =	vand.u32 $0x7, v3;
	v4 =	vand.u32 $0xFFFFFFC0, v37  }
0xa4: {  	v3 =	vor.u32 v3, v4  }
0xa5: {  	v4 =	vperm.xlane v3, v0;
	_ =	sdelay $0x1  }
0xa6: {  	v4 =	vadd.s32 v1, v4;
	_ =	sdelay $0x3  }
0xa7: {  	s19 =	simm.s32 $0x14200  }
0xa8: {  	[tilespmem:s19], [sflag:$0x6] =	stream.indirect_vreg.gather [hbm4b:s2+s3], $0x80, v4, vm0, $0xb8;
	[tilespmem:$0x18200] =	vst v63  }
0xa9: {  	s4 =	simm.s32 $0x14A00;
	v3 =	vperm.xlane v3, v2  }
0xaa: {  	[tilespmem:s4], [sflag:$0x6] =	stream.indirect_vreg.gather [hbm4b:s5+s3], $0x80, v4, vm0, $0xb8;
	[tilespmem:$0x18200] =	vst v63  }
0xab: {  	s18 =	simm.s32 $0x15200;
	v3 =	vadd.s32 v1, v3  }
0xac: {  	[tilespmem:s18], [sflag:$0x6] =	stream.indirect_vreg.gather [hbm4b:s6+s3], $0x80, v4, vm0, $0xb8;
	[tilespmem:$0x18200] =	vst v63  }
0xad: {  	s4 =	simm.s32 $0x15A00  }
0xae: {  	[tilespmem:s4], [sflag:$0x6] =	stream.indirect_vreg.gather [hbm4b:s7+s3], $0x80, v4, vm0, $0xb8;
	[tilespmem:$0x18200] =	vst v63  }
0xaf: {  	s18 =	simm.s32 $0x16200  }
0xb0: {  	[tilespmem:s18], [sflag:$0x6] =	stream.indirect_vreg.gather [hbm4b:s2+s3], $0x80, v3, vm0, $0xb8;
	[tilespmem:$0x18200] =	vst v63  }
0xb1: {  	s4 =	simm.s32 $0x16A00  }
0xb2: {  	[tilespmem:s4], [sflag:$0x6] =	stream.indirect_vreg.gather [hbm4b:s5+s3], $0x80, v3, vm0, $0xb8;
	[tilespmem:$0x18200] =	vst v63  }
0xb3: {  	s18 =	simm.s32 $0x17200  }
0xb4: {  	[tilespmem:s18], [sflag:$0x6] =	stream.indirect_vreg.gather [hbm4b:s6+s3], $0x80, v3, vm0, $0xb8;
	[tilespmem:$0x18200] =	vst v63  }
0xb5: {  	s4 =	simm.s32 $0x17A00  }
0xb6: {  	[tilespmem:s4], [sflag:$0x6] =	stream.indirect_vreg.gather [hbm4b:s7+s3], $0x80, v3, vm0, $0xb8;
	[tilespmem:$0x18200] =	vst v63  }
0xb7: {  	_ =	swait.ge [sflag:s1], $0x4000  }
0xb8: {  	s18 =	sld [smem:$0x7FB]  }
0xb9: {  	[sflag:s1] =	ssyncset.done $0x0  }
0xba: {  	[sflag:s1] =	ssyncadd.s32 $0xFFFFC000  }
0xbb: {  	[hbm4b:s18+s3] =	stream.linear.scatter [tilespmem:s8], [sflag:$0x7], $0x4000, $0x38;
	[tilespmem:$0x18200] =	vst v63  }
0xbc: {  	_ =	swait.ge [sflag:s10], $0x4000  }
0xbd: {  	[sflag:s10] =	ssyncset.done $0x0  }
0xbe: {  	[sflag:s10] =	ssyncadd.s32 $0xFFFFC000  }
0xbf: {  	v3 =	vld [tilespmem:$0x60];
	_ =	sdelay $0x4  }
0xc0: {  	v38 =	vshll.u32 v3, $0x3  }
0xc1: {  	v3 =	vand.u32 $0x7, v3;
	v4 =	vand.u32 $0xFFFFFFC0, v38  }
0xc2: {  	v3 =	vor.u32 v3, v4  }
0xc3: {  	v4 =	vperm.xlane v3, v0;
	_ =	sdelay $0x1  }
0xc4: {  	v4 =	vadd.s32 v1, v4;
	_ =	sdelay $0x4  }
0xc5: {  	[tilespmem:s8], [sflag:$0x1] =	stream.indirect_vreg.gather [hbm4b:s2+s3], $0x80, v4, vm0, $0xb8;
	[tilespmem:$0x18200] =	vst v63  }
0xc6: {  	s25 =	simm.s32 $0xA00;
	v3 =	vperm.xlane v3, v2  }
0xc7: {  	[tilespmem:s25], [sflag:$0x1] =	stream.indirect_vreg.gather [hbm4b:s5+s3], $0x80, v4, vm0, $0xb8;
	[tilespmem:$0x18200] =	vst v63  }
0xc8: {  	s26 =	simm.s32 $0x1200;
	v3 =	vadd.s32 v1, v3  }
0xc9: {  	[tilespmem:s26], [sflag:$0x1] =	stream.indirect_vreg.gather [hbm4b:s6+s3], $0x80, v4, vm0, $0xb8;
	[tilespmem:$0x18200] =	vst v63  }
0xca: {  	s25 =	simm.s32 $0x1A00  }
0xcb: {  	[tilespmem:s25], [sflag:$0x1] =	stream.indirect_vreg.gather [hbm4b:s7+s3], $0x80, v4, vm0, $0xb8;
	[tilespmem:$0x18200] =	vst v63  }
0xcc: {  	s0 =	simm.s32 $0x2200  }
0xcd: {  	[tilespmem:s0], [sflag:$0x1] =	stream.indirect_vreg.gather [hbm4b:s2+s3], $0x80, v3, vm0, $0xb8;
	[tilespmem:$0x18200] =	vst v63  }
0xce: {  	s22 =	simm.s32 $0x2A00  }
0xcf: {  	[tilespmem:s22], [sflag:$0x1] =	stream.indirect_vreg.gather [hbm4b:s5+s3], $0x80, v3, vm0, $0xb8;
	[tilespmem:$0x18200] =	vst v63  }
0xd0: {  	s23 =	simm.s32 $0x3200  }
0xd1: {  	[tilespmem:s23], [sflag:$0x1] =	stream.indirect_vreg.gather [hbm4b:s6+s3], $0x80, v3, vm0, $0xb8;
	[tilespmem:$0x18200] =	vst v63  }
0xd2: {  	s24 =	simm.s32 $0x3A00  }
0xd3: {  	[tilespmem:s24], [sflag:$0x1] =	stream.indirect_vreg.gather [hbm4b:s7+s3], $0x80, v3, vm0, $0xb8;
	[tilespmem:$0x18200] =	vst v63  }
0xd4: {  	_ =	swait.ge [sflag:s29], $0x4000  }
0xd5: {  	[sflag:s29] =	ssyncset.done $0x0  }
0xd6: {  	s0 =	simm.s32 $0x4200;
	s26 =	rddreg [dreg:$0x5];
	[sflag:s29] =	ssyncadd.s32 $0xFFFFC000  }
0xd7: {  	[hbm4b:s26+s3] =	stream.linear.scatter [tilespmem:s0], [sflag:$0x8], $0x4000, $0x38;
	[tilespmem:$0x18200] =	vst v63  }
0xd8: {  	_ =	swait.ge [sflag:s31], $0x4000  }
0xd9: {  	[sflag:s31] =	ssyncset.done $0x0  }
0xda: {  	[sflag:s31] =	ssyncadd.s32 $0xFFFFC000  }
0xdb: {  	v3 =	vld [tilespmem:$0x70];
	_ =	sdelay $0x4  }
0xdc: {  	v39 =	vshll.u32 v3, $0x3  }
0xdd: {  	v3 =	vand.u32 $0x7, v3;
	v4 =	vand.u32 $0xFFFFFFC0, v39  }
0xde: {  	v3 =	vor.u32 v3, v4  }
0xdf: {  	v4 =	vperm.xlane v3, v0;
	_ =	sdelay $0x1  }
0xe0: {  	v4 =	vadd.s32 v1, v4;
	_ =	sdelay $0x4  }
0xe1: {  	[tilespmem:s0], [sflag:$0x2] =	stream.indirect_vreg.gather [hbm4b:s2+s3], $0x80, v4, vm0, $0xb8;
	[tilespmem:$0x18200] =	vst v63  }
0xe2: {  	s18 =	simm.s32 $0x4A00;
	v3 =	vperm.xlane v3, v2  }
0xe3: {  	[tilespmem:s18], [sflag:$0x2] =	stream.indirect_vreg.gather [hbm4b:s5+s3], $0x80, v4, vm0, $0xb8;
	[tilespmem:$0x18200] =	vst v63  }
0xe4: {  	s19 =	simm.s32 $0x5200;
	v3 =	vadd.s32 v1, v3  }
0xe5: {  	[tilespmem:s19], [sflag:$0x2] =	stream.indirect_vreg.gather [hbm4b:s6+s3], $0x80, v4, vm0, $0xb8;
	[tilespmem:$0x18200] =	vst v63  }
0xe6: {  	s22 =	simm.s32 $0x5A00  }
0xe7: {  	[tilespmem:s22], [sflag:$0x2] =	stream.indirect_vreg.gather [hbm4b:s7+s3], $0x80, v4, vm0, $0xb8;
	[tilespmem:$0x18200] =	vst v63  }
0xe8: {  	s23 =	simm.s32 $0x6200  }
0xe9: {  	[tilespmem:s23], [sflag:$0x2] =	stream.indirect_vreg.gather [hbm4b:s2+s3], $0x80, v3, vm0, $0xb8;
	[tilespmem:$0x18200] =	vst v63  }
0xea: {  	s24 =	simm.s32 $0x6A00  }
0xeb: {  	[tilespmem:s24], [sflag:$0x2] =	stream.indirect_vreg.gather [hbm4b:s5+s3], $0x80, v3, vm0, $0xb8;
	[tilespmem:$0x18200] =	vst v63  }
0xec: {  	s25 =	simm.s32 $0x7200  }
0xed: {  	[tilespmem:s25], [sflag:$0x2] =	stream.indirect_vreg.gather [hbm4b:s6+s3], $0x80, v3, vm0, $0xb8;
	[tilespmem:$0x18200] =	vst v63  }
0xee: {  	s26 =	simm.s32 $0x7A00  }
0xef: {  	[tilespmem:s26], [sflag:$0x2] =	stream.indirect_vreg.gather [hbm4b:s7+s3], $0x80, v3, vm0, $0xb8;
	[tilespmem:$0x18200] =	vst v63  }
0xf0: {  	_ =	swait.ge [sflag:s21], $0x4000  }
0xf1: {  	[sflag:s21] =	ssyncset.done $0x0  }
0xf2: {  	s18 =	simm.s32 $0x8200;
	s4 =	rddreg [dreg:$0x6];
	[sflag:s21] =	ssyncadd.s32 $0xFFFFC000  }
0xf3: {  	[hbm4b:s4+s3] =	stream.linear.scatter [tilespmem:s18], [sflag:$0x9], $0x4000, $0x38;
	[tilespmem:$0x18200] =	vst v63  }
0xf4: {  	_ =	swait.ge [sflag:s11], $0x4000  }
0xf5: {  	[sflag:s11] =	ssyncset.done $0x0  }
0xf6: {  	[sflag:s11] =	ssyncadd.s32 $0xFFFFC000  }
0xf7: {  	v3 =	vld [tilespmem:$0x80];
	_ =	sdelay $0x4  }
0xf8: {  	v40 =	vshll.u32 v3, $0x3  }
0xf9: {  	v3 =	vand.u32 $0x7, v3;
	v4 =	vand.u32 $0xFFFFFFC0, v40  }
0xfa: {  	v3 =	vor.u32 v3, v4  }
0xfb: {  	v4 =	vperm.xlane v3, v0;
	_ =	sdelay $0x1  }
0xfc: {  	v4 =	vadd.s32 v1, v4;
	_ =	sdelay $0x4  }
0xfd: {  	[tilespmem:s18], [sflag:$0x3] =	stream.indirect_vreg.gather [hbm4b:s2+s3], $0x80, v4, vm0, $0xb8;
	[tilespmem:$0x18200] =	vst v63  }
0xfe: {  	s9 =	simm.s32 $0x8A00;
	v3 =	vperm.xlane v3, v2  }
0xff: {  	[tilespmem:s9], [sflag:$0x3] =	stream.indirect_vreg.gather [hbm4b:s5+s3], $0x80, v4, vm0, $0xb8;
	[tilespmem:$0x18200] =	vst v63  }
0x100: {  	s20 =	simm.s32 $0x9200;
	v3 =	vadd.s32 v1, v3  }
0x101: {  	[tilespmem:s20], [sflag:$0x3] =	stream.indirect_vreg.gather [hbm4b:s6+s3], $0x80, v4, vm0, $0xb8;
	[tilespmem:$0x18200] =	vst v63  }
0x102: {  	s28 =	simm.s32 $0x9A00  }
0x103: {  	[tilespmem:s28], [sflag:$0x3] =	stream.indirect_vreg.gather [hbm4b:s7+s3], $0x80, v4, vm0, $0xb8;
	[tilespmem:$0x18200] =	vst v63  }
0x104: {  	s30 =	simm.s32 $0xA200  }
0x105: {  	[tilespmem:s30], [sflag:$0x3] =	stream.indirect_vreg.gather [hbm4b:s2+s3], $0x80, v3, vm0, $0xb8;
	[tilespmem:$0x18200] =	vst v63  }
0x106: {  	s9 =	simm.s32 $0xAA00  }
0x107: {  	[tilespmem:s9], [sflag:$0x3] =	stream.indirect_vreg.gather [hbm4b:s5+s3], $0x80, v3, vm0, $0xb8;
	[tilespmem:$0x18200] =	vst v63  }
0x108: {  	s18 =	simm.s32 $0xB200  }
0x109: {  	[tilespmem:s18], [sflag:$0x3] =	stream.indirect_vreg.gather [hbm4b:s6+s3], $0x80, v3, vm0, $0xb8;
	[tilespmem:$0x18200] =	vst v63  }
0x10a: {  	s22 =	simm.s32 $0xBA00  }
0x10b: {  	[tilespmem:s22], [sflag:$0x3] =	stream.indirect_vreg.gather [hbm4b:s7+s3], $0x80, v3, vm0, $0xb8;
	[tilespmem:$0x18200] =	vst v63  }
0x10c: {  	_ =	swait.ge [sflag:s12], $0x4000  }
0x10d: {  	[sflag:s12] =	ssyncset.done $0x0  }
0x10e: {  	s24 =	simm.s32 $0xC200;
	s23 =	rddreg [dreg:$0x7];
	[sflag:s12] =	ssyncadd.s32 $0xFFFFC000  }
0x10f: {  	[hbm4b:s23+s3] =	stream.linear.scatter [tilespmem:s24], [sflag:$0xA], $0x4000, $0x38;
	[tilespmem:$0x18200] =	vst v63  }
0x110: {  	_ =	swait.ge [sflag:s13], $0x4000  }
0x111: {  	[sflag:s13] =	ssyncset.done $0x0  }
0x112: {  	[sflag:s13] =	ssyncadd.s32 $0xFFFFC000  }
0x113: {  	v3 =	vld [tilespmem:$0x90];
	_ =	sdelay $0x4  }
0x114: {  	v41 =	vshll.u32 v3, $0x3  }
0x115: {  	v3 =	vand.u32 $0x7, v3;
	v4 =	vand.u32 $0xFFFFFFC0, v41  }
0x116: {  	v3 =	vor.u32 v3, v4  }
0x117: {  	v4 =	vperm.xlane v3, v0;
	_ =	sdelay $0x1  }
0x118: {  	v4 =	vadd.s32 v1, v4;
	_ =	sdelay $0x4  }
0x119: {  	[tilespmem:s24], [sflag:$0x4] =	stream.indirect_vreg.gather [hbm4b:s2+s3], $0x80, v4, vm0, $0xb8;
	[tilespmem:$0x18200] =	vst v63  }
0x11a: {  	s25 =	simm.s32 $0xCA00;
	v3 =	vperm.xlane v3, v2  }
0x11b: {  	[tilespmem:s25], [sflag:$0x4] =	stream.indirect_vreg.gather [hbm4b:s5+s3], $0x80, v4, vm0, $0xb8;
	[tilespmem:$0x18200] =	vst v63  }
0x11c: {  	s28 =	simm.s32 $0xD200;
	v3 =	vadd.s32 v1, v3  }
0x11d: {  	[tilespmem:s28], [sflag:$0x4] =	stream.indirect_vreg.gather [hbm4b:s6+s3], $0x80, v4, vm0, $0xb8;
	[tilespmem:$0x18200] =	vst v63  }
0x11e: {  	s30 =	simm.s32 $0xDA00  }
0x11f: {  	[tilespmem:s30], [sflag:$0x4] =	stream.indirect_vreg.gather [hbm4b:s7+s3], $0x80, v4, vm0, $0xb8;
	[tilespmem:$0x18200] =	vst v63  }
0x120: {  	s26 =	simm.s32 $0xE200  }
0x121: {  	[tilespmem:s26], [sflag:$0x4] =	stream.indirect_vreg.gather [hbm4b:s2+s3], $0x80, v3, vm0, $0xb8;
	[tilespmem:$0x18200] =	vst v63  }
0x122: {  	s4 =	simm.s32 $0xEA00  }
0x123: {  	[tilespmem:s4], [sflag:$0x4] =	stream.indirect_vreg.gather [hbm4b:s5+s3], $0x80, v3, vm0, $0xb8;
	[tilespmem:$0x18200] =	vst v63  }
0x124: {  	s20 =	simm.s32 $0xF200  }
0x125: {  	[tilespmem:s20], [sflag:$0x4] =	stream.indirect_vreg.gather [hbm4b:s6+s3], $0x80, v3, vm0, $0xb8;
	[tilespmem:$0x18200] =	vst v63  }
0x126: {  	s19 =	simm.s32 $0xFA00  }
0x127: {  	[tilespmem:s19], [sflag:$0x4] =	stream.indirect_vreg.gather [hbm4b:s7+s3], $0x80, v3, vm0, $0xb8;
	[tilespmem:$0x18200] =	vst v63  }
0x128: {  	_ =	swait.ge [sflag:s14], $0x4000  }
0x129: {  	[sflag:s14] =	ssyncset.done $0x0  }
0x12a: {  	s23 =	simm.s32 $0x10200;
	s22 =	rddreg [dreg:$0x8];
	[sflag:s14] =	ssyncadd.s32 $0xFFFFC000  }
0x12b: {  	[hbm4b:s22+s3] =	stream.linear.scatter [tilespmem:s23], [sflag:$0xB], $0x4000, $0x38;
	[tilespmem:$0x18200] =	vst v63  }
0x12c: {  	_ =	swait.ge [sflag:s15], $0x4000  }
0x12d: {  	[sflag:s15] =	ssyncset.done $0x0  }
0x12e: {  	[sflag:s15] =	ssyncadd.s32 $0xFFFFC000  }
0x12f: {  	v3 =	vld [tilespmem:$0xA0];
	_ =	sdelay $0x4  }
0x130: {  	v42 =	vshll.u32 v3, $0x3  }
0x131: {  	v3 =	vand.u32 $0x7, v3;
	v4 =	vand.u32 $0xFFFFFFC0, v42  }
0x132: {  	v3 =	vor.u32 v3, v4  }
0x133: {  	v4 =	vperm.xlane v3, v0;
	_ =	sdelay $0x1  }
0x134: {  	v4 =	vadd.s32 v1, v4;
	_ =	sdelay $0x4  }
0x135: {  	[tilespmem:s23], [sflag:$0x5] =	stream.indirect_vreg.gather [hbm4b:s2+s3], $0x80, v4, vm0, $0xb8;
	[tilespmem:$0x18200] =	vst v63  }
0x136: {  	s25 =	simm.s32 $0x10A00;
	v3 =	vperm.xlane v3, v2  }
0x137: {  	[tilespmem:s25], [sflag:$0x5] =	stream.indirect_vreg.gather [hbm4b:s5+s3], $0x80, v4, vm0, $0xb8;
	[tilespmem:$0x18200] =	vst v63  }
0x138: {  	s24 =	simm.s32 $0x11200;
	v3 =	vadd.s32 v1, v3  }
0x139: {  	[tilespmem:s24], [sflag:$0x5] =	stream.indirect_vreg.gather [hbm4b:s6+s3], $0x80, v4, vm0, $0xb8;
	[tilespmem:$0x18200] =	vst v63  }
0x13a: {  	s26 =	simm.s32 $0x11A00  }
0x13b: {  	[tilespmem:s26], [sflag:$0x5] =	stream.indirect_vreg.gather [hbm4b:s7+s3], $0x80, v4, vm0, $0xb8;
	[tilespmem:$0x18200] =	vst v63  }
0x13c: {  	s22 =	simm.s32 $0x12200  }
0x13d: {  	[tilespmem:s22], [sflag:$0x5] =	stream.indirect_vreg.gather [hbm4b:s2+s3], $0x80, v3, vm0, $0xb8;
	[tilespmem:$0x18200] =	vst v63  }
0x13e: {  	s23 =	simm.s32 $0x12A00  }
0x13f: {  	[tilespmem:s23], [sflag:$0x5] =	stream.indirect_vreg.gather [hbm4b:s5+s3], $0x80, v3, vm0, $0xb8;
	[tilespmem:$0x18200] =	vst v63  }
0x140: {  	s24 =	simm.s32 $0x13200  }
0x141: {  	[tilespmem:s24], [sflag:$0x5] =	stream.indirect_vreg.gather [hbm4b:s6+s3], $0x80, v3, vm0, $0xb8;
	[tilespmem:$0x18200] =	vst v63  }
0x142: {  	s26 =	simm.s32 $0x13A00  }
0x143: {  	[tilespmem:s26], [sflag:$0x5] =	stream.indirect_vreg.gather [hbm4b:s7+s3], $0x80, v3, vm0, $0xb8;
	[tilespmem:$0x18200] =	vst v63  }
0x144: {  	_ =	swait.ge [sflag:s16], $0x4000  }
0x145: {  	[sflag:s16] =	ssyncset.done $0x0  }
0x146: {  	s4 =	simm.s32 $0x14200;
	s0 =	rddreg [dreg:$0x9];
	[sflag:s16] =	ssyncadd.s32 $0xFFFFC000  }
0x147: {  	[hbm4b:s0+s3] =	stream.linear.scatter [tilespmem:s4], [sflag:$0xC], $0x4000, $0x38;
	[tilespmem:$0x18200] =	vst v63  }
0x148: {  	_ =	swait.ge [sflag:s17], $0x4000  }
0x149: {  	[sflag:s17] =	ssyncset.done $0x0  }
0x14a: {  	[sflag:s17] =	ssyncadd.s32 $0xFFFFC000  }
0x14b: {  	v3 =	vld [tilespmem:$0xB0];
	_ =	sdelay $0x4  }
0x14c: {  	v43 =	vshll.u32 v3, $0x3  }
0x14d: {  	v3 =	vand.u32 $0x7, v3;
	v4 =	vand.u32 $0xFFFFFFC0, v43  }
0x14e: {  	v3 =	vor.u32 v3, v4  }
0x14f: {  	v4 =	vperm.xlane v3, v0;
	_ =	sdelay $0x1  }
0x150: {  	v4 =	vadd.s32 v1, v4;
	_ =	sdelay $0x4  }
0x151: {  	[tilespmem:s4], [sflag:$0x6] =	stream.indirect_vreg.gather [hbm4b:s2+s3], $0x80, v4, vm0, $0xb8;
	[tilespmem:$0x18200] =	vst v63  }
0x152: {  	s19 =	simm.s32 $0x14A00;
	v3 =	vperm.xlane v3, v2  }
0x153: {  	[tilespmem:s19], [sflag:$0x6] =	stream.indirect_vreg.gather [hbm4b:s5+s3], $0x80, v4, vm0, $0xb8;
	[tilespmem:$0x18200] =	vst v63  }
0x154: {  	v3 =	vadd.s32 v1, v3;
	s4 =	simm.s32 $0x15200  }
0x155: {  	[tilespmem:s4], [sflag:$0x6] =	stream.indirect_vreg.gather [hbm4b:s6+s3], $0x80, v4, vm0, $0xb8;
	[tilespmem:$0x18200] =	vst v63  }
0x156: {  	s19 =	simm.s32 $0x15A00  }
0x157: {  	[tilespmem:s19], [sflag:$0x6] =	stream.indirect_vreg.gather [hbm4b:s7+s3], $0x80, v4, vm0, $0xb8;
	[tilespmem:$0x18200] =	vst v63  }
0x158: {  	s4 =	simm.s32 $0x16200  }
0x159: {  	[tilespmem:s4], [sflag:$0x6] =	stream.indirect_vreg.gather [hbm4b:s2+s3], $0x80, v3, vm0, $0xb8;
	[tilespmem:$0x18200] =	vst v63  }
0x15a: {  	s19 =	simm.s32 $0x16A00  }
0x15b: {  	[tilespmem:s19], [sflag:$0x6] =	stream.indirect_vreg.gather [hbm4b:s5+s3], $0x80, v3, vm0, $0xb8;
	[tilespmem:$0x18200] =	vst v63  }
0x15c: {  	s4 =	simm.s32 $0x17200  }
0x15d: {  	[tilespmem:s4], [sflag:$0x6] =	stream.indirect_vreg.gather [hbm4b:s6+s3], $0x80, v3, vm0, $0xb8;
	[tilespmem:$0x18200] =	vst v63  }
0x15e: {  	s19 =	simm.s32 $0x17A00  }
0x15f: {  	[tilespmem:s19], [sflag:$0x6] =	stream.indirect_vreg.gather [hbm4b:s7+s3], $0x80, v3, vm0, $0xb8;
	[tilespmem:$0x18200] =	vst v63  }
0x160: {  	_ =	swait.ge [sflag:s1], $0x4000  }
0x161: {  	[sflag:s1] =	ssyncset.done $0x0  }
0x162: {  	s4 =	rddreg [dreg:$0xa];
	[sflag:s1] =	ssyncadd.s32 $0xFFFFC000  }
0x163: {  	[hbm4b:s4+s3] =	stream.linear.scatter [tilespmem:s8], [sflag:$0x7], $0x4000, $0x38;
	[tilespmem:$0x18200] =	vst v63  }
0x164: {  	_ =	swait.ge [sflag:s10], $0x4000  }
0x165: {  	[sflag:s10] =	ssyncset.done $0x0  }
0x166: {  	[sflag:s10] =	ssyncadd.s32 $0xFFFFC000  }
0x167: {  	v3 =	vld [tilespmem:$0xC0];
	_ =	sdelay $0x4  }
0x168: {  	v44 =	vshll.u32 v3, $0x3  }
0x169: {  	v3 =	vand.u32 $0x7, v3;
	v4 =	vand.u32 $0xFFFFFFC0, v44  }
0x16a: {  	v3 =	vor.u32 v3, v4  }
0x16b: {  	v4 =	vperm.xlane v3, v0;
	_ =	sdelay $0x1  }
0x16c: {  	v4 =	vadd.s32 v1, v4;
	_ =	sdelay $0x4  }
0x16d: {  	[tilespmem:s8], [sflag:$0x1] =	stream.indirect_vreg.gather [hbm4b:s2+s3], $0x80, v4, vm0, $0xb8;
	[tilespmem:$0x18200] =	vst v63  }
0x16e: {  	s19 =	simm.s32 $0xA00;
	v3 =	vperm.xlane v3, v2  }
0x16f: {  	[tilespmem:s19], [sflag:$0x1] =	stream.indirect_vreg.gather [hbm4b:s5+s3], $0x80, v4, vm0, $0xb8;
	[tilespmem:$0x18200] =	vst v63  }
0x170: {  	s4 =	simm.s32 $0x1200;
	v3 =	vadd.s32 v1, v3  }
0x171: {  	[tilespmem:s4], [sflag:$0x1] =	stream.indirect_vreg.gather [hbm4b:s6+s3], $0x80, v4, vm0, $0xb8;
	[tilespmem:$0x18200] =	vst v63  }
0x172: {  	s19 =	simm.s32 $0x1A00  }
0x173: {  	[tilespmem:s19], [sflag:$0x1] =	stream.indirect_vreg.gather [hbm4b:s7+s3], $0x80, v4, vm0, $0xb8;
	[tilespmem:$0x18200] =	vst v63  }
0x174: {  	s4 =	simm.s32 $0x2200  }
0x175: {  	[tilespmem:s4], [sflag:$0x1] =	stream.indirect_vreg.gather [hbm4b:s2+s3], $0x80, v3, vm0, $0xb8;
	[tilespmem:$0x18200] =	vst v63  }
0x176: {  	s19 =	simm.s32 $0x2A00  }
0x177: {  	[tilespmem:s19], [sflag:$0x1] =	stream.indirect_vreg.gather [hbm4b:s5+s3], $0x80, v3, vm0, $0xb8;
	[tilespmem:$0x18200] =	vst v63  }
0x178: {  	s4 =	simm.s32 $0x3200  }
0x179: {  	[tilespmem:s4], [sflag:$0x1] =	stream.indirect_vreg.gather [hbm4b:s6+s3], $0x80, v3, vm0, $0xb8;
	[tilespmem:$0x18200] =	vst v63  }
0x17a: {  	s19 =	simm.s32 $0x3A00  }
0x17b: {  	[tilespmem:s19], [sflag:$0x1] =	stream.indirect_vreg.gather [hbm4b:s7+s3], $0x80, v3, vm0, $0xb8;
	[tilespmem:$0x18200] =	vst v63  }
0x17c: {  	_ =	swait.ge [sflag:s29], $0x4000  }
0x17d: {  	[sflag:s29] =	ssyncset.done $0x0  }
0x17e: {  	s4 =	simm.s32 $0x4200;
	s0 =	rddreg [dreg:$0xb];
	[sflag:s29] =	ssyncadd.s32 $0xFFFFC000  }
0x17f: {  	[hbm4b:s0+s3] =	stream.linear.scatter [tilespmem:s4], [sflag:$0x8], $0x4000, $0x38;
	[tilespmem:$0x18200] =	vst v63  }
0x180: {  	_ =	swait.ge [sflag:s31], $0x4000  }
0x181: {  	[sflag:s31] =	ssyncset.done $0x0  }
0x182: {  	[sflag:s31] =	ssyncadd.s32 $0xFFFFC000  }
0x183: {  	v3 =	vld [tilespmem:$0xD0];
	_ =	sdelay $0x4  }
0x184: {  	v45 =	vshll.u32 v3, $0x3  }
0x185: {  	v3 =	vand.u32 $0x7, v3;
	v4 =	vand.u32 $0xFFFFFFC0, v45  }
0x186: {  	v3 =	vor.u32 v3, v4  }
0x187: {  	v4 =	vperm.xlane v3, v0;
	_ =	sdelay $0x1  }
0x188: {  	v4 =	vadd.s32 v1, v4;
	_ =	sdelay $0x4  }
0x189: {  	[tilespmem:s4], [sflag:$0x2] =	stream.indirect_vreg.gather [hbm4b:s2+s3], $0x80, v4, vm0, $0xb8;
	[tilespmem:$0x18200] =	vst v63  }
0x18a: {  	s19 =	simm.s32 $0x4A00;
	v3 =	vperm.xlane v3, v2  }
0x18b: {  	[tilespmem:s19], [sflag:$0x2] =	stream.indirect_vreg.gather [hbm4b:s5+s3], $0x80, v4, vm0, $0xb8;
	[tilespmem:$0x18200] =	vst v63  }
0x18c: {  	v3 =	vadd.s32 v1, v3;
	s4 =	simm.s32 $0x5200  }
0x18d: {  	[tilespmem:s4], [sflag:$0x2] =	stream.indirect_vreg.gather [hbm4b:s6+s3], $0x80, v4, vm0, $0xb8;
	[tilespmem:$0x18200] =	vst v63  }
0x18e: {  	s19 =	simm.s32 $0x5A00  }
0x18f: {  	[tilespmem:s19], [sflag:$0x2] =	stream.indirect_vreg.gather [hbm4b:s7+s3], $0x80, v4, vm0, $0xb8;
	[tilespmem:$0x18200] =	vst v63  }
0x190: {  	s4 =	simm.s32 $0x6200  }
0x191: {  	[tilespmem:s4], [sflag:$0x2] =	stream.indirect_vreg.gather [hbm4b:s2+s3], $0x80, v3, vm0, $0xb8;
	[tilespmem:$0x18200] =	vst v63  }
0x192: {  	s19 =	simm.s32 $0x6A00  }
0x193: {  	[tilespmem:s19], [sflag:$0x2] =	stream.indirect_vreg.gather [hbm4b:s5+s3], $0x80, v3, vm0, $0xb8;
	[tilespmem:$0x18200] =	vst v63  }
0x194: {  	s4 =	simm.s32 $0x7200  }
0x195: {  	[tilespmem:s4], [sflag:$0x2] =	stream.indirect_vreg.gather [hbm4b:s6+s3], $0x80, v3, vm0, $0xb8;
	[tilespmem:$0x18200] =	vst v63  }
0x196: {  	s19 =	simm.s32 $0x7A00  }
0x197: {  	[tilespmem:s19], [sflag:$0x2] =	stream.indirect_vreg.gather [hbm4b:s7+s3], $0x80, v3, vm0, $0xb8;
	[tilespmem:$0x18200] =	vst v63  }
0x198: {  	_ =	swait.ge [sflag:s21], $0x4000  }
0x199: {  	[sflag:s21] =	ssyncset.done $0x0  }
0x19a: {  	s4 =	simm.s32 $0x8200;
	s0 =	rddreg [dreg:$0xc];
	[sflag:s21] =	ssyncadd.s32 $0xFFFFC000  }
0x19b: {  	[hbm4b:s0+s3] =	stream.linear.scatter [tilespmem:s4], [sflag:$0x9], $0x4000, $0x38;
	[tilespmem:$0x18200] =	vst v63  }
0x19c: {  	_ =	swait.ge [sflag:s11], $0x4000  }
0x19d: {  	[sflag:s11] =	ssyncset.done $0x0  }
0x19e: {  	[sflag:s11] =	ssyncadd.s32 $0xFFFFC000  }
0x19f: {  	v3 =	vld [tilespmem:$0xE0];
	_ =	sdelay $0x4  }
0x1a0: {  	v46 =	vshll.u32 v3, $0x3  }
0x1a1: {  	v3 =	vand.u32 $0x7, v3;
	v4 =	vand.u32 $0xFFFFFFC0, v46  }
0x1a2: {  	v3 =	vor.u32 v3, v4  }
0x1a3: {  	v4 =	vperm.xlane v3, v0;
	_ =	sdelay $0x1  }
0x1a4: {  	v4 =	vadd.s32 v1, v4;
	_ =	sdelay $0x4  }
0x1a5: {  	[tilespmem:s4], [sflag:$0x3] =	stream.indirect_vreg.gather [hbm4b:s2+s3], $0x80, v4, vm0, $0xb8;
	[tilespmem:$0x18200] =	vst v63  }
0x1a6: {  	s19 =	simm.s32 $0x8A00;
	v3 =	vperm.xlane v3, v2  }
0x1a7: {  	[tilespmem:s19], [sflag:$0x3] =	stream.indirect_vreg.gather [hbm4b:s5+s3], $0x80, v4, vm0, $0xb8;
	[tilespmem:$0x18200] =	vst v63  }
0x1a8: {  	v3 =	vadd.s32 v1, v3;
	s19 =	simm.s32 $0x9200  }
0x1a9: {  	[tilespmem:s19], [sflag:$0x3] =	stream.indirect_vreg.gather [hbm4b:s6+s3], $0x80, v4, vm0, $0xb8;
	[tilespmem:$0x18200] =	vst v63  }
0x1aa: {  	s19 =	simm.s32 $0x9A00  }
0x1ab: {  	[tilespmem:s19], [sflag:$0x3] =	stream.indirect_vreg.gather [hbm4b:s7+s3], $0x80, v4, vm0, $0xb8;
	[tilespmem:$0x18200] =	vst v63  }
0x1ac: {  	s19 =	simm.s32 $0xA200  }
0x1ad: {  	[tilespmem:s19], [sflag:$0x3] =	stream.indirect_vreg.gather [hbm4b:s2+s3], $0x80, v3, vm0, $0xb8;
	[tilespmem:$0x18200] =	vst v63  }
0x1ae: {  	_ = 	snop  }
0x1af: {  	[tilespmem:s9], [sflag:$0x3] =	stream.indirect_vreg.gather [hbm4b:s5+s3], $0x80, v3, vm0, $0xb8;
	[tilespmem:$0x18200] =	vst v63  }
0x1b0: {  	_ = 	snop  }
0x1b1: {  	[tilespmem:s18], [sflag:$0x3] =	stream.indirect_vreg.gather [hbm4b:s6+s3], $0x80, v3, vm0, $0xb8;
	[tilespmem:$0x18200] =	vst v63  }
0x1b2: {  	s19 =	simm.s32 $0xBA00  }
0x1b3: {  	[tilespmem:s19], [sflag:$0x3] =	stream.indirect_vreg.gather [hbm4b:s7+s3], $0x80, v3, vm0, $0xb8;
	[tilespmem:$0x18200] =	vst v63  }
0x1b4: {  	_ =	swait.ge [sflag:s12], $0x4000  }
0x1b5: {  	[sflag:s12] =	ssyncset.done $0x0  }
0x1b6: {  	s18 =	simm.s32 $0xC200;
	s9 =	rddreg [dreg:$0xd];
	[sflag:s12] =	ssyncadd.s32 $0xFFFFC000  }
0x1b7: {  	[hbm4b:s9+s3] =	stream.linear.scatter [tilespmem:s18], [sflag:$0xA], $0x4000, $0x38;
	[tilespmem:$0x18200] =	vst v63  }
0x1b8: {  	_ =	swait.ge [sflag:s13], $0x4000  }
0x1b9: {  	[sflag:s13] =	ssyncset.done $0x0  }
0x1ba: {  	[sflag:s13] =	ssyncadd.s32 $0xFFFFC000  }
0x1bb: {  	v3 =	vld [tilespmem:$0xF0];
	_ =	sdelay $0x4  }
0x1bc: {  	v47 =	vshll.u32 v3, $0x3  }
0x1bd: {  	v3 =	vand.u32 $0x7, v3;
	v4 =	vand.u32 $0xFFFFFFC0, v47  }
0x1be: {  	v3 =	vor.u32 v3, v4  }
0x1bf: {  	v4 =	vperm.xlane v3, v0;
	_ =	sdelay $0x1  }
0x1c0: {  	v4 =	vadd.s32 v1, v4;
	_ =	sdelay $0x4  }
0x1c1: {  	[tilespmem:s18], [sflag:$0x4] =	stream.indirect_vreg.gather [hbm4b:s2+s3], $0x80, v4, vm0, $0xb8;
	[tilespmem:$0x18200] =	vst v63  }
0x1c2: {  	s9 =	simm.s32 $0xCA00;
	v3 =	vperm.xlane v3, v2  }
0x1c3: {  	[tilespmem:s9], [sflag:$0x4] =	stream.indirect_vreg.gather [hbm4b:s5+s3], $0x80, v4, vm0, $0xb8;
	[tilespmem:$0x18200] =	vst v63  }
0x1c4: {  	v3 =	vadd.s32 v1, v3  }
0x1c5: {  	[tilespmem:s28], [sflag:$0x4] =	stream.indirect_vreg.gather [hbm4b:s6+s3], $0x80, v4, vm0, $0xb8;
	[tilespmem:$0x18200] =	vst v63  }
0x1c6: {  	_ = 	snop  }
0x1c7: {  	[tilespmem:s30], [sflag:$0x4] =	stream.indirect_vreg.gather [hbm4b:s7+s3], $0x80, v4, vm0, $0xb8;
	[tilespmem:$0x18200] =	vst v63  }
0x1c8: {  	s19 =	simm.s32 $0xE200  }
0x1c9: {  	[tilespmem:s19], [sflag:$0x4] =	stream.indirect_vreg.gather [hbm4b:s2+s3], $0x80, v3, vm0, $0xb8;
	[tilespmem:$0x18200] =	vst v63  }
0x1ca: {  	s28 =	simm.s32 $0xEA00  }
0x1cb: {  	[tilespmem:s28], [sflag:$0x4] =	stream.indirect_vreg.gather [hbm4b:s5+s3], $0x80, v3, vm0, $0xb8;
	[tilespmem:$0x18200] =	vst v63  }
0x1cc: {  	_ = 	snop  }
0x1cd: {  	[tilespmem:s20], [sflag:$0x4] =	stream.indirect_vreg.gather [hbm4b:s6+s3], $0x80, v3, vm0, $0xb8;
	[tilespmem:$0x18200] =	vst v63  }
0x1ce: {  	s30 =	simm.s32 $0xFA00  }
0x1cf: {  	[tilespmem:s30], [sflag:$0x4] =	stream.indirect_vreg.gather [hbm4b:s7+s3], $0x80, v3, vm0, $0xb8;
	[tilespmem:$0x18200] =	vst v63  }
0x1d0: {  	_ =	swait.ge [sflag:s14], $0x4000  }
0x1d1: {  	[sflag:s14] =	ssyncset.done $0x0  }
0x1d2: {  	s9 =	simm.s32 $0x10200;
	s0 =	rddreg [dreg:$0xe];
	[sflag:s14] =	ssyncadd.s32 $0xFFFFC000  }
0x1d3: {  	[hbm4b:s0+s3] =	stream.linear.scatter [tilespmem:s9], [sflag:$0xB], $0x4000, $0x38;
	[tilespmem:$0x18200] =	vst v63  }
0x1d4: {  	_ =	swait.ge [sflag:s15], $0x4000  }
0x1d5: {  	[sflag:s15] =	ssyncset.done $0x0  }
0x1d6: {  	[sflag:s15] =	ssyncadd.s32 $0xFFFFC000  }
0x1d7: {  	v3 =	vld [tilespmem:$0x100];
	_ =	sdelay $0x4  }
0x1d8: {  	v48 =	vshll.u32 v3, $0x3  }
0x1d9: {  	v3 =	vand.u32 $0x7, v3;
	v4 =	vand.u32 $0xFFFFFFC0, v48  }
0x1da: {  	v3 =	vor.u32 v3, v4  }
0x1db: {  	v4 =	vperm.xlane v3, v0;
	_ =	sdelay $0x1  }
0x1dc: {  	v4 =	vadd.s32 v1, v4;
	_ =	sdelay $0x4  }
0x1dd: {  	[tilespmem:s9], [sflag:$0x5] =	stream.indirect_vreg.gather [hbm4b:s2+s3], $0x80, v4, vm0, $0xb8;
	[tilespmem:$0x18200] =	vst v63  }
0x1de: {  	v3 =	vperm.xlane v3, v2  }
0x1df: {  	[tilespmem:s25], [sflag:$0x5] =	stream.indirect_vreg.gather [hbm4b:s5+s3], $0x80, v4, vm0, $0xb8;
	[tilespmem:$0x18200] =	vst v63  }
0x1e0: {  	s19 =	simm.s32 $0x11200;
	v3 =	vadd.s32 v1, v3  }
0x1e1: {  	[tilespmem:s19], [sflag:$0x5] =	stream.indirect_vreg.gather [hbm4b:s6+s3], $0x80, v4, vm0, $0xb8;
	[tilespmem:$0x18200] =	vst v63  }
0x1e2: {  	s20 =	simm.s32 $0x11A00  }
0x1e3: {  	[tilespmem:s20], [sflag:$0x5] =	stream.indirect_vreg.gather [hbm4b:s7+s3], $0x80, v4, vm0, $0xb8;
	[tilespmem:$0x18200] =	vst v63  }
0x1e4: {  	_ = 	snop  }
0x1e5: {  	[tilespmem:s22], [sflag:$0x5] =	stream.indirect_vreg.gather [hbm4b:s2+s3], $0x80, v3, vm0, $0xb8;
	[tilespmem:$0x18200] =	vst v63  }
0x1e6: {  	_ = 	snop  }
0x1e7: {  	[tilespmem:s23], [sflag:$0x5] =	stream.indirect_vreg.gather [hbm4b:s5+s3], $0x80, v3, vm0, $0xb8;
	[tilespmem:$0x18200] =	vst v63  }
0x1e8: {  	_ = 	snop  }
0x1e9: {  	[tilespmem:s24], [sflag:$0x5] =	stream.indirect_vreg.gather [hbm4b:s6+s3], $0x80, v3, vm0, $0xb8;
	[tilespmem:$0x18200] =	vst v63  }
0x1ea: {  	_ = 	snop  }
0x1eb: {  	[tilespmem:s26], [sflag:$0x5] =	stream.indirect_vreg.gather [hbm4b:s7+s3], $0x80, v3, vm0, $0xb8;
	[tilespmem:$0x18200] =	vst v63  }
0x1ec: {  	_ =	swait.ge [sflag:s16], $0x4000  }
0x1ed: {  	[sflag:s16] =	ssyncset.done $0x0  }
0x1ee: {  	s23 =	simm.s32 $0x14200;
	s22 =	rddreg [dreg:$0xf];
	[sflag:s16] =	ssyncadd.s32 $0xFFFFC000  }
0x1ef: {  	[hbm4b:s22+s3] =	stream.linear.scatter [tilespmem:s23], [sflag:$0xC], $0x4000, $0x38;
	[tilespmem:$0x18200] =	vst v63  }
0x1f0: {  	_ =	swait.ge [sflag:s17], $0x4000  }
0x1f1: {  	[sflag:s17] =	ssyncset.done $0x0  }
0x1f2: {  	[sflag:s17] =	ssyncadd.s32 $0xFFFFC000  }
0x1f3: {  	v3 =	vld [tilespmem:$0x110];
	_ =	sdelay $0x4  }
0x1f4: {  	v49 =	vshll.u32 v3, $0x3  }
0x1f5: {  	v3 =	vand.u32 $0x7, v3;
	v4 =	vand.u32 $0xFFFFFFC0, v49  }
0x1f6: {  	v3 =	vor.u32 v3, v4  }
0x1f7: {  	v4 =	vperm.xlane v3, v0;
	_ =	sdelay $0x1  }
0x1f8: {  	v4 =	vadd.s32 v1, v4;
	_ =	sdelay $0x4  }
0x1f9: {  	[tilespmem:s23], [sflag:$0x6] =	stream.indirect_vreg.gather [hbm4b:s2+s3], $0x80, v4, vm0, $0xb8;
	[tilespmem:$0x18200] =	vst v63  }
0x1fa: {  	s24 =	simm.s32 $0x14A00;
	v3 =	vperm.xlane v3, v2  }
0x1fb: {  	[tilespmem:s24], [sflag:$0x6] =	stream.indirect_vreg.gather [hbm4b:s5+s3], $0x80, v4, vm0, $0xb8;
	[tilespmem:$0x18200] =	vst v63  }
0x1fc: {  	s26 =	simm.s32 $0x15200;
	v3 =	vadd.s32 v1, v3  }
0x1fd: {  	[tilespmem:s26], [sflag:$0x6] =	stream.indirect_vreg.gather [hbm4b:s6+s3], $0x80, v4, vm0, $0xb8;
	[tilespmem:$0x18200] =	vst v63  }
0x1fe: {  	s19 =	simm.s32 $0x15A00  }
0x1ff: {  	[tilespmem:s19], [sflag:$0x6] =	stream.indirect_vreg.gather [hbm4b:s7+s3], $0x80, v4, vm0, $0xb8;
	[tilespmem:$0x18200] =	vst v63  }
0x200: {  	s20 =	simm.s32 $0x16200  }
0x201: {  	[tilespmem:s20], [sflag:$0x6] =	stream.indirect_vreg.gather [hbm4b:s2+s3], $0x80, v3, vm0, $0xb8;
	[tilespmem:$0x18200] =	vst v63  }
0x202: {  	s23 =	simm.s32 $0x16A00  }
0x203: {  	[tilespmem:s23], [sflag:$0x6] =	stream.indirect_vreg.gather [hbm4b:s5+s3], $0x80, v3, vm0, $0xb8;
	[tilespmem:$0x18200] =	vst v63  }
0x204: {  	s24 =	simm.s32 $0x17200  }
0x205: {  	[tilespmem:s24], [sflag:$0x6] =	stream.indirect_vreg.gather [hbm4b:s6+s3], $0x80, v3, vm0, $0xb8;
	[tilespmem:$0x18200] =	vst v63  }
0x206: {  	s26 =	simm.s32 $0x17A00  }
0x207: {  	[tilespmem:s26], [sflag:$0x6] =	stream.indirect_vreg.gather [hbm4b:s7+s3], $0x80, v3, vm0, $0xb8;
	[tilespmem:$0x18200] =	vst v63  }
0x208: {  	_ =	swait.ge [sflag:s1], $0x4000  }
0x209: {  	[sflag:s1] =	ssyncset.done $0x0  }
0x20a: {  	s9 =	rddreg [dreg:$0x10];
	[sflag:s1] =	ssyncadd.s32 $0xFFFFC000  }
0x20b: {  	[hbm4b:s9+s3] =	stream.linear.scatter [tilespmem:s8], [sflag:$0x7], $0x4000, $0x38;
	[tilespmem:$0x18200] =	vst v63  }
0x20c: {  	_ =	swait.ge [sflag:s10], $0x4000  }
0x20d: {  	[sflag:s10] =	ssyncset.done $0x0  }
0x20e: {  	[sflag:s10] =	ssyncadd.s32 $0xFFFFC000  }
0x20f: {  	v3 =	vld [tilespmem:$0x120];
	_ =	sdelay $0x4  }
0x210: {  	v50 =	vshll.u32 v3, $0x3  }
0x211: {  	v3 =	vand.u32 $0x7, v3;
	v4 =	vand.u32 $0xFFFFFFC0, v50  }
0x212: {  	v3 =	vor.u32 v3, v4  }
0x213: {  	v4 =	vperm.xlane v3, v0;
	_ =	sdelay $0x1  }
0x214: {  	v4 =	vadd.s32 v1, v4;
	_ =	sdelay $0x4  }
0x215: {  	[tilespmem:s8], [sflag:$0x1] =	stream.indirect_vreg.gather [hbm4b:s2+s3], $0x80, v4, vm0, $0xb8;
	[tilespmem:$0x18200] =	vst v63  }
0x216: {  	s19 =	simm.s32 $0xA00;
	v3 =	vperm.xlane v3, v2  }
0x217: {  	[tilespmem:s19], [sflag:$0x1] =	stream.indirect_vreg.gather [hbm4b:s5+s3], $0x80, v4, vm0, $0xb8;
	[tilespmem:$0x18200] =	vst v63  }
0x218: {  	s20 =	simm.s32 $0x1200;
	v3 =	vadd.s32 v1, v3  }
0x219: {  	[tilespmem:s20], [sflag:$0x1] =	stream.indirect_vreg.gather [hbm4b:s6+s3], $0x80, v4, vm0, $0xb8;
	[tilespmem:$0x18200] =	vst v63  }
0x21a: {  	s23 =	simm.s32 $0x1A00  }
0x21b: {  	[tilespmem:s23], [sflag:$0x1] =	stream.indirect_vreg.gather [hbm4b:s7+s3], $0x80, v4, vm0, $0xb8;
	[tilespmem:$0x18200] =	vst v63  }
0x21c: {  	s24 =	simm.s32 $0x2200  }
0x21d: {  	[tilespmem:s24], [sflag:$0x1] =	stream.indirect_vreg.gather [hbm4b:s2+s3], $0x80, v3, vm0, $0xb8;
	[tilespmem:$0x18200] =	vst v63  }
0x21e: {  	s26 =	simm.s32 $0x2A00  }
0x21f: {  	[tilespmem:s26], [sflag:$0x1] =	stream.indirect_vreg.gather [hbm4b:s5+s3], $0x80, v3, vm0, $0xb8;
	[tilespmem:$0x18200] =	vst v63  }
0x220: {  	s19 =	simm.s32 $0x3200  }
0x221: {  	[tilespmem:s19], [sflag:$0x1] =	stream.indirect_vreg.gather [hbm4b:s6+s3], $0x80, v3, vm0, $0xb8;
	[tilespmem:$0x18200] =	vst v63  }
0x222: {  	s20 =	simm.s32 $0x3A00  }
0x223: {  	[tilespmem:s20], [sflag:$0x1] =	stream.indirect_vreg.gather [hbm4b:s7+s3], $0x80, v3, vm0, $0xb8;
	[tilespmem:$0x18200] =	vst v63  }
0x224: {  	_ =	swait.ge [sflag:s29], $0x4000  }
0x225: {  	[sflag:s29] =	ssyncset.done $0x0  }
0x226: {  	s24 =	simm.s32 $0x4200;
	s23 =	rddreg [dreg:$0x11];
	[sflag:s29] =	ssyncadd.s32 $0xFFFFC000  }
0x227: {  	[hbm4b:s23+s3] =	stream.linear.scatter [tilespmem:s24], [sflag:$0x8], $0x4000, $0x38;
	[tilespmem:$0x18200] =	vst v63  }
0x228: {  	_ =	swait.ge [sflag:s31], $0x4000  }
0x229: {  	[sflag:s31] =	ssyncset.done $0x0  }
0x22a: {  	[sflag:s31] =	ssyncadd.s32 $0xFFFFC000  }
0x22b: {  	v3 =	vld [tilespmem:$0x130];
	_ =	sdelay $0x4  }
0x22c: {  	v51 =	vshll.u32 v3, $0x3  }
0x22d: {  	v3 =	vand.u32 $0x7, v3;
	v4 =	vand.u32 $0xFFFFFFC0, v51  }
0x22e: {  	v3 =	vor.u32 v3, v4  }
0x22f: {  	v4 =	vperm.xlane v3, v0;
	_ =	sdelay $0x1  }
0x230: {  	v4 =	vadd.s32 v1, v4;
	_ =	sdelay $0x4  }
0x231: {  	[tilespmem:s24], [sflag:$0x2] =	stream.indirect_vreg.gather [hbm4b:s2+s3], $0x80, v4, vm0, $0xb8;
	[tilespmem:$0x18200] =	vst v63  }
0x232: {  	s26 =	simm.s32 $0x4A00;
	v3 =	vperm.xlane v3, v2  }
0x233: {  	[tilespmem:s26], [sflag:$0x2] =	stream.indirect_vreg.gather [hbm4b:s5+s3], $0x80, v4, vm0, $0xb8;
	[tilespmem:$0x18200] =	vst v63  }
0x234: {  	s19 =	simm.s32 $0x5200;
	v3 =	vadd.s32 v1, v3  }
0x235: {  	[tilespmem:s19], [sflag:$0x2] =	stream.indirect_vreg.gather [hbm4b:s6+s3], $0x80, v4, vm0, $0xb8;
	[tilespmem:$0x18200] =	vst v63  }
0x236: {  	s23 =	simm.s32 $0x5A00  }
0x237: {  	[tilespmem:s23], [sflag:$0x2] =	stream.indirect_vreg.gather [hbm4b:s7+s3], $0x80, v4, vm0, $0xb8;
	[tilespmem:$0x18200] =	vst v63  }
0x238: {  	s24 =	simm.s32 $0x6200  }
0x239: {  	[tilespmem:s24], [sflag:$0x2] =	stream.indirect_vreg.gather [hbm4b:s2+s3], $0x80, v3, vm0, $0xb8;
	[tilespmem:$0x18200] =	vst v63  }
0x23a: {  	s26 =	simm.s32 $0x6A00  }
0x23b: {  	[tilespmem:s26], [sflag:$0x2] =	stream.indirect_vreg.gather [hbm4b:s5+s3], $0x80, v3, vm0, $0xb8;
	[tilespmem:$0x18200] =	vst v63  }
0x23c: {  	s19 =	simm.s32 $0x7200  }
0x23d: {  	[tilespmem:s19], [sflag:$0x2] =	stream.indirect_vreg.gather [hbm4b:s6+s3], $0x80, v3, vm0, $0xb8;
	[tilespmem:$0x18200] =	vst v63  }
0x23e: {  	s23 =	simm.s32 $0x7A00  }
0x23f: {  	[tilespmem:s23], [sflag:$0x2] =	stream.indirect_vreg.gather [hbm4b:s7+s3], $0x80, v3, vm0, $0xb8;
	[tilespmem:$0x18200] =	vst v63  }
0x240: {  	_ =	swait.ge [sflag:s21], $0x4000  }
0x241: {  	[sflag:s21] =	ssyncset.done $0x0  }
0x242: {  	s4 =	simm.s32 $0x8200;
	s24 =	rddreg [dreg:$0x12];
	[sflag:s21] =	ssyncadd.s32 $0xFFFFC000  }
0x243: {  	[hbm4b:s24+s3] =	stream.linear.scatter [tilespmem:s4], [sflag:$0x9], $0x4000, $0x38;
	[tilespmem:$0x18200] =	vst v63  }
0x244: {  	_ =	swait.ge [sflag:s11], $0x4000  }
0x245: {  	[sflag:s11] =	ssyncset.done $0x0  }
0x246: {  	[sflag:s11] =	ssyncadd.s32 $0xFFFFC000  }
0x247: {  	v3 =	vld [tilespmem:$0x140];
	_ =	sdelay $0x4  }
0x248: {  	v52 =	vshll.u32 v3, $0x3  }
0x249: {  	v3 =	vand.u32 $0x7, v3;
	v4 =	vand.u32 $0xFFFFFFC0, v52  }
0x24a: {  	v3 =	vor.u32 v3, v4  }
0x24b: {  	v4 =	vperm.xlane v3, v0;
	_ =	sdelay $0x1  }
0x24c: {  	v4 =	vadd.s32 v1, v4;
	_ =	sdelay $0x4  }
0x24d: {  	[tilespmem:s4], [sflag:$0x3] =	stream.indirect_vreg.gather [hbm4b:s2+s3], $0x80, v4, vm0, $0xb8;
	[tilespmem:$0x18200] =	vst v63  }
0x24e: {  	s26 =	simm.s32 $0x8A00;
	v3 =	vperm.xlane v3, v2  }
0x24f: {  	[tilespmem:s26], [sflag:$0x3] =	stream.indirect_vreg.gather [hbm4b:s5+s3], $0x80, v4, vm0, $0xb8;
	[tilespmem:$0x18200] =	vst v63  }
0x250: {  	s9 =	simm.s32 $0x9200;
	v3 =	vadd.s32 v1, v3  }
0x251: {  	[tilespmem:s9], [sflag:$0x3] =	stream.indirect_vreg.gather [hbm4b:s6+s3], $0x80, v4, vm0, $0xb8;
	[tilespmem:$0x18200] =	vst v63  }
0x252: {  	s19 =	simm.s32 $0x9A00  }
0x253: {  	[tilespmem:s19], [sflag:$0x3] =	stream.indirect_vreg.gather [hbm4b:s7+s3], $0x80, v4, vm0, $0xb8;
	[tilespmem:$0x18200] =	vst v63  }
0x254: {  	s23 =	simm.s32 $0xA200  }
0x255: {  	[tilespmem:s23], [sflag:$0x3] =	stream.indirect_vreg.gather [hbm4b:s2+s3], $0x80, v3, vm0, $0xb8;
	[tilespmem:$0x18200] =	vst v63  }
0x256: {  	s4 =	simm.s32 $0xAA00  }
0x257: {  	[tilespmem:s4], [sflag:$0x3] =	stream.indirect_vreg.gather [hbm4b:s5+s3], $0x80, v3, vm0, $0xb8;
	[tilespmem:$0x18200] =	vst v63  }
0x258: {  	s23 =	simm.s32 $0xB200  }
0x259: {  	[tilespmem:s23], [sflag:$0x3] =	stream.indirect_vreg.gather [hbm4b:s6+s3], $0x80, v3, vm0, $0xb8;
	[tilespmem:$0x18200] =	vst v63  }
0x25a: {  	s9 =	simm.s32 $0xBA00  }
0x25b: {  	[tilespmem:s9], [sflag:$0x3] =	stream.indirect_vreg.gather [hbm4b:s7+s3], $0x80, v3, vm0, $0xb8;
	[tilespmem:$0x18200] =	vst v63  }
0x25c: {  	_ =	swait.ge [sflag:s12], $0x4000  }
0x25d: {  	[sflag:s12] =	ssyncset.done $0x0  }
0x25e: {  	s18 =	simm.s32 $0xC200;
	s24 =	rddreg [dreg:$0x13];
	[sflag:s12] =	ssyncadd.s32 $0xFFFFC000  }
0x25f: {  	[hbm4b:s24+s3] =	stream.linear.scatter [tilespmem:s18], [sflag:$0xA], $0x4000, $0x38;
	[tilespmem:$0x18200] =	vst v63  }
0x260: {  	_ =	swait.ge [sflag:s13], $0x4000  }
0x261: {  	[sflag:s13] =	ssyncset.done $0x0  }
0x262: {  	[sflag:s13] =	ssyncadd.s32 $0xFFFFC000  }
0x263: {  	v3 =	vld [tilespmem:$0x150];
	_ =	sdelay $0x4  }
0x264: {  	v53 =	vshll.u32 v3, $0x3  }
0x265: {  	v3 =	vand.u32 $0x7, v3;
	v4 =	vand.u32 $0xFFFFFFC0, v53  }
0x266: {  	v3 =	vor.u32 v3, v4  }
0x267: {  	v4 =	vperm.xlane v3, v0;
	_ =	sdelay $0x1  }
0x268: {  	v4 =	vadd.s32 v1, v4;
	_ =	sdelay $0x4  }
0x269: {  	[tilespmem:s18], [sflag:$0x4] =	stream.indirect_vreg.gather [hbm4b:s2+s3], $0x80, v4, vm0, $0xb8;
	[tilespmem:$0x18200] =	vst v63  }
0x26a: {  	v3 =	vperm.xlane v3, v2;
	s18 =	simm.s32 $0xCA00  }
0x26b: {  	[tilespmem:s18], [sflag:$0x4] =	stream.indirect_vreg.gather [hbm4b:s5+s3], $0x80, v4, vm0, $0xb8;
	[tilespmem:$0x18200] =	vst v63  }
0x26c: {  	s24 =	simm.s32 $0xD200;
	v3 =	vadd.s32 v1, v3  }
0x26d: {  	[tilespmem:s24], [sflag:$0x4] =	stream.indirect_vreg.gather [hbm4b:s6+s3], $0x80, v4, vm0, $0xb8;
	[tilespmem:$0x18200] =	vst v63  }
0x26e: {  	s18 =	simm.s32 $0xDA00  }
0x26f: {  	[tilespmem:s18], [sflag:$0x4] =	stream.indirect_vreg.gather [hbm4b:s7+s3], $0x80, v4, vm0, $0xb8;
	[tilespmem:$0x18200] =	vst v63  }
0x270: {  	s24 =	simm.s32 $0xE200  }
0x271: {  	[tilespmem:s24], [sflag:$0x4] =	stream.indirect_vreg.gather [hbm4b:s2+s3], $0x80, v3, vm0, $0xb8;
	[tilespmem:$0x18200] =	vst v63  }
0x272: {  	s18 =	simm.s32 $0xEA00  }
0x273: {  	[tilespmem:s18], [sflag:$0x4] =	stream.indirect_vreg.gather [hbm4b:s5+s3], $0x80, v3, vm0, $0xb8;
	[tilespmem:$0x18200] =	vst v63  }
0x274: {  	s24 =	simm.s32 $0xF200  }
0x275: {  	[tilespmem:s24], [sflag:$0x4] =	stream.indirect_vreg.gather [hbm4b:s6+s3], $0x80, v3, vm0, $0xb8;
	[tilespmem:$0x18200] =	vst v63  }
0x276: {  	s18 =	simm.s32 $0xFA00  }
0x277: {  	[tilespmem:s18], [sflag:$0x4] =	stream.indirect_vreg.gather [hbm4b:s7+s3], $0x80, v3, vm0, $0xb8;
	[tilespmem:$0x18200] =	vst v63  }
0x278: {  	_ =	swait.ge [sflag:s14], $0x4000  }
0x279: {  	[sflag:s14] =	ssyncset.done $0x0  }
0x27a: {  	s0 =	simm.s32 $0x10200;
	s24 =	rddreg [dreg:$0x14];
	[sflag:s14] =	ssyncadd.s32 $0xFFFFC000  }
0x27b: {  	[hbm4b:s24+s3] =	stream.linear.scatter [tilespmem:s0], [sflag:$0xB], $0x4000, $0x38;
	[tilespmem:$0x18200] =	vst v63  }
0x27c: {  	_ =	swait.ge [sflag:s15], $0x4000  }
0x27d: {  	[sflag:s15] =	ssyncset.done $0x0  }
0x27e: {  	[sflag:s15] =	ssyncadd.s32 $0xFFFFC000  }
0x27f: {  	v3 =	vld [tilespmem:$0x160];
	_ =	sdelay $0x4  }
0x280: {  	v54 =	vshll.u32 v3, $0x3  }
0x281: {  	v3 =	vand.u32 $0x7, v3;
	v4 =	vand.u32 $0xFFFFFFC0, v54  }
0x282: {  	v3 =	vor.u32 v3, v4  }
0x283: {  	v4 =	vperm.xlane v3, v0;
	_ =	sdelay $0x1  }
0x284: {  	v4 =	vadd.s32 v1, v4;
	_ =	sdelay $0x4  }
0x285: {  	[tilespmem:s0], [sflag:$0x5] =	stream.indirect_vreg.gather [hbm4b:s2+s3], $0x80, v4, vm0, $0xb8;
	[tilespmem:$0x18200] =	vst v63  }
0x286: {  	s18 =	simm.s32 $0x10A00;
	v3 =	vperm.xlane v3, v2  }
0x287: {  	[tilespmem:s18], [sflag:$0x5] =	stream.indirect_vreg.gather [hbm4b:s5+s3], $0x80, v4, vm0, $0xb8;
	[tilespmem:$0x18200] =	vst v63  }
0x288: {  	s24 =	simm.s32 $0x11200;
	v3 =	vadd.s32 v1, v3  }
0x289: {  	[tilespmem:s24], [sflag:$0x5] =	stream.indirect_vreg.gather [hbm4b:s6+s3], $0x80, v4, vm0, $0xb8;
	[tilespmem:$0x18200] =	vst v63  }
0x28a: {  	s25 =	simm.s32 $0x11A00  }
0x28b: {  	[tilespmem:s25], [sflag:$0x5] =	stream.indirect_vreg.gather [hbm4b:s7+s3], $0x80, v4, vm0, $0xb8;
	[tilespmem:$0x18200] =	vst v63  }
0x28c: {  	s28 =	simm.s32 $0x12200  }
0x28d: {  	[tilespmem:s28], [sflag:$0x5] =	stream.indirect_vreg.gather [hbm4b:s2+s3], $0x80, v3, vm0, $0xb8;
	[tilespmem:$0x18200] =	vst v63  }
0x28e: {  	s30 =	simm.s32 $0x12A00  }
0x28f: {  	[tilespmem:s30], [sflag:$0x5] =	stream.indirect_vreg.gather [hbm4b:s5+s3], $0x80, v3, vm0, $0xb8;
	[tilespmem:$0x18200] =	vst v63  }
0x290: {  	s18 =	simm.s32 $0x13200  }
0x291: {  	[tilespmem:s18], [sflag:$0x5] =	stream.indirect_vreg.gather [hbm4b:s6+s3], $0x80, v3, vm0, $0xb8;
	[tilespmem:$0x18200] =	vst v63  }
0x292: {  	s28 =	simm.s32 $0x13A00  }
0x293: {  	[tilespmem:s28], [sflag:$0x5] =	stream.indirect_vreg.gather [hbm4b:s7+s3], $0x80, v3, vm0, $0xb8;
	[tilespmem:$0x18200] =	vst v63  }
0x294: {  	_ =	swait.ge [sflag:s16], $0x4000  }
0x295: {  	[sflag:s16] =	ssyncset.done $0x0  }
0x296: {  	s22 =	simm.s32 $0x14200;
	s18 =	rddreg [dreg:$0x15];
	[sflag:s16] =	ssyncadd.s32 $0xFFFFC000  }
0x297: {  	[hbm4b:s18+s3] =	stream.linear.scatter [tilespmem:s22], [sflag:$0xC], $0x4000, $0x38;
	[tilespmem:$0x18200] =	vst v63  }
0x298: {  	_ =	swait.ge [sflag:s17], $0x4000  }
0x299: {  	[sflag:s17] =	ssyncset.done $0x0  }
0x29a: {  	[sflag:s17] =	ssyncadd.s32 $0xFFFFC000  }
0x29b: {  	v3 =	vld [tilespmem:$0x170];
	_ =	sdelay $0x4  }
0x29c: {  	v55 =	vshll.u32 v3, $0x3  }
0x29d: {  	v3 =	vand.u32 $0x7, v3;
	v4 =	vand.u32 $0xFFFFFFC0, v55  }
0x29e: {  	v3 =	vor.u32 v3, v4  }
0x29f: {  	v4 =	vperm.xlane v3, v0;
	_ =	sdelay $0x1  }
0x2a0: {  	v4 =	vadd.s32 v1, v4;
	_ =	sdelay $0x4  }
0x2a1: {  	[tilespmem:s22], [sflag:$0x6] =	stream.indirect_vreg.gather [hbm4b:s2+s3], $0x80, v4, vm0, $0xb8;
	[tilespmem:$0x18200] =	vst v63  }
0x2a2: {  	s28 =	simm.s32 $0x14A00;
	v3 =	vperm.xlane v3, v2  }
0x2a3: {  	[tilespmem:s28], [sflag:$0x6] =	stream.indirect_vreg.gather [hbm4b:s5+s3], $0x80, v4, vm0, $0xb8;
	[tilespmem:$0x18200] =	vst v63  }
0x2a4: {  	s19 =	simm.s32 $0x15200;
	v3 =	vadd.s32 v1, v3  }
0x2a5: {  	[tilespmem:s19], [sflag:$0x6] =	stream.indirect_vreg.gather [hbm4b:s6+s3], $0x80, v4, vm0, $0xb8;
	[tilespmem:$0x18200] =	vst v63  }
0x2a6: {  	s22 =	simm.s32 $0x15A00  }
0x2a7: {  	[tilespmem:s22], [sflag:$0x6] =	stream.indirect_vreg.gather [hbm4b:s7+s3], $0x80, v4, vm0, $0xb8;
	[tilespmem:$0x18200] =	vst v63  }
0x2a8: {  	s28 =	simm.s32 $0x16200  }
0x2a9: {  	[tilespmem:s28], [sflag:$0x6] =	stream.indirect_vreg.gather [hbm4b:s2+s3], $0x80, v3, vm0, $0xb8;
	[tilespmem:$0x18200] =	vst v63  }
0x2aa: {  	s19 =	simm.s32 $0x16A00  }
0x2ab: {  	[tilespmem:s19], [sflag:$0x6] =	stream.indirect_vreg.gather [hbm4b:s5+s3], $0x80, v3, vm0, $0xb8;
	[tilespmem:$0x18200] =	vst v63  }
0x2ac: {  	s22 =	simm.s32 $0x17200  }
0x2ad: {  	[tilespmem:s22], [sflag:$0x6] =	stream.indirect_vreg.gather [hbm4b:s6+s3], $0x80, v3, vm0, $0xb8;
	[tilespmem:$0x18200] =	vst v63  }
0x2ae: {  	s28 =	simm.s32 $0x17A00  }
0x2af: {  	[tilespmem:s28], [sflag:$0x6] =	stream.indirect_vreg.gather [hbm4b:s7+s3], $0x80, v3, vm0, $0xb8;
	[tilespmem:$0x18200] =	vst v63  }
0x2b0: {  	_ =	swait.ge [sflag:s1], $0x4000  }
0x2b1: {  	[sflag:s1] =	ssyncset.done $0x0  }
0x2b2: {  	s18 =	rddreg [dreg:$0x16];
	[sflag:s1] =	ssyncadd.s32 $0xFFFFC000  }
0x2b3: {  	[hbm4b:s18+s3] =	stream.linear.scatter [tilespmem:s8], [sflag:$0x7], $0x4000, $0x38;
	[tilespmem:$0x18200] =	vst v63  }
0x2b4: {  	_ =	swait.ge [sflag:s10], $0x4000  }
0x2b5: {  	[sflag:s10] =	ssyncset.done $0x0  }
0x2b6: {  	[sflag:s10] =	ssyncadd.s32 $0xFFFFC000  }
0x2b7: {  	v3 =	vld [tilespmem:$0x180];
	_ =	sdelay $0x4  }
0x2b8: {  	v56 =	vshll.u32 v3, $0x3  }
0x2b9: {  	v3 =	vand.u32 $0x7, v3;
	v4 =	vand.u32 $0xFFFFFFC0, v56  }
0x2ba: {  	v3 =	vor.u32 v3, v4  }
0x2bb: {  	v4 =	vperm.xlane v3, v0;
	_ =	sdelay $0x1  }
0x2bc: {  	v4 =	vadd.s32 v1, v4;
	_ =	sdelay $0x4  }
0x2bd: {  	[tilespmem:s8], [sflag:$0x1] =	stream.indirect_vreg.gather [hbm4b:s2+s3], $0x80, v4, vm0, $0xb8;
	[tilespmem:$0x18200] =	vst v63  }
0x2be: {  	s19 =	simm.s32 $0xA00;
	v3 =	vperm.xlane v3, v2  }
0x2bf: {  	[tilespmem:s19], [sflag:$0x1] =	stream.indirect_vreg.gather [hbm4b:s5+s3], $0x80, v4, vm0, $0xb8;
	[tilespmem:$0x18200] =	vst v63  }
0x2c0: {  	s22 =	simm.s32 $0x1200;
	v3 =	vadd.s32 v1, v3  }
0x2c1: {  	[tilespmem:s22], [sflag:$0x1] =	stream.indirect_vreg.gather [hbm4b:s6+s3], $0x80, v4, vm0, $0xb8;
	[tilespmem:$0x18200] =	vst v63  }
0x2c2: {  	s28 =	simm.s32 $0x1A00  }
0x2c3: {  	[tilespmem:s28], [sflag:$0x1] =	stream.indirect_vreg.gather [hbm4b:s7+s3], $0x80, v4, vm0, $0xb8;
	[tilespmem:$0x18200] =	vst v63  }
0x2c4: {  	s19 =	simm.s32 $0x2200  }
0x2c5: {  	[tilespmem:s19], [sflag:$0x1] =	stream.indirect_vreg.gather [hbm4b:s2+s3], $0x80, v3, vm0, $0xb8;
	[tilespmem:$0x18200] =	vst v63  }
0x2c6: {  	s22 =	simm.s32 $0x2A00  }
0x2c7: {  	[tilespmem:s22], [sflag:$0x1] =	stream.indirect_vreg.gather [hbm4b:s5+s3], $0x80, v3, vm0, $0xb8;
	[tilespmem:$0x18200] =	vst v63  }
0x2c8: {  	s28 =	simm.s32 $0x3200  }
0x2c9: {  	[tilespmem:s28], [sflag:$0x1] =	stream.indirect_vreg.gather [hbm4b:s6+s3], $0x80, v3, vm0, $0xb8;
	[tilespmem:$0x18200] =	vst v63  }
0x2ca: {  	s19 =	simm.s32 $0x3A00  }
0x2cb: {  	[tilespmem:s19], [sflag:$0x1] =	stream.indirect_vreg.gather [hbm4b:s7+s3], $0x80, v3, vm0, $0xb8;
	[tilespmem:$0x18200] =	vst v63  }
0x2cc: {  	_ =	swait.ge [sflag:s29], $0x4000  }
0x2cd: {  	[sflag:s29] =	ssyncset.done $0x0  }
0x2ce: {  	s20 =	simm.s32 $0x4200;
	s22 =	rddreg [dreg:$0x17];
	[sflag:s29] =	ssyncadd.s32 $0xFFFFC000  }
0x2cf: {  	[hbm4b:s22+s3] =	stream.linear.scatter [tilespmem:s20], [sflag:$0x8], $0x4000, $0x38;
	[tilespmem:$0x18200] =	vst v63  }
0x2d0: {  	_ =	swait.ge [sflag:s31], $0x4000  }
0x2d1: {  	[sflag:s31] =	ssyncset.done $0x0  }
0x2d2: {  	[sflag:s31] =	ssyncadd.s32 $0xFFFFC000  }
0x2d3: {  	v3 =	vld [tilespmem:$0x190];
	_ =	sdelay $0x4  }
0x2d4: {  	v57 =	vshll.u32 v3, $0x3  }
0x2d5: {  	v3 =	vand.u32 $0x7, v3;
	v4 =	vand.u32 $0xFFFFFFC0, v57  }
0x2d6: {  	v3 =	vor.u32 v3, v4  }
0x2d7: {  	v4 =	vperm.xlane v3, v0;
	_ =	sdelay $0x1  }
0x2d8: {  	v4 =	vadd.s32 v1, v4;
	_ =	sdelay $0x4  }
0x2d9: {  	[tilespmem:s20], [sflag:$0x2] =	stream.indirect_vreg.gather [hbm4b:s2+s3], $0x80, v4, vm0, $0xb8;
	[tilespmem:$0x18200] =	vst v63  }
0x2da: {  	s28 =	simm.s32 $0x4A00;
	v3 =	vperm.xlane v3, v2  }
0x2db: {  	[tilespmem:s28], [sflag:$0x2] =	stream.indirect_vreg.gather [hbm4b:s5+s3], $0x80, v4, vm0, $0xb8;
	[tilespmem:$0x18200] =	vst v63  }
0x2dc: {  	s19 =	simm.s32 $0x5200;
	v3 =	vadd.s32 v1, v3  }
0x2dd: {  	[tilespmem:s19], [sflag:$0x2] =	stream.indirect_vreg.gather [hbm4b:s6+s3], $0x80, v4, vm0, $0xb8;
	[tilespmem:$0x18200] =	vst v63  }
0x2de: {  	s20 =	simm.s32 $0x5A00  }
0x2df: {  	[tilespmem:s20], [sflag:$0x2] =	stream.indirect_vreg.gather [hbm4b:s7+s3], $0x80, v4, vm0, $0xb8;
	[tilespmem:$0x18200] =	vst v63  }
0x2e0: {  	s22 =	simm.s32 $0x6200  }
0x2e1: {  	[tilespmem:s22], [sflag:$0x2] =	stream.indirect_vreg.gather [hbm4b:s2+s3], $0x80, v3, vm0, $0xb8;
	[tilespmem:$0x18200] =	vst v63  }
0x2e2: {  	s28 =	simm.s32 $0x6A00  }
0x2e3: {  	[tilespmem:s28], [sflag:$0x2] =	stream.indirect_vreg.gather [hbm4b:s5+s3], $0x80, v3, vm0, $0xb8;
	[tilespmem:$0x18200] =	vst v63  }
0x2e4: {  	s19 =	simm.s32 $0x7200  }
0x2e5: {  	[tilespmem:s19], [sflag:$0x2] =	stream.indirect_vreg.gather [hbm4b:s6+s3], $0x80, v3, vm0, $0xb8;
	[tilespmem:$0x18200] =	vst v63  }
0x2e6: {  	s20 =	simm.s32 $0x7A00  }
0x2e7: {  	[tilespmem:s20], [sflag:$0x2] =	stream.indirect_vreg.gather [hbm4b:s7+s3], $0x80, v3, vm0, $0xb8;
	[tilespmem:$0x18200] =	vst v63  }
0x2e8: {  	_ =	swait.ge [sflag:s21], $0x4000  }
0x2e9: {  	[sflag:s21] =	ssyncset.done $0x0  }
0x2ea: {  	s18 =	simm.s32 $0x8200;
	s28 =	rddreg [dreg:$0x18];
	[sflag:s21] =	ssyncadd.s32 $0xFFFFC000  }
0x2eb: {  	[hbm4b:s28+s3] =	stream.linear.scatter [tilespmem:s18], [sflag:$0x9], $0x4000, $0x38;
	[tilespmem:$0x18200] =	vst v63  }
0x2ec: {  	_ =	swait.ge [sflag:s11], $0x4000  }
0x2ed: {  	[sflag:s11] =	ssyncset.done $0x0  }
0x2ee: {  	[sflag:s11] =	ssyncadd.s32 $0xFFFFC000  }
0x2ef: {  	v3 =	vld [tilespmem:$0x1A0];
	_ =	sdelay $0x4  }
0x2f0: {  	v58 =	vshll.u32 v3, $0x3  }
0x2f1: {  	v3 =	vand.u32 $0x7, v3;
	v4 =	vand.u32 $0xFFFFFFC0, v58  }
0x2f2: {  	v3 =	vor.u32 v3, v4  }
0x2f3: {  	v4 =	vperm.xlane v3, v0;
	_ =	sdelay $0x1  }
0x2f4: {  	v4 =	vadd.s32 v1, v4;
	_ =	sdelay $0x4  }
0x2f5: {  	[tilespmem:s18], [sflag:$0x3] =	stream.indirect_vreg.gather [hbm4b:s2+s3], $0x80, v4, vm0, $0xb8;
	[tilespmem:$0x18200] =	vst v63  }
0x2f6: {  	s19 =	simm.s32 $0x8A00;
	v3 =	vperm.xlane v3, v2  }
0x2f7: {  	[tilespmem:s19], [sflag:$0x3] =	stream.indirect_vreg.gather [hbm4b:s5+s3], $0x80, v4, vm0, $0xb8;
	[tilespmem:$0x18200] =	vst v63  }
0x2f8: {  	s26 =	simm.s32 $0x9200;
	v3 =	vadd.s32 v1, v3  }
0x2f9: {  	[tilespmem:s26], [sflag:$0x3] =	stream.indirect_vreg.gather [hbm4b:s6+s3], $0x80, v4, vm0, $0xb8;
	[tilespmem:$0x18200] =	vst v63  }
0x2fa: {  	s26 =	simm.s32 $0x9A00  }
0x2fb: {  	[tilespmem:s26], [sflag:$0x3] =	stream.indirect_vreg.gather [hbm4b:s7+s3], $0x80, v4, vm0, $0xb8;
	[tilespmem:$0x18200] =	vst v63  }
0x2fc: {  	s28 =	simm.s32 $0xA200  }
0x2fd: {  	[tilespmem:s28], [sflag:$0x3] =	stream.indirect_vreg.gather [hbm4b:s2+s3], $0x80, v3, vm0, $0xb8;
	[tilespmem:$0x18200] =	vst v63  }
0x2fe: {  	_ = 	snop  }
0x2ff: {  	[tilespmem:s4], [sflag:$0x3] =	stream.indirect_vreg.gather [hbm4b:s5+s3], $0x80, v3, vm0, $0xb8;
	[tilespmem:$0x18200] =	vst v63  }
0x300: {  	_ = 	snop  }
0x301: {  	[tilespmem:s23], [sflag:$0x3] =	stream.indirect_vreg.gather [hbm4b:s6+s3], $0x80, v3, vm0, $0xb8;
	[tilespmem:$0x18200] =	vst v63  }
0x302: {  	_ = 	snop  }
0x303: {  	[tilespmem:s9], [sflag:$0x3] =	stream.indirect_vreg.gather [hbm4b:s7+s3], $0x80, v3, vm0, $0xb8;
	[tilespmem:$0x18200] =	vst v63  }
0x304: {  	_ =	swait.ge [sflag:s12], $0x4000  }
0x305: {  	[sflag:s12] =	ssyncset.done $0x0  }
0x306: {  	s18 =	simm.s32 $0xC200;
	s9 =	rddreg [dreg:$0x19];
	[sflag:s12] =	ssyncadd.s32 $0xFFFFC000  }
0x307: {  	[hbm4b:s9+s3] =	stream.linear.scatter [tilespmem:s18], [sflag:$0xA], $0x4000, $0x38;
	[tilespmem:$0x18200] =	vst v63  }
0x308: {  	_ =	swait.ge [sflag:s13], $0x4000  }
0x309: {  	[sflag:s13] =	ssyncset.done $0x0  }
0x30a: {  	[sflag:s13] =	ssyncadd.s32 $0xFFFFC000  }
0x30b: {  	v3 =	vld [tilespmem:$0x1B0];
	_ =	sdelay $0x4  }
0x30c: {  	v59 =	vshll.u32 v3, $0x3  }
0x30d: {  	v3 =	vand.u32 $0x7, v3;
	v4 =	vand.u32 $0xFFFFFFC0, v59  }
0x30e: {  	v3 =	vor.u32 v3, v4  }
0x30f: {  	v4 =	vperm.xlane v3, v0;
	_ =	sdelay $0x1  }
0x310: {  	v4 =	vadd.s32 v1, v4;
	_ =	sdelay $0x4  }
0x311: {  	[tilespmem:s18], [sflag:$0x4] =	stream.indirect_vreg.gather [hbm4b:s2+s3], $0x80, v4, vm0, $0xb8;
	[tilespmem:$0x18200] =	vst v63  }
0x312: {  	s23 =	simm.s32 $0xCA00;
	v3 =	vperm.xlane v3, v2  }
0x313: {  	[tilespmem:s23], [sflag:$0x4] =	stream.indirect_vreg.gather [hbm4b:s5+s3], $0x80, v4, vm0, $0xb8;
	[tilespmem:$0x18200] =	vst v63  }
0x314: {  	s28 =	simm.s32 $0xD200;
	v3 =	vadd.s32 v1, v3  }
0x315: {  	[tilespmem:s28], [sflag:$0x4] =	stream.indirect_vreg.gather [hbm4b:s6+s3], $0x80, v4, vm0, $0xb8;
	[tilespmem:$0x18200] =	vst v63  }
0x316: {  	s9 =	simm.s32 $0xDA00  }
0x317: {  	[tilespmem:s9], [sflag:$0x4] =	stream.indirect_vreg.gather [hbm4b:s7+s3], $0x80, v4, vm0, $0xb8;
	[tilespmem:$0x18200] =	vst v63  }
0x318: {  	s18 =	simm.s32 $0xE200  }
0x319: {  	[tilespmem:s18], [sflag:$0x4] =	stream.indirect_vreg.gather [hbm4b:s2+s3], $0x80, v3, vm0, $0xb8;
	[tilespmem:$0x18200] =	vst v63  }
0x31a: {  	s19 =	simm.s32 $0xEA00  }
0x31b: {  	[tilespmem:s19], [sflag:$0x4] =	stream.indirect_vreg.gather [hbm4b:s5+s3], $0x80, v3, vm0, $0xb8;
	[tilespmem:$0x18200] =	vst v63  }
0x31c: {  	s23 =	simm.s32 $0xF200  }
0x31d: {  	[tilespmem:s23], [sflag:$0x4] =	stream.indirect_vreg.gather [hbm4b:s6+s3], $0x80, v3, vm0, $0xb8;
	[tilespmem:$0x18200] =	vst v63  }
0x31e: {  	s28 =	simm.s32 $0xFA00  }
0x31f: {  	[tilespmem:s28], [sflag:$0x4] =	stream.indirect_vreg.gather [hbm4b:s7+s3], $0x80, v3, vm0, $0xb8;
	[tilespmem:$0x18200] =	vst v63  }
0x320: {  	_ =	swait.ge [sflag:s14], $0x4000  }
0x321: {  	[sflag:s14] =	ssyncset.done $0x0  }
0x322: {  	s18 =	simm.s32 $0x10200;
	s9 =	rddreg [dreg:$0x1a];
	[sflag:s14] =	ssyncadd.s32 $0xFFFFC000  }
0x323: {  	[hbm4b:s9+s3] =	stream.linear.scatter [tilespmem:s18], [sflag:$0xB], $0x4000, $0x38;
	[tilespmem:$0x18200] =	vst v63  }
0x324: {  	_ =	swait.ge [sflag:s15], $0x4000  }
0x325: {  	[sflag:s15] =	ssyncset.done $0x0  }
0x326: {  	[sflag:s15] =	ssyncadd.s32 $0xFFFFC000  }
0x327: {  	v3 =	vld [tilespmem:$0x1C0];
	_ =	sdelay $0x4  }
0x328: {  	v60 =	vshll.u32 v3, $0x3  }
0x329: {  	v3 =	vand.u32 $0x7, v3;
	v4 =	vand.u32 $0xFFFFFFC0, v60  }
0x32a: {  	v3 =	vor.u32 v3, v4  }
0x32b: {  	v4 =	vperm.xlane v3, v0;
	_ =	sdelay $0x1  }
0x32c: {  	v4 =	vadd.s32 v1, v4;
	_ =	sdelay $0x4  }
0x32d: {  	[tilespmem:s18], [sflag:$0x5] =	stream.indirect_vreg.gather [hbm4b:s2+s3], $0x80, v4, vm0, $0xb8;
	[tilespmem:$0x18200] =	vst v63  }
0x32e: {  	s19 =	simm.s32 $0x10A00;
	v3 =	vperm.xlane v3, v2  }
0x32f: {  	[tilespmem:s19], [sflag:$0x5] =	stream.indirect_vreg.gather [hbm4b:s5+s3], $0x80, v4, vm0, $0xb8;
	[tilespmem:$0x18200] =	vst v63  }
0x330: {  	s0 =	simm.s32 $0x11200;
	v3 =	vadd.s32 v1, v3  }
0x331: {  	[tilespmem:s0], [sflag:$0x5] =	stream.indirect_vreg.gather [hbm4b:s6+s3], $0x80, v4, vm0, $0xb8;
	[tilespmem:$0x18200] =	vst v63  }
0x332: {  	s23 =	simm.s32 $0x11A00  }
0x333: {  	[tilespmem:s23], [sflag:$0x5] =	stream.indirect_vreg.gather [hbm4b:s7+s3], $0x80, v4, vm0, $0xb8;
	[tilespmem:$0x18200] =	vst v63  }
0x334: {  	s25 =	simm.s32 $0x12200  }
0x335: {  	[tilespmem:s25], [sflag:$0x5] =	stream.indirect_vreg.gather [hbm4b:s2+s3], $0x80, v3, vm0, $0xb8;
	[tilespmem:$0x18200] =	vst v63  }
0x336: {  	s24 =	simm.s32 $0x12A00  }
0x337: {  	[tilespmem:s24], [sflag:$0x5] =	stream.indirect_vreg.gather [hbm4b:s5+s3], $0x80, v3, vm0, $0xb8;
	[tilespmem:$0x18200] =	vst v63  }
0x338: {  	s30 =	simm.s32 $0x13200  }
0x339: {  	[tilespmem:s30], [sflag:$0x5] =	stream.indirect_vreg.gather [hbm4b:s6+s3], $0x80, v3, vm0, $0xb8;
	[tilespmem:$0x18200] =	vst v63  }
0x33a: {  	s30 =	simm.s32 $0x13A00  }
0x33b: {  	[tilespmem:s30], [sflag:$0x5] =	stream.indirect_vreg.gather [hbm4b:s7+s3], $0x80, v3, vm0, $0xb8;
	[tilespmem:$0x18200] =	vst v63  }
0x33c: {  	s4 =	sld [smem:$0x7F7];
	_ =	swait.ge [sflag:s16], $0x4000  }
0x33d: {  	[sflag:s16] =	ssyncset.done $0x0  }
0x33e: {  	s18 =	simm.s32 $0x14200;
	s9 =	rddreg [dreg:$0x1b];
	[sflag:s16] =	ssyncadd.s32 $0xFFFFC000  }
0x33f: {  	[hbm4b:s9+s3] =	stream.linear.scatter [tilespmem:s18], [sflag:$0xC], $0x4000, $0x38;
	[tilespmem:$0x18200] =	vst v63  }
0x340: {  	_ =	swait.ge [sflag:s17], $0x4000  }
0x341: {  	[sflag:s17] =	ssyncset.done $0x0  }
0x342: {  	[sflag:s17] =	ssyncadd.s32 $0xFFFFC000  }
0x343: {  	v3 =	vld [tilespmem:$0x1D0];
	_ =	sdelay $0x4  }
0x344: {  	v61 =	vshll.u32 v3, $0x3  }
0x345: {  	v3 =	vand.u32 $0x7, v3;
	v4 =	vand.u32 $0xFFFFFFC0, v61  }
0x346: {  	v3 =	vor.u32 v3, v4  }
0x347: {  	v4 =	vperm.xlane v3, v0;
	_ =	sdelay $0x1  }
0x348: {  	v4 =	vadd.s32 v1, v4;
	_ =	sdelay $0x4  }
0x349: {  	[tilespmem:s18], [sflag:$0x6] =	stream.indirect_vreg.gather [hbm4b:s2+s3], $0x80, v4, vm0, $0xb8;
	[tilespmem:$0x18200] =	vst v63  }
0x34a: {  	s23 =	simm.s32 $0x14A00;
	v3 =	vperm.xlane v3, v2  }
0x34b: {  	[tilespmem:s23], [sflag:$0x6] =	stream.indirect_vreg.gather [hbm4b:s5+s3], $0x80, v4, vm0, $0xb8;
	[tilespmem:$0x18200] =	vst v63  }
0x34c: {  	s24 =	simm.s32 $0x15200;
	v3 =	vadd.s32 v1, v3  }
0x34d: {  	[tilespmem:s24], [sflag:$0x6] =	stream.indirect_vreg.gather [hbm4b:s6+s3], $0x80, v4, vm0, $0xb8;
	[tilespmem:$0x18200] =	vst v63  }
0x34e: {  	s25 =	simm.s32 $0x15A00  }
0x34f: {  	[tilespmem:s25], [sflag:$0x6] =	stream.indirect_vreg.gather [hbm4b:s7+s3], $0x80, v4, vm0, $0xb8;
	[tilespmem:$0x18200] =	vst v63  }
0x350: {  	s30 =	simm.s32 $0x16200  }
0x351: {  	[tilespmem:s30], [sflag:$0x6] =	stream.indirect_vreg.gather [hbm4b:s2+s3], $0x80, v3, vm0, $0xb8;
	[tilespmem:$0x18200] =	vst v63  }
0x352: {  	s9 =	simm.s32 $0x16A00  }
0x353: {  	[tilespmem:s9], [sflag:$0x6] =	stream.indirect_vreg.gather [hbm4b:s5+s3], $0x80, v3, vm0, $0xb8;
	[tilespmem:$0x18200] =	vst v63  }
0x354: {  	s19 =	simm.s32 $0x17200  }
0x355: {  	[tilespmem:s19], [sflag:$0x6] =	stream.indirect_vreg.gather [hbm4b:s6+s3], $0x80, v3, vm0, $0xb8;
	[tilespmem:$0x18200] =	vst v63  }
0x356: {  	s23 =	simm.s32 $0x17A00  }
0x357: {  	[tilespmem:s23], [sflag:$0x6] =	stream.indirect_vreg.gather [hbm4b:s7+s3], $0x80, v3, vm0, $0xb8;
	[tilespmem:$0x18200] =	vst v63  }
0x358: {  	_ =	swait.ge [sflag:s1], $0x4000  }
0x359: {  	[sflag:s1] =	ssyncset.done $0x0  }
0x35a: {  	s24 =	rddreg [dreg:$0x1c];
	[sflag:s1] =	ssyncadd.s32 $0xFFFFC000  }
0x35b: {  	[hbm4b:s24+s3] =	stream.linear.scatter [tilespmem:s8], [sflag:$0x7], $0x4000, $0x38;
	[tilespmem:$0x18200] =	vst v63  }
0x35c: {  	_ =	swait.ge [sflag:s10], $0x4000  }
0x35d: {  	[sflag:s10] =	ssyncset.done $0x0  }
0x35e: {  	[sflag:s10] =	ssyncadd.s32 $0xFFFFC000  }
0x35f: {  	v3 =	vld [tilespmem:$0x1E0];
	_ =	sdelay $0x4  }
0x360: {  	v62 =	vshll.u32 v3, $0x3  }
0x361: {  	v3 =	vand.u32 $0x7, v3;
	v4 =	vand.u32 $0xFFFFFFC0, v62  }
0x362: {  	v3 =	vor.u32 v3, v4  }
0x363: {  	v4 =	vperm.xlane v3, v0;
	_ =	sdelay $0x1  }
0x364: {  	v4 =	vadd.s32 v1, v4;
	_ =	sdelay $0x4  }
0x365: {  	[tilespmem:s8], [sflag:$0x1] =	stream.indirect_vreg.gather [hbm4b:s2+s3], $0x80, v4, vm0, $0xb8;
	[tilespmem:$0x18200] =	vst v63  }
0x366: {  	s25 =	simm.s32 $0xA00;
	v3 =	vperm.xlane v3, v2  }
0x367: {  	[tilespmem:s25], [sflag:$0x1] =	stream.indirect_vreg.gather [hbm4b:s5+s3], $0x80, v4, vm0, $0xb8;
	[tilespmem:$0x18200] =	vst v63  }
0x368: {  	s30 =	simm.s32 $0x1200;
	v3 =	vadd.s32 v1, v3  }
0x369: {  	[tilespmem:s30], [sflag:$0x1] =	stream.indirect_vreg.gather [hbm4b:s6+s3], $0x80, v4, vm0, $0xb8;
	[tilespmem:$0x18200] =	vst v63  }
0x36a: {  	s9 =	simm.s32 $0x1A00  }
0x36b: {  	[tilespmem:s9], [sflag:$0x1] =	stream.indirect_vreg.gather [hbm4b:s7+s3], $0x80, v4, vm0, $0xb8;
	[tilespmem:$0x18200] =	vst v63  }
0x36c: {  	s19 =	simm.s32 $0x2200  }
0x36d: {  	[tilespmem:s19], [sflag:$0x1] =	stream.indirect_vreg.gather [hbm4b:s2+s3], $0x80, v3, vm0, $0xb8;
	[tilespmem:$0x18200] =	vst v63  }
0x36e: {  	s23 =	simm.s32 $0x2A00  }
0x36f: {  	[tilespmem:s23], [sflag:$0x1] =	stream.indirect_vreg.gather [hbm4b:s5+s3], $0x80, v3, vm0, $0xb8;
	[tilespmem:$0x18200] =	vst v63  }
0x370: {  	s24 =	simm.s32 $0x3200  }
0x371: {  	[tilespmem:s24], [sflag:$0x1] =	stream.indirect_vreg.gather [hbm4b:s6+s3], $0x80, v3, vm0, $0xb8;
	[tilespmem:$0x18200] =	vst v63  }
0x372: {  	s25 =	simm.s32 $0x3A00  }
0x373: {  	[tilespmem:s25], [sflag:$0x1] =	stream.indirect_vreg.gather [hbm4b:s7+s3], $0x80, v3, vm0, $0xb8;
	[tilespmem:$0x18200] =	vst v63  }
0x374: {  	_ =	swait.ge [sflag:s29], $0x4000  }
0x375: {  	[sflag:s29] =	ssyncset.done $0x0  }
0x376: {  	s0 =	simm.s32 $0x4200;
	s30 =	rddreg [dreg:$0x1d];
	[sflag:s29] =	ssyncadd.s32 $0xFFFFC000  }
0x377: {  	[hbm4b:s30+s3] =	stream.linear.scatter [tilespmem:s0], [sflag:$0x8], $0x4000, $0x38;
	[tilespmem:$0x18200] =	vst v63  }
0x378: {  	_ =	swait.ge [sflag:s31], $0x4000  }
0x379: {  	[sflag:s31] =	ssyncset.done $0x0  }
0x37a: {  	[sflag:s31] =	ssyncadd.s32 $0xFFFFC000  }
0x37b: {  	v3 =	vld [tilespmem:$0x1F0];
	_ =	sdelay $0x4  }
0x37c: {  	v63 =	vshll.u32 v3, $0x3  }
0x37d: {  	v3 =	vand.u32 $0x7, v3;
	v4 =	vand.u32 $0xFFFFFFC0, v63  }
0x37e: {  	v3 =	vor.u32 v3, v4  }
0x37f: {  	v4 =	vperm.xlane v3, v0;
	_ =	sdelay $0x1  }
0x380: {  	v4 =	vadd.s32 v1, v4;
	_ =	sdelay $0x4  }
0x381: {  	[tilespmem:s0], [sflag:$0x2] =	stream.indirect_vreg.gather [hbm4b:s2+s3], $0x80, v4, vm0, $0xb8;
	[tilespmem:$0x18200] =	vst v63  }
0x382: {  	s23 =	simm.s32 $0x4A00;
	v3 =	vperm.xlane v3, v2  }
0x383: {  	[tilespmem:s23], [sflag:$0x2] =	stream.indirect_vreg.gather [hbm4b:s5+s3], $0x80, v4, vm0, $0xb8;
	[tilespmem:$0x18200] =	vst v63  }
0x384: {  	s24 =	simm.s32 $0x5200;
	v3 =	vadd.s32 v1, v3  }
0x385: {  	[tilespmem:s24], [sflag:$0x2] =	stream.indirect_vreg.gather [hbm4b:s6+s3], $0x80, v4, vm0, $0xb8;
	[tilespmem:$0x18200] =	vst v63  }
0x386: {  	s25 =	simm.s32 $0x5A00  }
0x387: {  	[tilespmem:s25], [sflag:$0x2] =	stream.indirect_vreg.gather [hbm4b:s7+s3], $0x80, v4, vm0, $0xb8;
	[tilespmem:$0x18200] =	vst v63  }
0x388: {  	s22 =	simm.s32 $0x6200  }
0x389: {  	[tilespmem:s22], [sflag:$0x2] =	stream.indirect_vreg.gather [hbm4b:s2+s3], $0x80, v3, vm0, $0xb8;
	[tilespmem:$0x18200] =	vst v63  }
0x38a: {  	s30 =	simm.s32 $0x6A00  }
0x38b: {  	[tilespmem:s30], [sflag:$0x2] =	stream.indirect_vreg.gather [hbm4b:s5+s3], $0x80, v3, vm0, $0xb8;
	[tilespmem:$0x18200] =	vst v63  }
0x38c: {  	s19 =	simm.s32 $0x7200  }
0x38d: {  	[tilespmem:s19], [sflag:$0x2] =	stream.indirect_vreg.gather [hbm4b:s6+s3], $0x80, v3, vm0, $0xb8;
	[tilespmem:$0x18200] =	vst v63  }
0x38e: {  	s22 =	simm.s32 $0x7A00  }
0x38f: {  	[tilespmem:s22], [sflag:$0x2] =	stream.indirect_vreg.gather [hbm4b:s7+s3], $0x80, v3, vm0, $0xb8;
	[tilespmem:$0x18200] =	vst v63  }
0x390: {  	_ =	swait.ge [sflag:s21], $0x4000  }
0x391: {  	[sflag:s21] =	ssyncset.done $0x0  }
0x392: {  	s20 =	simm.s32 $0x8200;
	s23 =	rddreg [dreg:$0x1e];
	[sflag:s21] =	ssyncadd.s32 $0xFFFFC000  }
0x393: {  	[hbm4b:s23+s3] =	stream.linear.scatter [tilespmem:s20], [sflag:$0x9], $0x4000, $0x38;
	[tilespmem:$0x18200] =	vst v63  }
0x394: {  	_ =	swait.ge [sflag:s12], $0x4000  }
0x395: {  	[sflag:s12] =	ssyncset.done $0x0  }
0x396: {  	s26 =	simm.s32 $0xC200;
	s24 =	rddreg [dreg:$0x1f];
	[sflag:s12] =	ssyncadd.s32 $0xFFFFC000  }
0x397: {  	[hbm4b:s24+s3] =	stream.linear.scatter [tilespmem:s26], [sflag:$0xA], $0x4000, $0x38;
	[tilespmem:$0x18200] =	vst v63  }
0x398: {  	_ =	swait.ge [sflag:s14], $0x4000  }
0x399: {  	s25 =	sld [smem:$0x7F8]  }
0x39a: {  	[sflag:s14] =	ssyncset.done $0x0  }
0x39b: {  	s28 =	simm.s32 $0x10200;
	[sflag:s14] =	ssyncadd.s32 $0xFFFFC000  }
0x39c: {  	[hbm4b:s25+s3] =	stream.linear.scatter [tilespmem:s28], [sflag:$0xB], $0x4000, $0x38;
	[tilespmem:$0x18200] =	vst v63  }
0x39d: {  	_ =	swait.ge [sflag:s16], $0x4000  }
0x39e: {  	s26 =	sld [smem:$0x7F9]  }
0x39f: {  	[sflag:s16] =	ssyncset.done $0x0  }
0x3a0: {  	s18 =	simm.s32 $0x14200;
	[sflag:s16] =	ssyncadd.s32 $0xFFFFC000  }
0x3a1: {  	[hbm4b:s26+s3] =	stream.linear.scatter [tilespmem:s18], [sflag:$0xC], $0x4000, $0x38;
	[tilespmem:$0x18200] =	vst v63  }
0x3a2: {  	_ =	swait.ge [sflag:s1], $0x4000  }
0x3a3: {  	s28 =	sld [smem:$0x7FA]  }
0x3a4: {  	[sflag:s1] =	ssyncset.done $0x0  }
0x3a5: {  	[sflag:s1] =	ssyncadd.s32 $0xFFFFC000  }
0x3a6: {  	[hbm4b:s28+s3] =	stream.linear.scatter [tilespmem:s8], [sflag:$0x7], $0x4000, $0x38;
	[tilespmem:$0x18200] =	vst v63  }
0x3a7: {  	_ =	swait.ge [sflag:s29], $0x4000  }
0x3a8: {  	s30 =	sld [smem:$0x7FC]  }
0x3a9: {  	[sflag:s29] =	ssyncset.done $0x0  }
0x3aa: {  	s9 =	simm.s32 $0x4200;
	[sflag:s29] =	ssyncadd.s32 $0xFFFFC000  }
0x3ab: {  	[hbm4b:s30+s3] =	stream.linear.scatter [tilespmem:s9], [sflag:$0x8], $0x4000, $0x38;
	[tilespmem:$0x18200] =	vst v63  }
0x3ac: {  	_ =	swait.ge [sflag:s11], $0x4000  }
0x3ad: {  	[sflag:s11] =	ssyncset.done $0x0  }
0x3ae: {  	[sflag:s11] =	ssyncadd.s32 $0xFFFFC000  }
0x3af: {  	_ =	swait.ge [sflag:s13], $0x4000  }
0x3b0: {  	[sflag:s13] =	ssyncset.done $0x0  }
0x3b1: {  	[sflag:s13] =	ssyncadd.s32 $0xFFFFC000  }
0x3b2: {  	_ =	swait.ge [sflag:s15], $0x4000  }
0x3b3: {  	[sflag:s15] =	ssyncset.done $0x0  }
0x3b4: {  	[sflag:s15] =	ssyncadd.s32 $0xFFFFC000  }
0x3b5: {  	_ =	swait.ge [sflag:s17], $0x4000  }
0x3b6: {  	[sflag:s17] =	ssyncset.done $0x0  }
0x3b7: {  	[sflag:s17] =	ssyncadd.s32 $0xFFFFC000  }
0x3b8: {  	p0 =	sne.s32 s4, $0x1;
	_ =	swait.ge [sflag:s10], $0x4000  }
.Ltmp0:
0x3b9: {  	[sflag:s10] =	ssyncset.done $0x0;
	(pc) =	sbr.rel @p0 .LBB2_1-.Ltmp0, $4  }
0x3ba: {  	[sflag:s10] =	ssyncadd.s32 $0xFFFFC000  }
0x3bb: {  	_ =	swait.ge [sflag:s31], $0x4000  }
0x3bc: {  	[sflag:s31] =	ssyncset.done $0x0  }
0x3bd: {  	s4 =	sadd.s32 $0xFFFFFFFF, s4;
	[sflag:s31] =	ssyncadd.s32 $0xFFFFC000  }
0x3be: {  	_ =	sfence.sel $0x180000  }
0x3bf: {  	[bflag:$0x0] =	sbarrier.arrive $0xFFFF  }
0x3c0: {  	_ =	strace $0x90000047  }
0x3c1: {  	s0 =	stileid.u32;
	[bflag:$0x2] =	sbarrier.arrive $0xFFFF  }
0x3c2: {  	p0 =	sne.s32 s0, $0x0;
	s0 =	rddreg [dreg:$0x3]  }
0x3c3: {  	s0 =	sadd.s32 @!p0 $0x100000, s0  }
0x3c4: {  	[sflag:s0] =	ssyncadd.tile.s32 @!p0 $0x1;
	_ =	shalt  }
.Lfunc_end2:
_tile_overlayer_lowered:
.L_overlay_start_2:
0x3c5: {  	(tag) =	ssettag $0x2  }
0x3c6: {  	s0 =	rddreg [dreg:$0x0];
	s2 =	stileid.u32  }
0x3c7: {  	s1 =	rddreg [dreg:$0x1];
	p0 =	sne.s32 s2, $0x0  }
0x3c8: {  	s3 =	rddreg [dreg:$0x2];
	[bflag:$0x3] =	sbarrier.arrive $0xFFFF;
	s2 =	simm.s32 @!p0 $0x1C0D  }
0x3c9: {  	[timem:s3], [sflag:s2] =	dma.local @!p0 [hbm:s0], s1  }
0x3ca: {  	s0 =	simm.s32 @!p0 $0xD  }
0x3cb: {  	_ =	swait.ge @!p0 [sflag:s0], s1  }
0x3cc: {  	s1 =	ssub.s32 @!p0 $0x0, s1;
	[sflag:s0] =	ssyncset.done @!p0 $0x0  }
0x3cd: {  	[sflag:s0] =	ssyncadd.s32 @!p0 s1  }
0x3ce: {  	[bflag:$0x3] =	sbarrier.arrive $0xFFFF  }
0x3cf: {  	_ =	shalt  }

</sc_bundles>
